<compile_context>
chip_gen: v7x
topology: tpu7x:2x2x1
jax: 0.10.2.dev20260603
libtpu: 0.0.44.dev20260713+nightly
codegen_flags: <defaults>
</compile_context>

<pallas_src>
import functools

import jax
import jax.numpy as jnp
from jax import lax
from jax.experimental import pallas as pl
from jax.experimental.pallas import tpu as pltpu
from jax.experimental.pallas import tpu_sc as plsc

BATCH = 16384
_INFO = plsc.get_sparse_core_info()
_NC, _NS, _L = _INFO.num_cores, _INFO.num_subcores, _INFO.num_lanes
_NW = _NC * _NS
_BPW = BATCH // _NW
_QTR = _BPW // 4


def _irt_body(stu_hbm, exer_hbm, theta_hbm, a_hbm, b_hbm, out_hbm,
              stu_v, exer_v, th_v, a_v, b_v, out_v,
              q0, q1, q2, q3, sem_o):
    sem_q = (q0, q1, q2, q3)
    wid = lax.axis_index("s") * _NC + lax.axis_index("c")
    base = wid * _BPW
    idx_copies = []
    for q, sem in enumerate(sem_q):
        qsl = pl.ds(q * _QTR, _QTR)
        hsl = pl.ds(base + q * _QTR, _QTR)
        idx_copies.append((
            pltpu.async_copy(stu_hbm.at[hsl], stu_v.at[0, qsl], sem),
            pltpu.async_copy(exer_hbm.at[hsl], exer_v.at[0, qsl], sem),
        ))
    gathers = []
    for q, sem in enumerate(sem_q):
        i1, i2 = idx_copies[q]
        i1.wait()
        i2.wait()
        qsl = pl.ds(q * _QTR, _QTR)
        gathers.append((
            pltpu.async_copy(a_hbm.at[exer_v.at[:, qsl]], a_v.at[:, qsl], sem),
            pltpu.async_copy(theta_hbm.at[stu_v.at[:, qsl]], th_v.at[:, qsl], sem),
            pltpu.async_copy(b_hbm.at[exer_v.at[:, qsl]], b_v.at[:, qsl], sem),
        ))
    outs = []
    for q, (ga, gth, gb) in enumerate(gathers):
        lo = q * _QTR
        ga.wait()
        for j in range(_QTR // _L):
            sl = pl.ds(lo + j * _L, _L)
            a_v[0, sl] = jnp.exp(-a_v[0, sl])
        gth.wait()
        gb.wait()
        for j in range(_QTR // _L):
            sl = pl.ds(lo + j * _L, _L)
            z = 3.4 * (th_v[0, sl] - b_v[0, sl]) / (1.0 + a_v[0, sl])
            th_v[0, sl] = jnp.exp(-z)
        for j in range(_QTR // _L):
            sl = pl.ds(lo + j * _L, _L)
            out_v[sl] = 1.0 / (1.0 + th_v[0, sl])
        outs.append(pltpu.async_copy(
            out_v.at[pl.ds(lo, _QTR)], out_hbm.at[pl.ds(base + lo, _QTR)], sem_o))
    for o in outs:
        o.wait()


_irt_sc = functools.partial(
    pl.kernel,
    mesh=plsc.VectorSubcoreMesh(core_axis_name="c", subcore_axis_name="s"),
    out_type=jax.ShapeDtypeStruct((BATCH,), jnp.float32),
    scratch_types=[
        pltpu.VMEM((1, _BPW), jnp.int32),
        pltpu.VMEM((1, _BPW), jnp.int32),
        pltpu.VMEM((1, _BPW), jnp.float32),
        pltpu.VMEM((1, _BPW), jnp.float32),
        pltpu.VMEM((1, _BPW), jnp.float32),
        pltpu.VMEM((_BPW,), jnp.float32),
        pltpu.SemaphoreType.DMA,
        pltpu.SemaphoreType.DMA,
        pltpu.SemaphoreType.DMA,
        pltpu.SemaphoreType.DMA,
        pltpu.SemaphoreType.DMA,
    ],
)(_irt_body)


def kernel(stu_id, exer_id, theta_w, a_w, b_w):
    return _irt_sc(
        stu_id.astype(jnp.int32),
        exer_id.astype(jnp.int32),
        theta_w.reshape(1, -1),
        a_w.reshape(1, -1),
        b_w.reshape(1, -1),
    )

# --- scband reference (transcript-rebuilt; emitter-appended) ---
"""Pipeline reference for scband-irtnet-12257836662786 (READ-ONLY COPY).

The authoritative reference and input builder live on the scoring server;
editing this copy changes nothing except your own understanding.
"""

import jax, jax.numpy as jnp
import numpy as np

STUDENT_N = 1000000
EXER_N = 100000
BATCH = 16384

def setup_inputs(seed: int = 0) -> dict:
    key = jax.random.key(seed)
    k1, k2, k3, k4, k5 = jax.random.split(key, 5)
    stu_id = jax.random.randint(k1, (BATCH,), 0, STUDENT_N, dtype=jnp.int64) if jax.config.jax_enable_x64 else jax.random.randint(k1, (BATCH,), 0, STUDENT_N, dtype=jnp.int32)
    exer_id = jax.random.randint(k2, (BATCH,), 0, EXER_N, dtype=jnp.int32)
    # xavier_normal for Embedding(num, 1): std = sqrt(2/(num+1))
    theta_w = jax.random.normal(k3, (STUDENT_N, 1), dtype=jnp.float32) * np.sqrt(2.0 / (STUDENT_N + 1))
    a_w = jax.random.normal(k4, (EXER_N, 1), dtype=jnp.float32) * np.sqrt(2.0 / (EXER_N + 1))
    b_w = jax.random.normal(k5, (EXER_N, 1), dtype=jnp.float32) * np.sqrt(2.0 / (EXER_N + 1))
    return {"stu_id": stu_id, "exer_id": exer_id, "theta_w": theta_w, "a_w": a_w, "b_w": b_w}

def reference(stu_id, exer_id, theta_w, a_w, b_w):
    theta = jnp.take(theta_w, stu_id, axis=0)           # [B, 1] gather
    a = jax.nn.sigmoid(jnp.take(a_w, exer_id, axis=0)) * 2.0  # [B, 1]
    b = jnp.take(b_w, exer_id, axis=0)                  # [B, 1]
    pred = jax.nn.sigmoid(1.7 * a * (theta - b))        # [B, 1]
    return pred.reshape(-1)

if __name__ == "__main__":
    import jax
    _d = setup_inputs()
    print(jax.jit(kernel)(*tuple(_d.values())))

</pallas_src>

<mosaic_0001>
#map = affine_map<(d0, d1) -> (0)>
#map1 = affine_map<(d0, d1) -> (0, 0)>
module attributes {stable_mosaic.version = 14 : i64} {
  func.func @_irt_body(%arg0: i32, %arg1: i32, %arg2: memref<16384xi32, #tpu.memory_space<hbm>>, %arg3: memref<16384xi32, #tpu.memory_space<hbm>>, %arg4: memref<1x1000000xf32, #tpu.memory_space<hbm>>, %arg5: memref<1x100000xf32, #tpu.memory_space<hbm>>, %arg6: memref<1x100000xf32, #tpu.memory_space<hbm>>, %arg7: memref<16384xf32, #tpu.memory_space<hbm>>, %arg8: memref<1x512xi32, #tpu.memory_space<vmem>>, %arg9: memref<1x512xi32, #tpu.memory_space<vmem>>, %arg10: memref<1x512xf32, #tpu.memory_space<vmem>>, %arg11: memref<1x512xf32, #tpu.memory_space<vmem>>, %arg12: memref<1x512xf32, #tpu.memory_space<vmem>>, %arg13: memref<512xf32, #tpu.memory_space<vmem>>, %arg14: memref<!tpu.dma_semaphore, #tpu.memory_space<semaphore_mem>>, %arg15: memref<!tpu.dma_semaphore, #tpu.memory_space<semaphore_mem>>, %arg16: memref<!tpu.dma_semaphore, #tpu.memory_space<semaphore_mem>>, %arg17: memref<!tpu.dma_semaphore, #tpu.memory_space<semaphore_mem>>, %arg18: memref<!tpu.dma_semaphore, #tpu.memory_space<semaphore_mem>>) attributes {dimension_semantics = [#tpu.dimension_semantics<core_parallel>, #tpu.dimension_semantics<subcore_parallel>], iteration_bounds = array<i64: 2, 16>, scalar_prefetch = 0 : i64, scratch_operands = 11 : i64, tpu.core_type = #tpu.core_type<sc_vector_subcore>, window_params = [{transform_indices = #map}, {transform_indices = #map}, {transform_indices = #map1}, {transform_indices = #map1}, {transform_indices = #map1}, {transform_indices = #map}]} {
    %mul3A = arith.constant 2 : i32
    %mul3A_0 = arith.muli %arg1, %mul3A : i32
    %add3A = arith.addi %mul3A_0, %arg0 : i32
    %mul3A_1 = arith.constant 512 : i32
    %mul3A_2 = arith.muli %add3A, %mul3A_1 : i32
    %add3A_3 = arith.constant 0 : i32
    %add3A_4 = arith.addi %mul3A_2, %add3A_3 : i32
    %dma_start3A = arith.constant 0 : i32
    %dma_start3A_5 = arith.constant 0 : i32
    %dma_start3A_6 = tpu.memref_slice %arg8[%dma_start3A, %dma_start3A_5] : memref<1x512xi32, #tpu.memory_space<vmem>> -> memref<1x128xi32, #tpu.memory_space<vmem>>
    %dma_start3A_7 = tpu.memref_squeeze %dma_start3A_6 : memref<1x128xi32, #tpu.memory_space<vmem>> -> memref<128xi32, #tpu.memory_space<vmem>>
    %dma_start3A_8 = tpu.memref_slice %arg2[%add3A_4] : memref<16384xi32, #tpu.memory_space<hbm>> -> memref<128xi32, #tpu.memory_space<hbm>>
    %dma_start3A_9 = arith.constant 0 : i32
    %dma_start3A_10 = tpu.memref_slice %arg8[%dma_start3A, %dma_start3A_9] : memref<1x512xi32, #tpu.memory_space<vmem>> -> memref<1x128xi32, #tpu.memory_space<vmem>>
    %dma_start3A_11 = tpu.memref_squeeze %dma_start3A_10 : memref<1x128xi32, #tpu.memory_space<vmem>> -> memref<128xi32, #tpu.memory_space<vmem>>
    %dma_start3A_12 = tpu.memref_slice %arg2[%add3A_4] : memref<16384xi32, #tpu.memory_space<hbm>> -> memref<128xi32, #tpu.memory_space<hbm>>
    tpu.enqueue_dma source(%dma_start3A_12 : memref<128xi32, #tpu.memory_space<hbm>>) target(%dma_start3A_11 : memref<128xi32, #tpu.memory_space<vmem>>) target_semaphore(%arg14 : memref<!tpu.dma_semaphore, #tpu.memory_space<semaphore_mem>>)
    %dma_start3A_13 = arith.constant 0 : i32
    %dma_start3A_14 = arith.constant 0 : i32
    %dma_start3A_15 = tpu.memref_slice %arg9[%dma_start3A_13, %dma_start3A_14] : memref<1x512xi32, #tpu.memory_space<vmem>> -> memref<1x128xi32, #tpu.memory_space<vmem>>
    %dma_start3A_16 = tpu.memref_squeeze %dma_start3A_15 : memref<1x128xi32, #tpu.memory_space<vmem>> -> memref<128xi32, #tpu.memory_space<vmem>>
    %dma_start3A_17 = tpu.memref_slice %arg3[%add3A_4] : memref<16384xi32, #tpu.memory_space<hbm>> -> memref<128xi32, #tpu.memory_space<hbm>>
    %dma_start3A_18 = arith.constant 0 : i32
    %dma_start3A_19 = tpu.memref_slice %arg9[%dma_start3A_13, %dma_start3A_18] : memref<1x512xi32, #tpu.memory_space<vmem>> -> memref<1x128xi32, #tpu.memory_space<vmem>>
    %dma_start3A_20 = tpu.memref_squeeze %dma_start3A_19 : memref<1x128xi32, #tpu.memory_space<vmem>> -> memref<128xi32, #tpu.memory_space<vmem>>
    %dma_start3A_21 = tpu.memref_slice %arg3[%add3A_4] : memref<16384xi32, #tpu.memory_space<hbm>> -> memref<128xi32, #tpu.memory_space<hbm>>
    tpu.enqueue_dma source(%dma_start3A_21 : memref<128xi32, #tpu.memory_space<hbm>>) target(%dma_start3A_20 : memref<128xi32, #tpu.memory_space<vmem>>) target_semaphore(%arg14 : memref<!tpu.dma_semaphore, #tpu.memory_space<semaphore_mem>>)
    %add3A_22 = arith.constant 128 : i32
    %add3A_23 = arith.addi %mul3A_2, %add3A_22 : i32
    %dma_start3A_24 = arith.constant 0 : i32
    %dma_start3A_25 = arith.constant 128 : i32
    %dma_start3A_26 = tpu.memref_slice %arg8[%dma_start3A_24, %dma_start3A_25] : memref<1x512xi32, #tpu.memory_space<vmem>> -> memref<1x128xi32, #tpu.memory_space<vmem>>
    %dma_start3A_27 = tpu.memref_squeeze %dma_start3A_26 : memref<1x128xi32, #tpu.memory_space<vmem>> -> memref<128xi32, #tpu.memory_space<vmem>>
    %dma_start3A_28 = tpu.memref_slice %arg2[%add3A_23] : memref<16384xi32, #tpu.memory_space<hbm>> -> memref<128xi32, #tpu.memory_space<hbm>>
    %dma_start3A_29 = arith.constant 128 : i32
    %dma_start3A_30 = tpu.memref_slice %arg8[%dma_start3A_24, %dma_start3A_29] : memref<1x512xi32, #tpu.memory_space<vmem>> -> memref<1x128xi32, #tpu.memory_space<vmem>>
    %dma_start3A_31 = tpu.memref_squeeze %dma_start3A_30 : memref<1x128xi32, #tpu.memory_space<vmem>> -> memref<128xi32, #tpu.memory_space<vmem>>
    %dma_start3A_32 = tpu.memref_slice %arg2[%add3A_23] : memref<16384xi32, #tpu.memory_space<hbm>> -> memref<128xi32, #tpu.memory_space<hbm>>
    tpu.enqueue_dma source(%dma_start3A_32 : memref<128xi32, #tpu.memory_space<hbm>>) target(%dma_start3A_31 : memref<128xi32, #tpu.memory_space<vmem>>) target_semaphore(%arg15 : memref<!tpu.dma_semaphore, #tpu.memory_space<semaphore_mem>>)
    %dma_start3A_33 = arith.constant 0 : i32
    %dma_start3A_34 = arith.constant 128 : i32
    %dma_start3A_35 = tpu.memref_slice %arg9[%dma_start3A_33, %dma_start3A_34] : memref<1x512xi32, #tpu.memory_space<vmem>> -> memref<1x128xi32, #tpu.memory_space<vmem>>
    %dma_start3A_36 = tpu.memref_squeeze %dma_start3A_35 : memref<1x128xi32, #tpu.memory_space<vmem>> -> memref<128xi32, #tpu.memory_space<vmem>>
    %dma_start3A_37 = tpu.memref_slice %arg3[%add3A_23] : memref<16384xi32, #tpu.memory_space<hbm>> -> memref<128xi32, #tpu.memory_space<hbm>>
    %dma_start3A_38 = arith.constant 128 : i32
    %dma_start3A_39 = tpu.memref_slice %arg9[%dma_start3A_33, %dma_start3A_38] : memref<1x512xi32, #tpu.memory_space<vmem>> -> memref<1x128xi32, #tpu.memory_space<vmem>>
    %dma_start3A_40 = tpu.memref_squeeze %dma_start3A_39 : memref<1x128xi32, #tpu.memory_space<vmem>> -> memref<128xi32, #tpu.memory_space<vmem>>
    %dma_start3A_41 = tpu.memref_slice %arg3[%add3A_23] : memref<16384xi32, #tpu.memory_space<hbm>> -> memref<128xi32, #tpu.memory_space<hbm>>
    tpu.enqueue_dma source(%dma_start3A_41 : memref<128xi32, #tpu.memory_space<hbm>>) target(%dma_start3A_40 : memref<128xi32, #tpu.memory_space<vmem>>) target_semaphore(%arg15 : memref<!tpu.dma_semaphore, #tpu.memory_space<semaphore_mem>>)
    %add3A_42 = arith.constant 256 : i32
    %add3A_43 = arith.addi %mul3A_2, %add3A_42 : i32
    %dma_start3A_44 = arith.constant 0 : i32
    %dma_start3A_45 = arith.constant 256 : i32
    %dma_start3A_46 = tpu.memref_slice %arg8[%dma_start3A_44, %dma_start3A_45] : memref<1x512xi32, #tpu.memory_space<vmem>> -> memref<1x128xi32, #tpu.memory_space<vmem>>
    %dma_start3A_47 = tpu.memref_squeeze %dma_start3A_46 : memref<1x128xi32, #tpu.memory_space<vmem>> -> memref<128xi32, #tpu.memory_space<vmem>>
    %dma_start3A_48 = tpu.memref_slice %arg2[%add3A_43] : memref<16384xi32, #tpu.memory_space<hbm>> -> memref<128xi32, #tpu.memory_space<hbm>>
    %dma_start3A_49 = arith.constant 256 : i32
    %dma_start3A_50 = tpu.memref_slice %arg8[%dma_start3A_44, %dma_start3A_49] : memref<1x512xi32, #tpu.memory_space<vmem>> -> memref<1x128xi32, #tpu.memory_space<vmem>>
    %dma_start3A_51 = tpu.memref_squeeze %dma_start3A_50 : memref<1x128xi32, #tpu.memory_space<vmem>> -> memref<128xi32, #tpu.memory_space<vmem>>
    %dma_start3A_52 = tpu.memref_slice %arg2[%add3A_43] : memref<16384xi32, #tpu.memory_space<hbm>> -> memref<128xi32, #tpu.memory_space<hbm>>
    tpu.enqueue_dma source(%dma_start3A_52 : memref<128xi32, #tpu.memory_space<hbm>>) target(%dma_start3A_51 : memref<128xi32, #tpu.memory_space<vmem>>) target_semaphore(%arg16 : memref<!tpu.dma_semaphore, #tpu.memory_space<semaphore_mem>>)
    %dma_start3A_53 = arith.constant 0 : i32
    %dma_start3A_54 = arith.constant 256 : i32
    %dma_start3A_55 = tpu.memref_slice %arg9[%dma_start3A_53, %dma_start3A_54] : memref<1x512xi32, #tpu.memory_space<vmem>> -> memref<1x128xi32, #tpu.memory_space<vmem>>
    %dma_start3A_56 = tpu.memref_squeeze %dma_start3A_55 : memref<1x128xi32, #tpu.memory_space<vmem>> -> memref<128xi32, #tpu.memory_space<vmem>>
    %dma_start3A_57 = tpu.memref_slice %arg3[%add3A_43] : memref<16384xi32, #tpu.memory_space<hbm>> -> memref<128xi32, #tpu.memory_space<hbm>>
    %dma_start3A_58 = arith.constant 256 : i32
    %dma_start3A_59 = tpu.memref_slice %arg9[%dma_start3A_53, %dma_start3A_58] : memref<1x512xi32, #tpu.memory_space<vmem>> -> memref<1x128xi32, #tpu.memory_space<vmem>>
    %dma_start3A_60 = tpu.memref_squeeze %dma_start3A_59 : memref<1x128xi32, #tpu.memory_space<vmem>> -> memref<128xi32, #tpu.memory_space<vmem>>
    %dma_start3A_61 = tpu.memref_slice %arg3[%add3A_43] : memref<16384xi32, #tpu.memory_space<hbm>> -> memref<128xi32, #tpu.memory_space<hbm>>
    tpu.enqueue_dma source(%dma_start3A_61 : memref<128xi32, #tpu.memory_space<hbm>>) target(%dma_start3A_60 : memref<128xi32, #tpu.memory_space<vmem>>) target_semaphore(%arg16 : memref<!tpu.dma_semaphore, #tpu.memory_space<semaphore_mem>>)
    %add3A_62 = arith.constant 384 : i32
    %add3A_63 = arith.addi %mul3A_2, %add3A_62 : i32
    %dma_start3A_64 = arith.constant 0 : i32
    %dma_start3A_65 = arith.constant 384 : i32
    %dma_start3A_66 = tpu.memref_slice %arg8[%dma_start3A_64, %dma_start3A_65] : memref<1x512xi32, #tpu.memory_space<vmem>> -> memref<1x128xi32, #tpu.memory_space<vmem>>
    %dma_start3A_67 = tpu.memref_squeeze %dma_start3A_66 : memref<1x128xi32, #tpu.memory_space<vmem>> -> memref<128xi32, #tpu.memory_space<vmem>>
    %dma_start3A_68 = tpu.memref_slice %arg2[%add3A_63] : memref<16384xi32, #tpu.memory_space<hbm>> -> memref<128xi32, #tpu.memory_space<hbm>>
    %dma_start3A_69 = arith.constant 384 : i32
    %dma_start3A_70 = tpu.memref_slice %arg8[%dma_start3A_64, %dma_start3A_69] : memref<1x512xi32, #tpu.memory_space<vmem>> -> memref<1x128xi32, #tpu.memory_space<vmem>>
    %dma_start3A_71 = tpu.memref_squeeze %dma_start3A_70 : memref<1x128xi32, #tpu.memory_space<vmem>> -> memref<128xi32, #tpu.memory_space<vmem>>
    %dma_start3A_72 = tpu.memref_slice %arg2[%add3A_63] : memref<16384xi32, #tpu.memory_space<hbm>> -> memref<128xi32, #tpu.memory_space<hbm>>
    tpu.enqueue_dma source(%dma_start3A_72 : memref<128xi32, #tpu.memory_space<hbm>>) target(%dma_start3A_71 : memref<128xi32, #tpu.memory_space<vmem>>) target_semaphore(%arg17 : memref<!tpu.dma_semaphore, #tpu.memory_space<semaphore_mem>>)
    %dma_start3A_73 = arith.constant 0 : i32
    %dma_start3A_74 = arith.constant 384 : i32
    %dma_start3A_75 = tpu.memref_slice %arg9[%dma_start3A_73, %dma_start3A_74] : memref<1x512xi32, #tpu.memory_space<vmem>> -> memref<1x128xi32, #tpu.memory_space<vmem>>
    %dma_start3A_76 = tpu.memref_squeeze %dma_start3A_75 : memref<1x128xi32, #tpu.memory_space<vmem>> -> memref<128xi32, #tpu.memory_space<vmem>>
    %dma_start3A_77 = tpu.memref_slice %arg3[%add3A_63] : memref<16384xi32, #tpu.memory_space<hbm>> -> memref<128xi32, #tpu.memory_space<hbm>>
    %dma_start3A_78 = arith.constant 384 : i32
    %dma_start3A_79 = tpu.memref_slice %arg9[%dma_start3A_73, %dma_start3A_78] : memref<1x512xi32, #tpu.memory_space<vmem>> -> memref<1x128xi32, #tpu.memory_space<vmem>>
    %dma_start3A_80 = tpu.memref_squeeze %dma_start3A_79 : memref<1x128xi32, #tpu.memory_space<vmem>> -> memref<128xi32, #tpu.memory_space<vmem>>
    %dma_start3A_81 = tpu.memref_slice %arg3[%add3A_63] : memref<16384xi32, #tpu.memory_space<hbm>> -> memref<128xi32, #tpu.memory_space<hbm>>
    tpu.enqueue_dma source(%dma_start3A_81 : memref<128xi32, #tpu.memory_space<hbm>>) target(%dma_start3A_80 : memref<128xi32, #tpu.memory_space<vmem>>) target_semaphore(%arg17 : memref<!tpu.dma_semaphore, #tpu.memory_space<semaphore_mem>>)
    %dma_wait3A = arith.constant 0 : i32
    %dma_wait3A_82 = arith.constant 0 : i32
    %dma_wait3A_83 = tpu.memref_slice %arg8[%dma_wait3A, %dma_wait3A_82] : memref<1x512xi32, #tpu.memory_space<vmem>> -> memref<1x128xi32, #tpu.memory_space<vmem>>
    %dma_wait3A_84 = tpu.memref_squeeze %dma_wait3A_83 : memref<1x128xi32, #tpu.memory_space<vmem>> -> memref<128xi32, #tpu.memory_space<vmem>>
    %dma_wait3A_85 = tpu.memref_slice %arg2[%add3A_4] : memref<16384xi32, #tpu.memory_space<hbm>> -> memref<128xi32, #tpu.memory_space<hbm>>
    %dma_wait3A_86 = arith.constant 0 : i32
    %dma_wait3A_87 = tpu.memref_slice %arg8[%dma_wait3A, %dma_wait3A_86] : memref<1x512xi32, #tpu.memory_space<vmem>> -> memref<1x128xi32, #tpu.memory_space<vmem>>
    %dma_wait3A_88 = tpu.memref_squeeze %dma_wait3A_87 : memref<1x128xi32, #tpu.memory_space<vmem>> -> memref<128xi32, #tpu.memory_space<vmem>>
    %dma_wait3A_89 = tpu.memref_slice %arg2[%add3A_4] : memref<16384xi32, #tpu.memory_space<hbm>> -> memref<128xi32, #tpu.memory_space<hbm>>
    tpu.wait_dma2 semaphore(%arg14 : memref<!tpu.dma_semaphore, #tpu.memory_space<semaphore_mem>>) src(%dma_wait3A_89 : memref<128xi32, #tpu.memory_space<hbm>>) dst(%dma_wait3A_88 : memref<128xi32, #tpu.memory_space<vmem>>)
    %dma_wait3A_90 = arith.constant 0 : i32
    %dma_wait3A_91 = arith.constant 0 : i32
    %dma_wait3A_92 = tpu.memref_slice %arg9[%dma_wait3A_90, %dma_wait3A_91] : memref<1x512xi32, #tpu.memory_space<vmem>> -> memref<1x128xi32, #tpu.memory_space<vmem>>
    %dma_wait3A_93 = tpu.memref_squeeze %dma_wait3A_92 : memref<1x128xi32, #tpu.memory_space<vmem>> -> memref<128xi32, #tpu.memory_space<vmem>>
    %dma_wait3A_94 = tpu.memref_slice %arg3[%add3A_4] : memref<16384xi32, #tpu.memory_space<hbm>> -> memref<128xi32, #tpu.memory_space<hbm>>
    %dma_wait3A_95 = arith.constant 0 : i32
    %dma_wait3A_96 = tpu.memref_slice %arg9[%dma_wait3A_90, %dma_wait3A_95] : memref<1x512xi32, #tpu.memory_space<vmem>> -> memref<1x128xi32, #tpu.memory_space<vmem>>
    %dma_wait3A_97 = tpu.memref_squeeze %dma_wait3A_96 : memref<1x128xi32, #tpu.memory_space<vmem>> -> memref<128xi32, #tpu.memory_space<vmem>>
    %dma_wait3A_98 = tpu.memref_slice %arg3[%add3A_4] : memref<16384xi32, #tpu.memory_space<hbm>> -> memref<128xi32, #tpu.memory_space<hbm>>
    tpu.wait_dma2 semaphore(%arg14 : memref<!tpu.dma_semaphore, #tpu.memory_space<semaphore_mem>>) src(%dma_wait3A_98 : memref<128xi32, #tpu.memory_space<hbm>>) dst(%dma_wait3A_97 : memref<128xi32, #tpu.memory_space<vmem>>)
    %dma_start3A_99 = arith.constant 0 : i32
    %dma_start3A_100 = arith.constant 0 : i32
    %dma_start3A_101 = tpu.memref_slice %arg11[%dma_start3A_99, %dma_start3A_100] : memref<1x512xf32, #tpu.memory_space<vmem>> -> memref<1x128xf32, #tpu.memory_space<vmem>>
    %dma_start3A_102 = arith.constant 0 : i32
    %dma_start3A_103 = arith.constant 0 : i32
    %dma_start3A_104 = tpu.memref_slice %arg9[%dma_start3A_102, %dma_start3A_103] : memref<1x512xi32, #tpu.memory_space<vmem>> -> memref<1x128xi32, #tpu.memory_space<vmem>>
    %dma_start3A_105 = arith.constant 0 : i32
    %dma_start3A_106 = arith.constant 0 : i32
    %dma_start3A_107 = tpu.memref_slice %arg5[%dma_start3A_105, %dma_start3A_106] : memref<1x100000xf32, #tpu.memory_space<hbm>> -> memref<1x100000xf32, #tpu.memory_space<hbm>>
    tpu.enqueue_indirect_dma source(%dma_start3A_107 : memref<1x100000xf32, #tpu.memory_space<hbm>>) target(%dma_start3A_101 : memref<1x128xf32, #tpu.memory_space<vmem>>) offsets(%dma_start3A_104 : memref<1x128xi32, #tpu.memory_space<vmem>>) semaphore(%arg14 : memref<!tpu.dma_semaphore, #tpu.memory_space<semaphore_mem>>)
    %dma_start3A_108 = arith.constant 0 : i32
    %dma_start3A_109 = arith.constant 0 : i32
    %dma_start3A_110 = tpu.memref_slice %arg10[%dma_start3A_108, %dma_start3A_109] : memref<1x512xf32, #tpu.memory_space<vmem>> -> memref<1x128xf32, #tpu.memory_space<vmem>>
    %dma_start3A_111 = arith.constant 0 : i32
    %dma_start3A_112 = arith.constant 0 : i32
    %dma_start3A_113 = tpu.memref_slice %arg8[%dma_start3A_111, %dma_start3A_112] : memref<1x512xi32, #tpu.memory_space<vmem>> -> memref<1x128xi32, #tpu.memory_space<vmem>>
    %dma_start3A_114 = arith.constant 0 : i32
    %dma_start3A_115 = arith.constant 0 : i32
    %dma_start3A_116 = tpu.memref_slice %arg4[%dma_start3A_114, %dma_start3A_115] : memref<1x1000000xf32, #tpu.memory_space<hbm>> -> memref<1x1000000xf32, #tpu.memory_space<hbm>>
    tpu.enqueue_indirect_dma source(%dma_start3A_116 : memref<1x1000000xf32, #tpu.memory_space<hbm>>) target(%dma_start3A_110 : memref<1x128xf32, #tpu.memory_space<vmem>>) offsets(%dma_start3A_113 : memref<1x128xi32, #tpu.memory_space<vmem>>) semaphore(%arg14 : memref<!tpu.dma_semaphore, #tpu.memory_space<semaphore_mem>>)
    %dma_start3A_117 = arith.constant 0 : i32
    %dma_start3A_118 = arith.constant 0 : i32
    %dma_start3A_119 = tpu.memref_slice %arg12[%dma_start3A_117, %dma_start3A_118] : memref<1x512xf32, #tpu.memory_space<vmem>> -> memref<1x128xf32, #tpu.memory_space<vmem>>
    %dma_start3A_120 = arith.constant 0 : i32
    %dma_start3A_121 = arith.constant 0 : i32
    %dma_start3A_122 = tpu.memref_slice %arg9[%dma_start3A_120, %dma_start3A_121] : memref<1x512xi32, #tpu.memory_space<vmem>> -> memref<1x128xi32, #tpu.memory_space<vmem>>
    %dma_start3A_123 = arith.constant 0 : i32
    %dma_start3A_124 = arith.constant 0 : i32
    %dma_start3A_125 = tpu.memref_slice %arg6[%dma_start3A_123, %dma_start3A_124] : memref<1x100000xf32, #tpu.memory_space<hbm>> -> memref<1x100000xf32, #tpu.memory_space<hbm>>
    tpu.enqueue_indirect_dma source(%dma_start3A_125 : memref<1x100000xf32, #tpu.memory_space<hbm>>) target(%dma_start3A_119 : memref<1x128xf32, #tpu.memory_space<vmem>>) offsets(%dma_start3A_122 : memref<1x128xi32, #tpu.memory_space<vmem>>) semaphore(%arg14 : memref<!tpu.dma_semaphore, #tpu.memory_space<semaphore_mem>>)
    %dma_wait3A_126 = arith.constant 0 : i32
    %dma_wait3A_127 = arith.constant 128 : i32
    %dma_wait3A_128 = tpu.memref_slice %arg8[%dma_wait3A_126, %dma_wait3A_127] : memref<1x512xi32, #tpu.memory_space<vmem>> -> memref<1x128xi32, #tpu.memory_space<vmem>>
    %dma_wait3A_129 = tpu.memref_squeeze %dma_wait3A_128 : memref<1x128xi32, #tpu.memory_space<vmem>> -> memref<128xi32, #tpu.memory_space<vmem>>
    %dma_wait3A_130 = tpu.memref_slice %arg2[%add3A_23] : memref<16384xi32, #tpu.memory_space<hbm>> -> memref<128xi32, #tpu.memory_space<hbm>>
    %dma_wait3A_131 = arith.constant 128 : i32
    %dma_wait3A_132 = tpu.memref_slice %arg8[%dma_wait3A_126, %dma_wait3A_131] : memref<1x512xi32, #tpu.memory_space<vmem>> -> memref<1x128xi32, #tpu.memory_space<vmem>>
    %dma_wait3A_133 = tpu.memref_squeeze %dma_wait3A_132 : memref<1x128xi32, #tpu.memory_space<vmem>> -> memref<128xi32, #tpu.memory_space<vmem>>
    %dma_wait3A_134 = tpu.memref_slice %arg2[%add3A_23] : memref<16384xi32, #tpu.memory_space<hbm>> -> memref<128xi32, #tpu.memory_space<hbm>>
    tpu.wait_dma2 semaphore(%arg15 : memref<!tpu.dma_semaphore, #tpu.memory_space<semaphore_mem>>) src(%dma_wait3A_134 : memref<128xi32, #tpu.memory_space<hbm>>) dst(%dma_wait3A_133 : memref<128xi32, #tpu.memory_space<vmem>>)
    %dma_wait3A_135 = arith.constant 0 : i32
    %dma_wait3A_136 = arith.constant 128 : i32
    %dma_wait3A_137 = tpu.memref_slice %arg9[%dma_wait3A_135, %dma_wait3A_136] : memref<1x512xi32, #tpu.memory_space<vmem>> -> memref<1x128xi32, #tpu.memory_space<vmem>>
    %dma_wait3A_138 = tpu.memref_squeeze %dma_wait3A_137 : memref<1x128xi32, #tpu.memory_space<vmem>> -> memref<128xi32, #tpu.memory_space<vmem>>
    %dma_wait3A_139 = tpu.memref_slice %arg3[%add3A_23] : memref<16384xi32, #tpu.memory_space<hbm>> -> memref<128xi32, #tpu.memory_space<hbm>>
    %dma_wait3A_140 = arith.constant 128 : i32
    %dma_wait3A_141 = tpu.memref_slice %arg9[%dma_wait3A_135, %dma_wait3A_140] : memref<1x512xi32, #tpu.memory_space<vmem>> -> memref<1x128xi32, #tpu.memory_space<vmem>>
    %dma_wait3A_142 = tpu.memref_squeeze %dma_wait3A_141 : memref<1x128xi32, #tpu.memory_space<vmem>> -> memref<128xi32, #tpu.memory_space<vmem>>
    %dma_wait3A_143 = tpu.memref_slice %arg3[%add3A_23] : memref<16384xi32, #tpu.memory_space<hbm>> -> memref<128xi32, #tpu.memory_space<hbm>>
    tpu.wait_dma2 semaphore(%arg15 : memref<!tpu.dma_semaphore, #tpu.memory_space<semaphore_mem>>) src(%dma_wait3A_143 : memref<128xi32, #tpu.memory_space<hbm>>) dst(%dma_wait3A_142 : memref<128xi32, #tpu.memory_space<vmem>>)
    %dma_start3A_144 = arith.constant 0 : i32
    %dma_start3A_145 = arith.constant 128 : i32
    %dma_start3A_146 = tpu.memref_slice %arg11[%dma_start3A_144, %dma_start3A_145] : memref<1x512xf32, #tpu.memory_space<vmem>> -> memref<1x128xf32, #tpu.memory_space<vmem>>
    %dma_start3A_147 = arith.constant 0 : i32
    %dma_start3A_148 = arith.constant 128 : i32
    %dma_start3A_149 = tpu.memref_slice %arg9[%dma_start3A_147, %dma_start3A_148] : memref<1x512xi32, #tpu.memory_space<vmem>> -> memref<1x128xi32, #tpu.memory_space<vmem>>
    %dma_start3A_150 = arith.constant 0 : i32
    %dma_start3A_151 = arith.constant 0 : i32
    %dma_start3A_152 = tpu.memref_slice %arg5[%dma_start3A_150, %dma_start3A_151] : memref<1x100000xf32, #tpu.memory_space<hbm>> -> memref<1x100000xf32, #tpu.memory_space<hbm>>
    tpu.enqueue_indirect_dma source(%dma_start3A_152 : memref<1x100000xf32, #tpu.memory_space<hbm>>) target(%dma_start3A_146 : memref<1x128xf32, #tpu.memory_space<vmem>>) offsets(%dma_start3A_149 : memref<1x128xi32, #tpu.memory_space<vmem>>) semaphore(%arg15 : memref<!tpu.dma_semaphore, #tpu.memory_space<semaphore_mem>>)
    %dma_start3A_153 = arith.constant 0 : i32
    %dma_start3A_154 = arith.constant 128 : i32
    %dma_start3A_155 = tpu.memref_slice %arg10[%dma_start3A_153, %dma_start3A_154] : memref<1x512xf32, #tpu.memory_space<vmem>> -> memref<1x128xf32, #tpu.memory_space<vmem>>
    %dma_start3A_156 = arith.constant 0 : i32
    %dma_start3A_157 = arith.constant 128 : i32
    %dma_start3A_158 = tpu.memref_slice %arg8[%dma_start3A_156, %dma_start3A_157] : memref<1x512xi32, #tpu.memory_space<vmem>> -> memref<1x128xi32, #tpu.memory_space<vmem>>
    %dma_start3A_159 = arith.constant 0 : i32
    %dma_start3A_160 = arith.constant 0 : i32
    %dma_start3A_161 = tpu.memref_slice %arg4[%dma_start3A_159, %dma_start3A_160] : memref<1x1000000xf32, #tpu.memory_space<hbm>> -> memref<1x1000000xf32, #tpu.memory_space<hbm>>
    tpu.enqueue_indirect_dma source(%dma_start3A_161 : memref<1x1000000xf32, #tpu.memory_space<hbm>>) target(%dma_start3A_155 : memref<1x128xf32, #tpu.memory_space<vmem>>) offsets(%dma_start3A_158 : memref<1x128xi32, #tpu.memory_space<vmem>>) semaphore(%arg15 : memref<!tpu.dma_semaphore, #tpu.memory_space<semaphore_mem>>)
    %dma_start3A_162 = arith.constant 0 : i32
    %dma_start3A_163 = arith.constant 128 : i32
    %dma_start3A_164 = tpu.memref_slice %arg12[%dma_start3A_162, %dma_start3A_163] : memref<1x512xf32, #tpu.memory_space<vmem>> -> memref<1x128xf32, #tpu.memory_space<vmem>>
    %dma_start3A_165 = arith.constant 0 : i32
    %dma_start3A_166 = arith.constant 128 : i32
    %dma_start3A_167 = tpu.memref_slice %arg9[%dma_start3A_165, %dma_start3A_166] : memref<1x512xi32, #tpu.memory_space<vmem>> -> memref<1x128xi32, #tpu.memory_space<vmem>>
    %dma_start3A_168 = arith.constant 0 : i32
    %dma_start3A_169 = arith.constant 0 : i32
    %dma_start3A_170 = tpu.memref_slice %arg6[%dma_start3A_168, %dma_start3A_169] : memref<1x100000xf32, #tpu.memory_space<hbm>> -> memref<1x100000xf32, #tpu.memory_space<hbm>>
    tpu.enqueue_indirect_dma source(%dma_start3A_170 : memref<1x100000xf32, #tpu.memory_space<hbm>>) target(%dma_start3A_164 : memref<1x128xf32, #tpu.memory_space<vmem>>) offsets(%dma_start3A_167 : memref<1x128xi32, #tpu.memory_space<vmem>>) semaphore(%arg15 : memref<!tpu.dma_semaphore, #tpu.memory_space<semaphore_mem>>)
    %dma_wait3A_171 = arith.constant 0 : i32
    %dma_wait3A_172 = arith.constant 256 : i32
    %dma_wait3A_173 = tpu.memref_slice %arg8[%dma_wait3A_171, %dma_wait3A_172] : memref<1x512xi32, #tpu.memory_space<vmem>> -> memref<1x128xi32, #tpu.memory_space<vmem>>
    %dma_wait3A_174 = tpu.memref_squeeze %dma_wait3A_173 : memref<1x128xi32, #tpu.memory_space<vmem>> -> memref<128xi32, #tpu.memory_space<vmem>>
    %dma_wait3A_175 = tpu.memref_slice %arg2[%add3A_43] : memref<16384xi32, #tpu.memory_space<hbm>> -> memref<128xi32, #tpu.memory_space<hbm>>
    %dma_wait3A_176 = arith.constant 256 : i32
    %dma_wait3A_177 = tpu.memref_slice %arg8[%dma_wait3A_171, %dma_wait3A_176] : memref<1x512xi32, #tpu.memory_space<vmem>> -> memref<1x128xi32, #tpu.memory_space<vmem>>
    %dma_wait3A_178 = tpu.memref_squeeze %dma_wait3A_177 : memref<1x128xi32, #tpu.memory_space<vmem>> -> memref<128xi32, #tpu.memory_space<vmem>>
    %dma_wait3A_179 = tpu.memref_slice %arg2[%add3A_43] : memref<16384xi32, #tpu.memory_space<hbm>> -> memref<128xi32, #tpu.memory_space<hbm>>
    tpu.wait_dma2 semaphore(%arg16 : memref<!tpu.dma_semaphore, #tpu.memory_space<semaphore_mem>>) src(%dma_wait3A_179 : memref<128xi32, #tpu.memory_space<hbm>>) dst(%dma_wait3A_178 : memref<128xi32, #tpu.memory_space<vmem>>)
    %dma_wait3A_180 = arith.constant 0 : i32
    %dma_wait3A_181 = arith.constant 256 : i32
    %dma_wait3A_182 = tpu.memref_slice %arg9[%dma_wait3A_180, %dma_wait3A_181] : memref<1x512xi32, #tpu.memory_space<vmem>> -> memref<1x128xi32, #tpu.memory_space<vmem>>
    %dma_wait3A_183 = tpu.memref_squeeze %dma_wait3A_182 : memref<1x128xi32, #tpu.memory_space<vmem>> -> memref<128xi32, #tpu.memory_space<vmem>>
    %dma_wait3A_184 = tpu.memref_slice %arg3[%add3A_43] : memref<16384xi32, #tpu.memory_space<hbm>> -> memref<128xi32, #tpu.memory_space<hbm>>
    %dma_wait3A_185 = arith.constant 256 : i32
    %dma_wait3A_186 = tpu.memref_slice %arg9[%dma_wait3A_180, %dma_wait3A_185] : memref<1x512xi32, #tpu.memory_space<vmem>> -> memref<1x128xi32, #tpu.memory_space<vmem>>
    %dma_wait3A_187 = tpu.memref_squeeze %dma_wait3A_186 : memref<1x128xi32, #tpu.memory_space<vmem>> -> memref<128xi32, #tpu.memory_space<vmem>>
    %dma_wait3A_188 = tpu.memref_slice %arg3[%add3A_43] : memref<16384xi32, #tpu.memory_space<hbm>> -> memref<128xi32, #tpu.memory_space<hbm>>
    tpu.wait_dma2 semaphore(%arg16 : memref<!tpu.dma_semaphore, #tpu.memory_space<semaphore_mem>>) src(%dma_wait3A_188 : memref<128xi32, #tpu.memory_space<hbm>>) dst(%dma_wait3A_187 : memref<128xi32, #tpu.memory_space<vmem>>)
    %dma_start3A_189 = arith.constant 0 : i32
    %dma_start3A_190 = arith.constant 256 : i32
    %dma_start3A_191 = tpu.memref_slice %arg11[%dma_start3A_189, %dma_start3A_190] : memref<1x512xf32, #tpu.memory_space<vmem>> -> memref<1x128xf32, #tpu.memory_space<vmem>>
    %dma_start3A_192 = arith.constant 0 : i32
    %dma_start3A_193 = arith.constant 256 : i32
    %dma_start3A_194 = tpu.memref_slice %arg9[%dma_start3A_192, %dma_start3A_193] : memref<1x512xi32, #tpu.memory_space<vmem>> -> memref<1x128xi32, #tpu.memory_space<vmem>>
    %dma_start3A_195 = arith.constant 0 : i32
    %dma_start3A_196 = arith.constant 0 : i32
    %dma_start3A_197 = tpu.memref_slice %arg5[%dma_start3A_195, %dma_start3A_196] : memref<1x100000xf32, #tpu.memory_space<hbm>> -> memref<1x100000xf32, #tpu.memory_space<hbm>>
    tpu.enqueue_indirect_dma source(%dma_start3A_197 : memref<1x100000xf32, #tpu.memory_space<hbm>>) target(%dma_start3A_191 : memref<1x128xf32, #tpu.memory_space<vmem>>) offsets(%dma_start3A_194 : memref<1x128xi32, #tpu.memory_space<vmem>>) semaphore(%arg16 : memref<!tpu.dma_semaphore, #tpu.memory_space<semaphore_mem>>)
    %dma_start3A_198 = arith.constant 0 : i32
    %dma_start3A_199 = arith.constant 256 : i32
    %dma_start3A_200 = tpu.memref_slice %arg10[%dma_start3A_198, %dma_start3A_199] : memref<1x512xf32, #tpu.memory_space<vmem>> -> memref<1x128xf32, #tpu.memory_space<vmem>>
    %dma_start3A_201 = arith.constant 0 : i32
    %dma_start3A_202 = arith.constant 256 : i32
    %dma_start3A_203 = tpu.memref_slice %arg8[%dma_start3A_201, %dma_start3A_202] : memref<1x512xi32, #tpu.memory_space<vmem>> -> memref<1x128xi32, #tpu.memory_space<vmem>>
    %dma_start3A_204 = arith.constant 0 : i32
    %dma_start3A_205 = arith.constant 0 : i32
    %dma_start3A_206 = tpu.memref_slice %arg4[%dma_start3A_204, %dma_start3A_205] : memref<1x1000000xf32, #tpu.memory_space<hbm>> -> memref<1x1000000xf32, #tpu.memory_space<hbm>>
    tpu.enqueue_indirect_dma source(%dma_start3A_206 : memref<1x1000000xf32, #tpu.memory_space<hbm>>) target(%dma_start3A_200 : memref<1x128xf32, #tpu.memory_space<vmem>>) offsets(%dma_start3A_203 : memref<1x128xi32, #tpu.memory_space<vmem>>) semaphore(%arg16 : memref<!tpu.dma_semaphore, #tpu.memory_space<semaphore_mem>>)
    %dma_start3A_207 = arith.constant 0 : i32
    %dma_start3A_208 = arith.constant 256 : i32
    %dma_start3A_209 = tpu.memref_slice %arg12[%dma_start3A_207, %dma_start3A_208] : memref<1x512xf32, #tpu.memory_space<vmem>> -> memref<1x128xf32, #tpu.memory_space<vmem>>
    %dma_start3A_210 = arith.constant 0 : i32
    %dma_start3A_211 = arith.constant 256 : i32
    %dma_start3A_212 = tpu.memref_slice %arg9[%dma_start3A_210, %dma_start3A_211] : memref<1x512xi32, #tpu.memory_space<vmem>> -> memref<1x128xi32, #tpu.memory_space<vmem>>
    %dma_start3A_213 = arith.constant 0 : i32
    %dma_start3A_214 = arith.constant 0 : i32
    %dma_start3A_215 = tpu.memref_slice %arg6[%dma_start3A_213, %dma_start3A_214] : memref<1x100000xf32, #tpu.memory_space<hbm>> -> memref<1x100000xf32, #tpu.memory_space<hbm>>
    tpu.enqueue_indirect_dma source(%dma_start3A_215 : memref<1x100000xf32, #tpu.memory_space<hbm>>) target(%dma_start3A_209 : memref<1x128xf32, #tpu.memory_space<vmem>>) offsets(%dma_start3A_212 : memref<1x128xi32, #tpu.memory_space<vmem>>) semaphore(%arg16 : memref<!tpu.dma_semaphore, #tpu.memory_space<semaphore_mem>>)
    %dma_wait3A_216 = arith.constant 0 : i32
    %dma_wait3A_217 = arith.constant 384 : i32
    %dma_wait3A_218 = tpu.memref_slice %arg8[%dma_wait3A_216, %dma_wait3A_217] : memref<1x512xi32, #tpu.memory_space<vmem>> -> memref<1x128xi32, #tpu.memory_space<vmem>>
    %dma_wait3A_219 = tpu.memref_squeeze %dma_wait3A_218 : memref<1x128xi32, #tpu.memory_space<vmem>> -> memref<128xi32, #tpu.memory_space<vmem>>
    %dma_wait3A_220 = tpu.memref_slice %arg2[%add3A_63] : memref<16384xi32, #tpu.memory_space<hbm>> -> memref<128xi32, #tpu.memory_space<hbm>>
    %dma_wait3A_221 = arith.constant 384 : i32
    %dma_wait3A_222 = tpu.memref_slice %arg8[%dma_wait3A_216, %dma_wait3A_221] : memref<1x512xi32, #tpu.memory_space<vmem>> -> memref<1x128xi32, #tpu.memory_space<vmem>>
    %dma_wait3A_223 = tpu.memref_squeeze %dma_wait3A_222 : memref<1x128xi32, #tpu.memory_space<vmem>> -> memref<128xi32, #tpu.memory_space<vmem>>
    %dma_wait3A_224 = tpu.memref_slice %arg2[%add3A_63] : memref<16384xi32, #tpu.memory_space<hbm>> -> memref<128xi32, #tpu.memory_space<hbm>>
    tpu.wait_dma2 semaphore(%arg17 : memref<!tpu.dma_semaphore, #tpu.memory_space<semaphore_mem>>) src(%dma_wait3A_224 : memref<128xi32, #tpu.memory_space<hbm>>) dst(%dma_wait3A_223 : memref<128xi32, #tpu.memory_space<vmem>>)
    %dma_wait3A_225 = arith.constant 0 : i32
    %dma_wait3A_226 = arith.constant 384 : i32
    %dma_wait3A_227 = tpu.memref_slice %arg9[%dma_wait3A_225, %dma_wait3A_226] : memref<1x512xi32, #tpu.memory_space<vmem>> -> memref<1x128xi32, #tpu.memory_space<vmem>>
    %dma_wait3A_228 = tpu.memref_squeeze %dma_wait3A_227 : memref<1x128xi32, #tpu.memory_space<vmem>> -> memref<128xi32, #tpu.memory_space<vmem>>
    %dma_wait3A_229 = tpu.memref_slice %arg3[%add3A_63] : memref<16384xi32, #tpu.memory_space<hbm>> -> memref<128xi32, #tpu.memory_space<hbm>>
    %dma_wait3A_230 = arith.constant 384 : i32
    %dma_wait3A_231 = tpu.memref_slice %arg9[%dma_wait3A_225, %dma_wait3A_230] : memref<1x512xi32, #tpu.memory_space<vmem>> -> memref<1x128xi32, #tpu.memory_space<vmem>>
    %dma_wait3A_232 = tpu.memref_squeeze %dma_wait3A_231 : memref<1x128xi32, #tpu.memory_space<vmem>> -> memref<128xi32, #tpu.memory_space<vmem>>
    %dma_wait3A_233 = tpu.memref_slice %arg3[%add3A_63] : memref<16384xi32, #tpu.memory_space<hbm>> -> memref<128xi32, #tpu.memory_space<hbm>>
    tpu.wait_dma2 semaphore(%arg17 : memref<!tpu.dma_semaphore, #tpu.memory_space<semaphore_mem>>) src(%dma_wait3A_233 : memref<128xi32, #tpu.memory_space<hbm>>) dst(%dma_wait3A_232 : memref<128xi32, #tpu.memory_space<vmem>>)
    %dma_start3A_234 = arith.constant 0 : i32
    %dma_start3A_235 = arith.constant 384 : i32
    %dma_start3A_236 = tpu.memref_slice %arg11[%dma_start3A_234, %dma_start3A_235] : memref<1x512xf32, #tpu.memory_space<vmem>> -> memref<1x128xf32, #tpu.memory_space<vmem>>
    %dma_start3A_237 = arith.constant 0 : i32
    %dma_start3A_238 = arith.constant 384 : i32
    %dma_start3A_239 = tpu.memref_slice %arg9[%dma_start3A_237, %dma_start3A_238] : memref<1x512xi32, #tpu.memory_space<vmem>> -> memref<1x128xi32, #tpu.memory_space<vmem>>
    %dma_start3A_240 = arith.constant 0 : i32
    %dma_start3A_241 = arith.constant 0 : i32
    %dma_start3A_242 = tpu.memref_slice %arg5[%dma_start3A_240, %dma_start3A_241] : memref<1x100000xf32, #tpu.memory_space<hbm>> -> memref<1x100000xf32, #tpu.memory_space<hbm>>
    tpu.enqueue_indirect_dma source(%dma_start3A_242 : memref<1x100000xf32, #tpu.memory_space<hbm>>) target(%dma_start3A_236 : memref<1x128xf32, #tpu.memory_space<vmem>>) offsets(%dma_start3A_239 : memref<1x128xi32, #tpu.memory_space<vmem>>) semaphore(%arg17 : memref<!tpu.dma_semaphore, #tpu.memory_space<semaphore_mem>>)
    %dma_start3A_243 = arith.constant 0 : i32
    %dma_start3A_244 = arith.constant 384 : i32
    %dma_start3A_245 = tpu.memref_slice %arg10[%dma_start3A_243, %dma_start3A_244] : memref<1x512xf32, #tpu.memory_space<vmem>> -> memref<1x128xf32, #tpu.memory_space<vmem>>
    %dma_start3A_246 = arith.constant 0 : i32
    %dma_start3A_247 = arith.constant 384 : i32
    %dma_start3A_248 = tpu.memref_slice %arg8[%dma_start3A_246, %dma_start3A_247] : memref<1x512xi32, #tpu.memory_space<vmem>> -> memref<1x128xi32, #tpu.memory_space<vmem>>
    %dma_start3A_249 = arith.constant 0 : i32
    %dma_start3A_250 = arith.constant 0 : i32
    %dma_start3A_251 = tpu.memref_slice %arg4[%dma_start3A_249, %dma_start3A_250] : memref<1x1000000xf32, #tpu.memory_space<hbm>> -> memref<1x1000000xf32, #tpu.memory_space<hbm>>
    tpu.enqueue_indirect_dma source(%dma_start3A_251 : memref<1x1000000xf32, #tpu.memory_space<hbm>>) target(%dma_start3A_245 : memref<1x128xf32, #tpu.memory_space<vmem>>) offsets(%dma_start3A_248 : memref<1x128xi32, #tpu.memory_space<vmem>>) semaphore(%arg17 : memref<!tpu.dma_semaphore, #tpu.memory_space<semaphore_mem>>)
    %dma_start3A_252 = arith.constant 0 : i32
    %dma_start3A_253 = arith.constant 384 : i32
    %dma_start3A_254 = tpu.memref_slice %arg12[%dma_start3A_252, %dma_start3A_253] : memref<1x512xf32, #tpu.memory_space<vmem>> -> memref<1x128xf32, #tpu.memory_space<vmem>>
    %dma_start3A_255 = arith.constant 0 : i32
    %dma_start3A_256 = arith.constant 384 : i32
    %dma_start3A_257 = tpu.memref_slice %arg9[%dma_start3A_255, %dma_start3A_256] : memref<1x512xi32, #tpu.memory_space<vmem>> -> memref<1x128xi32, #tpu.memory_space<vmem>>
    %dma_start3A_258 = arith.constant 0 : i32
    %dma_start3A_259 = arith.constant 0 : i32
    %dma_start3A_260 = tpu.memref_slice %arg6[%dma_start3A_258, %dma_start3A_259] : memref<1x100000xf32, #tpu.memory_space<hbm>> -> memref<1x100000xf32, #tpu.memory_space<hbm>>
    tpu.enqueue_indirect_dma source(%dma_start3A_260 : memref<1x100000xf32, #tpu.memory_space<hbm>>) target(%dma_start3A_254 : memref<1x128xf32, #tpu.memory_space<vmem>>) offsets(%dma_start3A_257 : memref<1x128xi32, #tpu.memory_space<vmem>>) semaphore(%arg17 : memref<!tpu.dma_semaphore, #tpu.memory_space<semaphore_mem>>)
    %dma_wait3A_261 = arith.constant 0 : i32
    %dma_wait3A_262 = arith.constant 0 : i32
    %dma_wait3A_263 = tpu.memref_slice %arg11[%dma_wait3A_261, %dma_wait3A_262] : memref<1x512xf32, #tpu.memory_space<vmem>> -> memref<1x128xf32, #tpu.memory_space<vmem>>
    %dma_wait3A_264 = arith.constant 0 : i32
    %dma_wait3A_265 = arith.constant 0 : i32
    %dma_wait3A_266 = tpu.memref_slice %arg9[%dma_wait3A_264, %dma_wait3A_265] : memref<1x512xi32, #tpu.memory_space<vmem>> -> memref<1x128xi32, #tpu.memory_space<vmem>>
    %dma_wait3A_267 = arith.constant 0 : i32
    %dma_wait3A_268 = arith.constant 0 : i32
    %dma_wait3A_269 = tpu.memref_slice %arg5[%dma_wait3A_267, %dma_wait3A_268] : memref<1x100000xf32, #tpu.memory_space<hbm>> -> memref<1x100000xf32, #tpu.memory_space<hbm>>
    tpu.wait_indirect_dma semaphore(%arg14 : memref<!tpu.dma_semaphore, #tpu.memory_space<semaphore_mem>>) src(%dma_wait3A_269 : memref<1x100000xf32, #tpu.memory_space<hbm>>) dst(%dma_wait3A_263 : memref<1x128xf32, #tpu.memory_space<vmem>>)
    %get3A = arith.constant 0 : i32
    %get3A_270 = arith.index_cast %get3A : i32 to index
    %get3A_271 = arith.constant 0 : index
    %get3A_272 = tpu.vector_load %arg11[%get3A_270, %get3A_271] {strides = array<i32>} : memref<1x512xf32, #tpu.memory_space<vmem>>, vector<1x16xf32>,
    %get3A_273 = vector.shape_cast %get3A_272 : vector<1x16xf32> to vector<16xf32>
    %neg3A = arith.constant 0.000000e+00 : f32
    %neg3A_274 = vector.broadcast %neg3A : f32 to vector<16xf32>
    %neg3A_275 = arith.subf %neg3A_274, %get3A_273 : vector<16xf32>
    %exp3A = math.exp %neg3A_275 : vector<16xf32>
    %swap3A = arith.constant 0 : i32
    %swap3A_276 = arith.index_cast %swap3A : i32 to index
    %swap3A_277 = arith.constant 0 : index
    %swap3A_278 = tpu.vector_load %arg11[%swap3A_276, %swap3A_277] {strides = array<i32>} : memref<1x512xf32, #tpu.memory_space<vmem>>, vector<1x16xf32>,
    %swap3A_279 = vector.shape_cast %swap3A_278 : vector<1x16xf32> to vector<16xf32>
    %swap3A_280 = vector.shape_cast %exp3A : vector<16xf32> to vector<1x16xf32>
    tpu.vector_store %arg11[%swap3A_276, %swap3A_277], %swap3A_280 {strides = array<i32>} : memref<1x512xf32, #tpu.memory_space<vmem>>, vector<1x16xf32>,
    %get3A_281 = arith.constant 0 : i32
    %get3A_282 = arith.index_cast %get3A_281 : i32 to index
    %get3A_283 = arith.constant 16 : index
    %get3A_284 = tpu.vector_load %arg11[%get3A_282, %get3A_283] {strides = array<i32>} : memref<1x512xf32, #tpu.memory_space<vmem>>, vector<1x16xf32>,
    %get3A_285 = vector.shape_cast %get3A_284 : vector<1x16xf32> to vector<16xf32>
    %neg3A_286 = arith.constant 0.000000e+00 : f32
    %neg3A_287 = vector.broadcast %neg3A_286 : f32 to vector<16xf32>
    %neg3A_288 = arith.subf %neg3A_287, %get3A_285 : vector<16xf32>
    %exp3A_289 = math.exp %neg3A_288 : vector<16xf32>
    %swap3A_290 = arith.constant 0 : i32
    %swap3A_291 = arith.index_cast %swap3A_290 : i32 to index
    %swap3A_292 = arith.constant 16 : index
    %swap3A_293 = tpu.vector_load %arg11[%swap3A_291, %swap3A_292] {strides = array<i32>} : memref<1x512xf32, #tpu.memory_space<vmem>>, vector<1x16xf32>,
    %swap3A_294 = vector.shape_cast %swap3A_293 : vector<1x16xf32> to vector<16xf32>
    %swap3A_295 = vector.shape_cast %exp3A_289 : vector<16xf32> to vector<1x16xf32>
    tpu.vector_store %arg11[%swap3A_291, %swap3A_292], %swap3A_295 {strides = array<i32>} : memref<1x512xf32, #tpu.memory_space<vmem>>, vector<1x16xf32>,
    %get3A_296 = arith.constant 0 : i32
    %get3A_297 = arith.index_cast %get3A_296 : i32 to index
    %get3A_298 = arith.constant 32 : index
    %get3A_299 = tpu.vector_load %arg11[%get3A_297, %get3A_298] {strides = array<i32>} : memref<1x512xf32, #tpu.memory_space<vmem>>, vector<1x16xf32>,
    %get3A_300 = vector.shape_cast %get3A_299 : vector<1x16xf32> to vector<16xf32>
    %neg3A_301 = arith.constant 0.000000e+00 : f32
    %neg3A_302 = vector.broadcast %neg3A_301 : f32 to vector<16xf32>
    %neg3A_303 = arith.subf %neg3A_302, %get3A_300 : vector<16xf32>
    %exp3A_304 = math.exp %neg3A_303 : vector<16xf32>
    %swap3A_305 = arith.constant 0 : i32
    %swap3A_306 = arith.index_cast %swap3A_305 : i32 to index
    %swap3A_307 = arith.constant 32 : index
    %swap3A_308 = tpu.vector_load %arg11[%swap3A_306, %swap3A_307] {strides = array<i32>} : memref<1x512xf32, #tpu.memory_space<vmem>>, vector<1x16xf32>,
    %swap3A_309 = vector.shape_cast %swap3A_308 : vector<1x16xf32> to vector<16xf32>
    %swap3A_310 = vector.shape_cast %exp3A_304 : vector<16xf32> to vector<1x16xf32>
    tpu.vector_store %arg11[%swap3A_306, %swap3A_307], %swap3A_310 {strides = array<i32>} : memref<1x512xf32, #tpu.memory_space<vmem>>, vector<1x16xf32>,
    %get3A_311 = arith.constant 0 : i32
    %get3A_312 = arith.index_cast %get3A_311 : i32 to index
    %get3A_313 = arith.constant 48 : index
    %get3A_314 = tpu.vector_load %arg11[%get3A_312, %get3A_313] {strides = array<i32>} : memref<1x512xf32, #tpu.memory_space<vmem>>, vector<1x16xf32>,
    %get3A_315 = vector.shape_cast %get3A_314 : vector<1x16xf32> to vector<16xf32>
    %neg3A_316 = arith.constant 0.000000e+00 : f32
    %neg3A_317 = vector.broadcast %neg3A_316 : f32 to vector<16xf32>
    %neg3A_318 = arith.subf %neg3A_317, %get3A_315 : vector<16xf32>
    %exp3A_319 = math.exp %neg3A_318 : vector<16xf32>
    %swap3A_320 = arith.constant 0 : i32
    %swap3A_321 = arith.index_cast %swap3A_320 : i32 to index
    %swap3A_322 = arith.constant 48 : index
    %swap3A_323 = tpu.vector_load %arg11[%swap3A_321, %swap3A_322] {strides = array<i32>} : memref<1x512xf32, #tpu.memory_space<vmem>>, vector<1x16xf32>,
    %swap3A_324 = vector.shape_cast %swap3A_323 : vector<1x16xf32> to vector<16xf32>
    %swap3A_325 = vector.shape_cast %exp3A_319 : vector<16xf32> to vector<1x16xf32>
    tpu.vector_store %arg11[%swap3A_321, %swap3A_322], %swap3A_325 {strides = array<i32>} : memref<1x512xf32, #tpu.memory_space<vmem>>, vector<1x16xf32>,
    %get3A_326 = arith.constant 0 : i32
    %get3A_327 = arith.index_cast %get3A_326 : i32 to index
    %get3A_328 = arith.constant 64 : index
    %get3A_329 = tpu.vector_load %arg11[%get3A_327, %get3A_328] {strides = array<i32>} : memref<1x512xf32, #tpu.memory_space<vmem>>, vector<1x16xf32>,
    %get3A_330 = vector.shape_cast %get3A_329 : vector<1x16xf32> to vector<16xf32>
    %neg3A_331 = arith.constant 0.000000e+00 : f32
    %neg3A_332 = vector.broadcast %neg3A_331 : f32 to vector<16xf32>
    %neg3A_333 = arith.subf %neg3A_332, %get3A_330 : vector<16xf32>
    %exp3A_334 = math.exp %neg3A_333 : vector<16xf32>
    %swap3A_335 = arith.constant 0 : i32
    %swap3A_336 = arith.index_cast %swap3A_335 : i32 to index
    %swap3A_337 = arith.constant 64 : index
    %swap3A_338 = tpu.vector_load %arg11[%swap3A_336, %swap3A_337] {strides = array<i32>} : memref<1x512xf32, #tpu.memory_space<vmem>>, vector<1x16xf32>,
    %swap3A_339 = vector.shape_cast %swap3A_338 : vector<1x16xf32> to vector<16xf32>
    %swap3A_340 = vector.shape_cast %exp3A_334 : vector<16xf32> to vector<1x16xf32>
    tpu.vector_store %arg11[%swap3A_336, %swap3A_337], %swap3A_340 {strides = array<i32>} : memref<1x512xf32, #tpu.memory_space<vmem>>, vector<1x16xf32>,
    %get3A_341 = arith.constant 0 : i32
    %get3A_342 = arith.index_cast %get3A_341 : i32 to index
    %get3A_343 = arith.constant 80 : index
    %get3A_344 = tpu.vector_load %arg11[%get3A_342, %get3A_343] {strides = array<i32>} : memref<1x512xf32, #tpu.memory_space<vmem>>, vector<1x16xf32>,
    %get3A_345 = vector.shape_cast %get3A_344 : vector<1x16xf32> to vector<16xf32>
    %neg3A_346 = arith.constant 0.000000e+00 : f32
    %neg3A_347 = vector.broadcast %neg3A_346 : f32 to vector<16xf32>
    %neg3A_348 = arith.subf %neg3A_347, %get3A_345 : vector<16xf32>
    %exp3A_349 = math.exp %neg3A_348 : vector<16xf32>
    %swap3A_350 = arith.constant 0 : i32
    %swap3A_351 = arith.index_cast %swap3A_350 : i32 to index
    %swap3A_352 = arith.constant 80 : index
    %swap3A_353 = tpu.vector_load %arg11[%swap3A_351, %swap3A_352] {strides = array<i32>} : memref<1x512xf32, #tpu.memory_space<vmem>>, vector<1x16xf32>,
    %swap3A_354 = vector.shape_cast %swap3A_353 : vector<1x16xf32> to vector<16xf32>
    %swap3A_355 = vector.shape_cast %exp3A_349 : vector<16xf32> to vector<1x16xf32>
    tpu.vector_store %arg11[%swap3A_351, %swap3A_352], %swap3A_355 {strides = array<i32>} : memref<1x512xf32, #tpu.memory_space<vmem>>, vector<1x16xf32>,
    %get3A_356 = arith.constant 0 : i32
    %get3A_357 = arith.index_cast %get3A_356 : i32 to index
    %get3A_358 = arith.constant 96 : index
    %get3A_359 = tpu.vector_load %arg11[%get3A_357, %get3A_358] {strides = array<i32>} : memref<1x512xf32, #tpu.memory_space<vmem>>, vector<1x16xf32>,
    %get3A_360 = vector.shape_cast %get3A_359 : vector<1x16xf32> to vector<16xf32>
    %neg3A_361 = arith.constant 0.000000e+00 : f32
    %neg3A_362 = vector.broadcast %neg3A_361 : f32 to vector<16xf32>
    %neg3A_363 = arith.subf %neg3A_362, %get3A_360 : vector<16xf32>
    %exp3A_364 = math.exp %neg3A_363 : vector<16xf32>
    %swap3A_365 = arith.constant 0 : i32
    %swap3A_366 = arith.index_cast %swap3A_365 : i32 to index
    %swap3A_367 = arith.constant 96 : index
    %swap3A_368 = tpu.vector_load %arg11[%swap3A_366, %swap3A_367] {strides = array<i32>} : memref<1x512xf32, #tpu.memory_space<vmem>>, vector<1x16xf32>,
    %swap3A_369 = vector.shape_cast %swap3A_368 : vector<1x16xf32> to vector<16xf32>
    %swap3A_370 = vector.shape_cast %exp3A_364 : vector<16xf32> to vector<1x16xf32>
    tpu.vector_store %arg11[%swap3A_366, %swap3A_367], %swap3A_370 {strides = array<i32>} : memref<1x512xf32, #tpu.memory_space<vmem>>, vector<1x16xf32>,
    %get3A_371 = arith.constant 0 : i32
    %get3A_372 = arith.index_cast %get3A_371 : i32 to index
    %get3A_373 = arith.constant 112 : index
    %get3A_374 = tpu.vector_load %arg11[%get3A_372, %get3A_373] {strides = array<i32>} : memref<1x512xf32, #tpu.memory_space<vmem>>, vector<1x16xf32>,
    %get3A_375 = vector.shape_cast %get3A_374 : vector<1x16xf32> to vector<16xf32>
    %neg3A_376 = arith.constant 0.000000e+00 : f32
    %neg3A_377 = vector.broadcast %neg3A_376 : f32 to vector<16xf32>
    %neg3A_378 = arith.subf %neg3A_377, %get3A_375 : vector<16xf32>
    %exp3A_379 = math.exp %neg3A_378 : vector<16xf32>
    %swap3A_380 = arith.constant 0 : i32
    %swap3A_381 = arith.index_cast %swap3A_380 : i32 to index
    %swap3A_382 = arith.constant 112 : index
    %swap3A_383 = tpu.vector_load %arg11[%swap3A_381, %swap3A_382] {strides = array<i32>} : memref<1x512xf32, #tpu.memory_space<vmem>>, vector<1x16xf32>,
    %swap3A_384 = vector.shape_cast %swap3A_383 : vector<1x16xf32> to vector<16xf32>
    %swap3A_385 = vector.shape_cast %exp3A_379 : vector<16xf32> to vector<1x16xf32>
    tpu.vector_store %arg11[%swap3A_381, %swap3A_382], %swap3A_385 {strides = array<i32>} : memref<1x512xf32, #tpu.memory_space<vmem>>, vector<1x16xf32>,
    %dma_wait3A_386 = arith.constant 0 : i32
    %dma_wait3A_387 = arith.constant 0 : i32
    %dma_wait3A_388 = tpu.memref_slice %arg10[%dma_wait3A_386, %dma_wait3A_387] : memref<1x512xf32, #tpu.memory_space<vmem>> -> memref<1x128xf32, #tpu.memory_space<vmem>>
    %dma_wait3A_389 = arith.constant 0 : i32
    %dma_wait3A_390 = arith.constant 0 : i32
    %dma_wait3A_391 = tpu.memref_slice %arg8[%dma_wait3A_389, %dma_wait3A_390] : memref<1x512xi32, #tpu.memory_space<vmem>> -> memref<1x128xi32, #tpu.memory_space<vmem>>
    %dma_wait3A_392 = arith.constant 0 : i32
    %dma_wait3A_393 = arith.constant 0 : i32
    %dma_wait3A_394 = tpu.memref_slice %arg4[%dma_wait3A_392, %dma_wait3A_393] : memref<1x1000000xf32, #tpu.memory_space<hbm>> -> memref<1x1000000xf32, #tpu.memory_space<hbm>>
    tpu.wait_indirect_dma semaphore(%arg14 : memref<!tpu.dma_semaphore, #tpu.memory_space<semaphore_mem>>) src(%dma_wait3A_394 : memref<1x1000000xf32, #tpu.memory_space<hbm>>) dst(%dma_wait3A_388 : memref<1x128xf32, #tpu.memory_space<vmem>>)
    %dma_wait3A_395 = arith.constant 0 : i32
    %dma_wait3A_396 = arith.constant 0 : i32
    %dma_wait3A_397 = tpu.memref_slice %arg12[%dma_wait3A_395, %dma_wait3A_396] : memref<1x512xf32, #tpu.memory_space<vmem>> -> memref<1x128xf32, #tpu.memory_space<vmem>>
    %dma_wait3A_398 = arith.constant 0 : i32
    %dma_wait3A_399 = arith.constant 0 : i32
    %dma_wait3A_400 = tpu.memref_slice %arg9[%dma_wait3A_398, %dma_wait3A_399] : memref<1x512xi32, #tpu.memory_space<vmem>> -> memref<1x128xi32, #tpu.memory_space<vmem>>
    %dma_wait3A_401 = arith.constant 0 : i32
    %dma_wait3A_402 = arith.constant 0 : i32
    %dma_wait3A_403 = tpu.memref_slice %arg6[%dma_wait3A_401, %dma_wait3A_402] : memref<1x100000xf32, #tpu.memory_space<hbm>> -> memref<1x100000xf32, #tpu.memory_space<hbm>>
    tpu.wait_indirect_dma semaphore(%arg14 : memref<!tpu.dma_semaphore, #tpu.memory_space<semaphore_mem>>) src(%dma_wait3A_403 : memref<1x100000xf32, #tpu.memory_space<hbm>>) dst(%dma_wait3A_397 : memref<1x128xf32, #tpu.memory_space<vmem>>)
    %get3A_404 = arith.constant 0 : i32
    %get3A_405 = arith.index_cast %get3A_404 : i32 to index
    %get3A_406 = arith.constant 0 : index
    %get3A_407 = tpu.vector_load %arg10[%get3A_405, %get3A_406] {strides = array<i32>} : memref<1x512xf32, #tpu.memory_space<vmem>>, vector<1x16xf32>,
    %get3A_408 = vector.shape_cast %get3A_407 : vector<1x16xf32> to vector<16xf32>
    %get3A_409 = arith.constant 0 : i32
    %get3A_410 = arith.index_cast %get3A_409 : i32 to index
    %get3A_411 = arith.constant 0 : index
    %get3A_412 = tpu.vector_load %arg12[%get3A_410, %get3A_411] {strides = array<i32>} : memref<1x512xf32, #tpu.memory_space<vmem>>, vector<1x16xf32>,
    %get3A_413 = vector.shape_cast %get3A_412 : vector<1x16xf32> to vector<16xf32>
    %sub3A = arith.subf %get3A_408, %get3A_413 : vector<16xf32>
    %mul3A_414 = arith.constant 3.400000e+00 : f32
    %mul3A_415 = vector.broadcast %mul3A_414 : f32 to vector<16xf32>
    %mul3A_416 = arith.mulf %mul3A_415, %sub3A : vector<16xf32>
    %get3A_417 = arith.constant 0 : i32
    %get3A_418 = arith.index_cast %get3A_417 : i32 to index
    %get3A_419 = arith.constant 0 : index
    %get3A_420 = tpu.vector_load %arg11[%get3A_418, %get3A_419] {strides = array<i32>} : memref<1x512xf32, #tpu.memory_space<vmem>>, vector<1x16xf32>,
    %get3A_421 = vector.shape_cast %get3A_420 : vector<1x16xf32> to vector<16xf32>
    %add3A_422 = arith.constant 1.000000e+00 : f32
    %add3A_423 = vector.broadcast %add3A_422 : f32 to vector<16xf32>
    %add3A_424 = arith.addf %add3A_423, %get3A_421 : vector<16xf32>
    %div3A = arith.divf %mul3A_416, %add3A_424 : vector<16xf32>
    %neg3A_425 = arith.constant 0.000000e+00 : f32
    %neg3A_426 = vector.broadcast %neg3A_425 : f32 to vector<16xf32>
    %neg3A_427 = arith.subf %neg3A_426, %div3A : vector<16xf32>
    %exp3A_428 = math.exp %neg3A_427 : vector<16xf32>
    %swap3A_429 = arith.constant 0 : i32
    %swap3A_430 = arith.index_cast %swap3A_429 : i32 to index
    %swap3A_431 = arith.constant 0 : index
    %swap3A_432 = tpu.vector_load %arg10[%swap3A_430, %swap3A_431] {strides = array<i32>} : memref<1x512xf32, #tpu.memory_space<vmem>>, vector<1x16xf32>,
    %swap3A_433 = vector.shape_cast %swap3A_432 : vector<1x16xf32> to vector<16xf32>
    %swap3A_434 = vector.shape_cast %exp3A_428 : vector<16xf32> to vector<1x16xf32>
    tpu.vector_store %arg10[%swap3A_430, %swap3A_431], %swap3A_434 {strides = array<i32>} : memref<1x512xf32, #tpu.memory_space<vmem>>, vector<1x16xf32>,
    %get3A_435 = arith.constant 0 : i32
    %get3A_436 = arith.index_cast %get3A_435 : i32 to index
    %get3A_437 = arith.constant 16 : index
    %get3A_438 = tpu.vector_load %arg10[%get3A_436, %get3A_437] {strides = array<i32>} : memref<1x512xf32, #tpu.memory_space<vmem>>, vector<1x16xf32>,
    %get3A_439 = vector.shape_cast %get3A_438 : vector<1x16xf32> to vector<16xf32>
    %get3A_440 = arith.constant 0 : i32
    %get3A_441 = arith.index_cast %get3A_440 : i32 to index
    %get3A_442 = arith.constant 16 : index
    %get3A_443 = tpu.vector_load %arg12[%get3A_441, %get3A_442] {strides = array<i32>} : memref<1x512xf32, #tpu.memory_space<vmem>>, vector<1x16xf32>,
    %get3A_444 = vector.shape_cast %get3A_443 : vector<1x16xf32> to vector<16xf32>
    %sub3A_445 = arith.subf %get3A_439, %get3A_444 : vector<16xf32>
    %mul3A_446 = arith.constant 3.400000e+00 : f32
    %mul3A_447 = vector.broadcast %mul3A_446 : f32 to vector<16xf32>
    %mul3A_448 = arith.mulf %mul3A_447, %sub3A_445 : vector<16xf32>
    %get3A_449 = arith.constant 0 : i32
    %get3A_450 = arith.index_cast %get3A_449 : i32 to index
    %get3A_451 = arith.constant 16 : index
    %get3A_452 = tpu.vector_load %arg11[%get3A_450, %get3A_451] {strides = array<i32>} : memref<1x512xf32, #tpu.memory_space<vmem>>, vector<1x16xf32>,
    %get3A_453 = vector.shape_cast %get3A_452 : vector<1x16xf32> to vector<16xf32>
    %add3A_454 = arith.constant 1.000000e+00 : f32
    %add3A_455 = vector.broadcast %add3A_454 : f32 to vector<16xf32>
    %add3A_456 = arith.addf %add3A_455, %get3A_453 : vector<16xf32>
    %div3A_457 = arith.divf %mul3A_448, %add3A_456 : vector<16xf32>
    %neg3A_458 = arith.constant 0.000000e+00 : f32
    %neg3A_459 = vector.broadcast %neg3A_458 : f32 to vector<16xf32>
    %neg3A_460 = arith.subf %neg3A_459, %div3A_457 : vector<16xf32>
    %exp3A_461 = math.exp %neg3A_460 : vector<16xf32>
    %swap3A_462 = arith.constant 0 : i32
    %swap3A_463 = arith.index_cast %swap3A_462 : i32 to index
    %swap3A_464 = arith.constant 16 : index
    %swap3A_465 = tpu.vector_load %arg10[%swap3A_463, %swap3A_464] {strides = array<i32>} : memref<1x512xf32, #tpu.memory_space<vmem>>, vector<1x16xf32>,
    %swap3A_466 = vector.shape_cast %swap3A_465 : vector<1x16xf32> to vector<16xf32>
    %swap3A_467 = vector.shape_cast %exp3A_461 : vector<16xf32> to vector<1x16xf32>
    tpu.vector_store %arg10[%swap3A_463, %swap3A_464], %swap3A_467 {strides = array<i32>} : memref<1x512xf32, #tpu.memory_space<vmem>>, vector<1x16xf32>,
    %get3A_468 = arith.constant 0 : i32
    %get3A_469 = arith.index_cast %get3A_468 : i32 to index
    %get3A_470 = arith.constant 32 : index
    %get3A_471 = tpu.vector_load %arg10[%get3A_469, %get3A_470] {strides = array<i32>} : memref<1x512xf32, #tpu.memory_space<vmem>>, vector<1x16xf32>,
    %get3A_472 = vector.shape_cast %get3A_471 : vector<1x16xf32> to vector<16xf32>
    %get3A_473 = arith.constant 0 : i32
    %get3A_474 = arith.index_cast %get3A_473 : i32 to index
    %get3A_475 = arith.constant 32 : index
    %get3A_476 = tpu.vector_load %arg12[%get3A_474, %get3A_475] {strides = array<i32>} : memref<1x512xf32, #tpu.memory_space<vmem>>, vector<1x16xf32>,
    %get3A_477 = vector.shape_cast %get3A_476 : vector<1x16xf32> to vector<16xf32>
    %sub3A_478 = arith.subf %get3A_472, %get3A_477 : vector<16xf32>
    %mul3A_479 = arith.constant 3.400000e+00 : f32
    %mul3A_480 = vector.broadcast %mul3A_479 : f32 to vector<16xf32>
    %mul3A_481 = arith.mulf %mul3A_480, %sub3A_478 : vector<16xf32>
    %get3A_482 = arith.constant 0 : i32
    %get3A_483 = arith.index_cast %get3A_482 : i32 to index
    %get3A_484 = arith.constant 32 : index
    %get3A_485 = tpu.vector_load %arg11[%get3A_483, %get3A_484] {strides = array<i32>} : memref<1x512xf32, #tpu.memory_space<vmem>>, vector<1x16xf32>,
    %get3A_486 = vector.shape_cast %get3A_485 : vector<1x16xf32> to vector<16xf32>
    %add3A_487 = arith.constant 1.000000e+00 : f32
    %add3A_488 = vector.broadcast %add3A_487 : f32 to vector<16xf32>
    %add3A_489 = arith.addf %add3A_488, %get3A_486 : vector<16xf32>
    %div3A_490 = arith.divf %mul3A_481, %add3A_489 : vector<16xf32>
    %neg3A_491 = arith.constant 0.000000e+00 : f32
    %neg3A_492 = vector.broadcast %neg3A_491 : f32 to vector<16xf32>
    %neg3A_493 = arith.subf %neg3A_492, %div3A_490 : vector<16xf32>
    %exp3A_494 = math.exp %neg3A_493 : vector<16xf32>
    %swap3A_495 = arith.constant 0 : i32
    %swap3A_496 = arith.index_cast %swap3A_495 : i32 to index
    %swap3A_497 = arith.constant 32 : index
    %swap3A_498 = tpu.vector_load %arg10[%swap3A_496, %swap3A_497] {strides = array<i32>} : memref<1x512xf32, #tpu.memory_space<vmem>>, vector<1x16xf32>,
    %swap3A_499 = vector.shape_cast %swap3A_498 : vector<1x16xf32> to vector<16xf32>
    %swap3A_500 = vector.shape_cast %exp3A_494 : vector<16xf32> to vector<1x16xf32>
    tpu.vector_store %arg10[%swap3A_496, %swap3A_497], %swap3A_500 {strides = array<i32>} : memref<1x512xf32, #tpu.memory_space<vmem>>, vector<1x16xf32>,
    %get3A_501 = arith.constant 0 : i32
    %get3A_502 = arith.index_cast %get3A_501 : i32 to index
    %get3A_503 = arith.constant 48 : index
    %get3A_504 = tpu.vector_load %arg10[%get3A_502, %get3A_503] {strides = array<i32>} : memref<1x512xf32, #tpu.memory_space<vmem>>, vector<1x16xf32>,
    %get3A_505 = vector.shape_cast %get3A_504 : vector<1x16xf32> to vector<16xf32>
    %get3A_506 = arith.constant 0 : i32
    %get3A_507 = arith.index_cast %get3A_506 : i32 to index
    %get3A_508 = arith.constant 48 : index
    %get3A_509 = tpu.vector_load %arg12[%get3A_507, %get3A_508] {strides = array<i32>} : memref<1x512xf32, #tpu.memory_space<vmem>>, vector<1x16xf32>,
    %get3A_510 = vector.shape_cast %get3A_509 : vector<1x16xf32> to vector<16xf32>
    %sub3A_511 = arith.subf %get3A_505, %get3A_510 : vector<16xf32>
    %mul3A_512 = arith.constant 3.400000e+00 : f32
    %mul3A_513 = vector.broadcast %mul3A_512 : f32 to vector<16xf32>
    %mul3A_514 = arith.mulf %mul3A_513, %sub3A_511 : vector<16xf32>
    %get3A_515 = arith.constant 0 : i32
    %get3A_516 = arith.index_cast %get3A_515 : i32 to index
    %get3A_517 = arith.constant 48 : index
    %get3A_518 = tpu.vector_load %arg11[%get3A_516, %get3A_517] {strides = array<i32>} : memref<1x512xf32, #tpu.memory_space<vmem>>, vector<1x16xf32>,
    %get3A_519 = vector.shape_cast %get3A_518 : vector<1x16xf32> to vector<16xf32>
    %add3A_520 = arith.constant 1.000000e+00 : f32
    %add3A_521 = vector.broadcast %add3A_520 : f32 to vector<16xf32>
    %add3A_522 = arith.addf %add3A_521, %get3A_519 : vector<16xf32>
    %div3A_523 = arith.divf %mul3A_514, %add3A_522 : vector<16xf32>
    %neg3A_524 = arith.constant 0.000000e+00 : f32
    %neg3A_525 = vector.broadcast %neg3A_524 : f32 to vector<16xf32>
    %neg3A_526 = arith.subf %neg3A_525, %div3A_523 : vector<16xf32>
    %exp3A_527 = math.exp %neg3A_526 : vector<16xf32>
    %swap3A_528 = arith.constant 0 : i32
    %swap3A_529 = arith.index_cast %swap3A_528 : i32 to index
    %swap3A_530 = arith.constant 48 : index
    %swap3A_531 = tpu.vector_load %arg10[%swap3A_529, %swap3A_530] {strides = array<i32>} : memref<1x512xf32, #tpu.memory_space<vmem>>, vector<1x16xf32>,
    %swap3A_532 = vector.shape_cast %swap3A_531 : vector<1x16xf32> to vector<16xf32>
    %swap3A_533 = vector.shape_cast %exp3A_527 : vector<16xf32> to vector<1x16xf32>
    tpu.vector_store %arg10[%swap3A_529, %swap3A_530], %swap3A_533 {strides = array<i32>} : memref<1x512xf32, #tpu.memory_space<vmem>>, vector<1x16xf32>,
    %get3A_534 = arith.constant 0 : i32
    %get3A_535 = arith.index_cast %get3A_534 : i32 to index
    %get3A_536 = arith.constant 64 : index
    %get3A_537 = tpu.vector_load %arg10[%get3A_535, %get3A_536] {strides = array<i32>} : memref<1x512xf32, #tpu.memory_space<vmem>>, vector<1x16xf32>,
    %get3A_538 = vector.shape_cast %get3A_537 : vector<1x16xf32> to vector<16xf32>
    %get3A_539 = arith.constant 0 : i32
    %get3A_540 = arith.index_cast %get3A_539 : i32 to index
    %get3A_541 = arith.constant 64 : index
    %get3A_542 = tpu.vector_load %arg12[%get3A_540, %get3A_541] {strides = array<i32>} : memref<1x512xf32, #tpu.memory_space<vmem>>, vector<1x16xf32>,
    %get3A_543 = vector.shape_cast %get3A_542 : vector<1x16xf32> to vector<16xf32>
    %sub3A_544 = arith.subf %get3A_538, %get3A_543 : vector<16xf32>
    %mul3A_545 = arith.constant 3.400000e+00 : f32
    %mul3A_546 = vector.broadcast %mul3A_545 : f32 to vector<16xf32>
    %mul3A_547 = arith.mulf %mul3A_546, %sub3A_544 : vector<16xf32>
    %get3A_548 = arith.constant 0 : i32
    %get3A_549 = arith.index_cast %get3A_548 : i32 to index
    %get3A_550 = arith.constant 64 : index
    %get3A_551 = tpu.vector_load %arg11[%get3A_549, %get3A_550] {strides = array<i32>} : memref<1x512xf32, #tpu.memory_space<vmem>>, vector<1x16xf32>,
    %get3A_552 = vector.shape_cast %get3A_551 : vector<1x16xf32> to vector<16xf32>
    %add3A_553 = arith.constant 1.000000e+00 : f32
    %add3A_554 = vector.broadcast %add3A_553 : f32 to vector<16xf32>
    %add3A_555 = arith.addf %add3A_554, %get3A_552 : vector<16xf32>
    %div3A_556 = arith.divf %mul3A_547, %add3A_555 : vector<16xf32>
    %neg3A_557 = arith.constant 0.000000e+00 : f32
    %neg3A_558 = vector.broadcast %neg3A_557 : f32 to vector<16xf32>
    %neg3A_559 = arith.subf %neg3A_558, %div3A_556 : vector<16xf32>
    %exp3A_560 = math.exp %neg3A_559 : vector<16xf32>
    %swap3A_561 = arith.constant 0 : i32
    %swap3A_562 = arith.index_cast %swap3A_561 : i32 to index
    %swap3A_563 = arith.constant 64 : index
    %swap3A_564 = tpu.vector_load %arg10[%swap3A_562, %swap3A_563] {strides = array<i32>} : memref<1x512xf32, #tpu.memory_space<vmem>>, vector<1x16xf32>,
    %swap3A_565 = vector.shape_cast %swap3A_564 : vector<1x16xf32> to vector<16xf32>
    %swap3A_566 = vector.shape_cast %exp3A_560 : vector<16xf32> to vector<1x16xf32>
    tpu.vector_store %arg10[%swap3A_562, %swap3A_563], %swap3A_566 {strides = array<i32>} : memref<1x512xf32, #tpu.memory_space<vmem>>, vector<1x16xf32>,
    %get3A_567 = arith.constant 0 : i32
    %get3A_568 = arith.index_cast %get3A_567 : i32 to index
    %get3A_569 = arith.constant 80 : index
    %get3A_570 = tpu.vector_load %arg10[%get3A_568, %get3A_569] {strides = array<i32>} : memref<1x512xf32, #tpu.memory_space<vmem>>, vector<1x16xf32>,
    %get3A_571 = vector.shape_cast %get3A_570 : vector<1x16xf32> to vector<16xf32>
    %get3A_572 = arith.constant 0 : i32
    %get3A_573 = arith.index_cast %get3A_572 : i32 to index
    %get3A_574 = arith.constant 80 : index
    %get3A_575 = tpu.vector_load %arg12[%get3A_573, %get3A_574] {strides = array<i32>} : memref<1x512xf32, #tpu.memory_space<vmem>>, vector<1x16xf32>,
    %get3A_576 = vector.shape_cast %get3A_575 : vector<1x16xf32> to vector<16xf32>
    %sub3A_577 = arith.subf %get3A_571, %get3A_576 : vector<16xf32>
    %mul3A_578 = arith.constant 3.400000e+00 : f32
    %mul3A_579 = vector.broadcast %mul3A_578 : f32 to vector<16xf32>
    %mul3A_580 = arith.mulf %mul3A_579, %sub3A_577 : vector<16xf32>
    %get3A_581 = arith.constant 0 : i32
    %get3A_582 = arith.index_cast %get3A_581 : i32 to index
    %get3A_583 = arith.constant 80 : index
    %get3A_584 = tpu.vector_load %arg11[%get3A_582, %get3A_583] {strides = array<i32>} : memref<1x512xf32, #tpu.memory_space<vmem>>, vector<1x16xf32>,
    %get3A_585 = vector.shape_cast %get3A_584 : vector<1x16xf32> to vector<16xf32>
    %add3A_586 = arith.constant 1.000000e+00 : f32
    %add3A_587 = vector.broadcast %add3A_586 : f32 to vector<16xf32>
    %add3A_588 = arith.addf %add3A_587, %get3A_585 : vector<16xf32>
    %div3A_589 = arith.divf %mul3A_580, %add3A_588 : vector<16xf32>
    %neg3A_590 = arith.constant 0.000000e+00 : f32
    %neg3A_591 = vector.broadcast %neg3A_590 : f32 to vector<16xf32>
    %neg3A_592 = arith.subf %neg3A_591, %div3A_589 : vector<16xf32>
    %exp3A_593 = math.exp %neg3A_592 : vector<16xf32>
    %swap3A_594 = arith.constant 0 : i32
    %swap3A_595 = arith.index_cast %swap3A_594 : i32 to index
    %swap3A_596 = arith.constant 80 : index
    %swap3A_597 = tpu.vector_load %arg10[%swap3A_595, %swap3A_596] {strides = array<i32>} : memref<1x512xf32, #tpu.memory_space<vmem>>, vector<1x16xf32>,
    %swap3A_598 = vector.shape_cast %swap3A_597 : vector<1x16xf32> to vector<16xf32>
    %swap3A_599 = vector.shape_cast %exp3A_593 : vector<16xf32> to vector<1x16xf32>
    tpu.vector_store %arg10[%swap3A_595, %swap3A_596], %swap3A_599 {strides = array<i32>} : memref<1x512xf32, #tpu.memory_space<vmem>>, vector<1x16xf32>,
    %get3A_600 = arith.constant 0 : i32
    %get3A_601 = arith.index_cast %get3A_600 : i32 to index
    %get3A_602 = arith.constant 96 : index
    %get3A_603 = tpu.vector_load %arg10[%get3A_601, %get3A_602] {strides = array<i32>} : memref<1x512xf32, #tpu.memory_space<vmem>>, vector<1x16xf32>,
    %get3A_604 = vector.shape_cast %get3A_603 : vector<1x16xf32> to vector<16xf32>
    %get3A_605 = arith.constant 0 : i32
    %get3A_606 = arith.index_cast %get3A_605 : i32 to index
    %get3A_607 = arith.constant 96 : index
    %get3A_608 = tpu.vector_load %arg12[%get3A_606, %get3A_607] {strides = array<i32>} : memref<1x512xf32, #tpu.memory_space<vmem>>, vector<1x16xf32>,
    %get3A_609 = vector.shape_cast %get3A_608 : vector<1x16xf32> to vector<16xf32>
    %sub3A_610 = arith.subf %get3A_604, %get3A_609 : vector<16xf32>
    %mul3A_611 = arith.constant 3.400000e+00 : f32
    %mul3A_612 = vector.broadcast %mul3A_611 : f32 to vector<16xf32>
    %mul3A_613 = arith.mulf %mul3A_612, %sub3A_610 : vector<16xf32>
    %get3A_614 = arith.constant 0 : i32
    %get3A_615 = arith.index_cast %get3A_614 : i32 to index
    %get3A_616 = arith.constant 96 : index
    %get3A_617 = tpu.vector_load %arg11[%get3A_615, %get3A_616] {strides = array<i32>} : memref<1x512xf32, #tpu.memory_space<vmem>>, vector<1x16xf32>,
    %get3A_618 = vector.shape_cast %get3A_617 : vector<1x16xf32> to vector<16xf32>
    %add3A_619 = arith.constant 1.000000e+00 : f32
    %add3A_620 = vector.broadcast %add3A_619 : f32 to vector<16xf32>
    %add3A_621 = arith.addf %add3A_620, %get3A_618 : vector<16xf32>
    %div3A_622 = arith.divf %mul3A_613, %add3A_621 : vector<16xf32>
    %neg3A_623 = arith.constant 0.000000e+00 : f32
    %neg3A_624 = vector.broadcast %neg3A_623 : f32 to vector<16xf32>
    %neg3A_625 = arith.subf %neg3A_624, %div3A_622 : vector<16xf32>
    %exp3A_626 = math.exp %neg3A_625 : vector<16xf32>
    %swap3A_627 = arith.constant 0 : i32
    %swap3A_628 = arith.index_cast %swap3A_627 : i32 to index
    %swap3A_629 = arith.constant 96 : index
    %swap3A_630 = tpu.vector_load %arg10[%swap3A_628, %swap3A_629] {strides = array<i32>} : memref<1x512xf32, #tpu.memory_space<vmem>>, vector<1x16xf32>,
    %swap3A_631 = vector.shape_cast %swap3A_630 : vector<1x16xf32> to vector<16xf32>
    %swap3A_632 = vector.shape_cast %exp3A_626 : vector<16xf32> to vector<1x16xf32>
    tpu.vector_store %arg10[%swap3A_628, %swap3A_629], %swap3A_632 {strides = array<i32>} : memref<1x512xf32, #tpu.memory_space<vmem>>, vector<1x16xf32>,
    %get3A_633 = arith.constant 0 : i32
    %get3A_634 = arith.index_cast %get3A_633 : i32 to index
    %get3A_635 = arith.constant 112 : index
    %get3A_636 = tpu.vector_load %arg10[%get3A_634, %get3A_635] {strides = array<i32>} : memref<1x512xf32, #tpu.memory_space<vmem>>, vector<1x16xf32>,
    %get3A_637 = vector.shape_cast %get3A_636 : vector<1x16xf32> to vector<16xf32>
    %get3A_638 = arith.constant 0 : i32
    %get3A_639 = arith.index_cast %get3A_638 : i32 to index
    %get3A_640 = arith.constant 112 : index
    %get3A_641 = tpu.vector_load %arg12[%get3A_639, %get3A_640] {strides = array<i32>} : memref<1x512xf32, #tpu.memory_space<vmem>>, vector<1x16xf32>,
    %get3A_642 = vector.shape_cast %get3A_641 : vector<1x16xf32> to vector<16xf32>
    %sub3A_643 = arith.subf %get3A_637, %get3A_642 : vector<16xf32>
    %mul3A_644 = arith.constant 3.400000e+00 : f32
    %mul3A_645 = vector.broadcast %mul3A_644 : f32 to vector<16xf32>
    %mul3A_646 = arith.mulf %mul3A_645, %sub3A_643 : vector<16xf32>
    %get3A_647 = arith.constant 0 : i32
    %get3A_648 = arith.index_cast %get3A_647 : i32 to index
    %get3A_649 = arith.constant 112 : index
    %get3A_650 = tpu.vector_load %arg11[%get3A_648, %get3A_649] {strides = array<i32>} : memref<1x512xf32, #tpu.memory_space<vmem>>, vector<1x16xf32>,
    %get3A_651 = vector.shape_cast %get3A_650 : vector<1x16xf32> to vector<16xf32>
    %add3A_652 = arith.constant 1.000000e+00 : f32
    %add3A_653 = vector.broadcast %add3A_652 : f32 to vector<16xf32>
    %add3A_654 = arith.addf %add3A_653, %get3A_651 : vector<16xf32>
    %div3A_655 = arith.divf %mul3A_646, %add3A_654 : vector<16xf32>
    %neg3A_656 = arith.constant 0.000000e+00 : f32
    %neg3A_657 = vector.broadcast %neg3A_656 : f32 to vector<16xf32>
    %neg3A_658 = arith.subf %neg3A_657, %div3A_655 : vector<16xf32>
    %exp3A_659 = math.exp %neg3A_658 : vector<16xf32>
    %swap3A_660 = arith.constant 0 : i32
    %swap3A_661 = arith.index_cast %swap3A_660 : i32 to index
    %swap3A_662 = arith.constant 112 : index
    %swap3A_663 = tpu.vector_load %arg10[%swap3A_661, %swap3A_662] {strides = array<i32>} : memref<1x512xf32, #tpu.memory_space<vmem>>, vector<1x16xf32>,
    %swap3A_664 = vector.shape_cast %swap3A_663 : vector<1x16xf32> to vector<16xf32>
    %swap3A_665 = vector.shape_cast %exp3A_659 : vector<16xf32> to vector<1x16xf32>
    tpu.vector_store %arg10[%swap3A_661, %swap3A_662], %swap3A_665 {strides = array<i32>} : memref<1x512xf32, #tpu.memory_space<vmem>>, vector<1x16xf32>,
    %get3A_666 = arith.constant 0 : i32
    %get3A_667 = arith.index_cast %get3A_666 : i32 to index
    %get3A_668 = arith.constant 0 : index
    %get3A_669 = tpu.vector_load %arg10[%get3A_667, %get3A_668] {strides = array<i32>} : memref<1x512xf32, #tpu.memory_space<vmem>>, vector<1x16xf32>,
    %get3A_670 = vector.shape_cast %get3A_669 : vector<1x16xf32> to vector<16xf32>
    %add3A_671 = arith.constant 1.000000e+00 : f32
    %add3A_672 = vector.broadcast %add3A_671 : f32 to vector<16xf32>
    %add3A_673 = arith.addf %add3A_672, %get3A_670 : vector<16xf32>
    %div3A_674 = arith.constant 1.000000e+00 : f32
    %div3A_675 = vector.broadcast %div3A_674 : f32 to vector<16xf32>
    %div3A_676 = arith.divf %div3A_675, %add3A_673 : vector<16xf32>
    %swap3A_677 = arith.constant 0 : index
    %swap3A_678 = tpu.vector_load %arg13[%swap3A_677] {strides = array<i32>} : memref<512xf32, #tpu.memory_space<vmem>>, vector<16xf32>,
    %swap3A_679 = vector.shape_cast %swap3A_678 : vector<16xf32> to vector<16xf32>
    %swap3A_680 = vector.shape_cast %div3A_676 : vector<16xf32> to vector<16xf32>
    tpu.vector_store %arg13[%swap3A_677], %swap3A_680 {strides = array<i32>} : memref<512xf32, #tpu.memory_space<vmem>>, vector<16xf32>,
    %get3A_681 = arith.constant 0 : i32
    %get3A_682 = arith.index_cast %get3A_681 : i32 to index
    %get3A_683 = arith.constant 16 : index
    %get3A_684 = tpu.vector_load %arg10[%get3A_682, %get3A_683] {strides = array<i32>} : memref<1x512xf32, #tpu.memory_space<vmem>>, vector<1x16xf32>,
    %get3A_685 = vector.shape_cast %get3A_684 : vector<1x16xf32> to vector<16xf32>
    %add3A_686 = arith.constant 1.000000e+00 : f32
    %add3A_687 = vector.broadcast %add3A_686 : f32 to vector<16xf32>
    %add3A_688 = arith.addf %add3A_687, %get3A_685 : vector<16xf32>
    %div3A_689 = arith.constant 1.000000e+00 : f32
    %div3A_690 = vector.broadcast %div3A_689 : f32 to vector<16xf32>
    %div3A_691 = arith.divf %div3A_690, %add3A_688 : vector<16xf32>
    %swap3A_692 = arith.constant 16 : index
    %swap3A_693 = tpu.vector_load %arg13[%swap3A_692] {strides = array<i32>} : memref<512xf32, #tpu.memory_space<vmem>>, vector<16xf32>,
    %swap3A_694 = vector.shape_cast %swap3A_693 : vector<16xf32> to vector<16xf32>
    %swap3A_695 = vector.shape_cast %div3A_691 : vector<16xf32> to vector<16xf32>
    tpu.vector_store %arg13[%swap3A_692], %swap3A_695 {strides = array<i32>} : memref<512xf32, #tpu.memory_space<vmem>>, vector<16xf32>,
    %get3A_696 = arith.constant 0 : i32
    %get3A_697 = arith.index_cast %get3A_696 : i32 to index
    %get3A_698 = arith.constant 32 : index
    %get3A_699 = tpu.vector_load %arg10[%get3A_697, %get3A_698] {strides = array<i32>} : memref<1x512xf32, #tpu.memory_space<vmem>>, vector<1x16xf32>,
    %get3A_700 = vector.shape_cast %get3A_699 : vector<1x16xf32> to vector<16xf32>
    %add3A_701 = arith.constant 1.000000e+00 : f32
    %add3A_702 = vector.broadcast %add3A_701 : f32 to vector<16xf32>
    %add3A_703 = arith.addf %add3A_702, %get3A_700 : vector<16xf32>
    %div3A_704 = arith.constant 1.000000e+00 : f32
    %div3A_705 = vector.broadcast %div3A_704 : f32 to vector<16xf32>
    %div3A_706 = arith.divf %div3A_705, %add3A_703 : vector<16xf32>
    %swap3A_707 = arith.constant 32 : index
    %swap3A_708 = tpu.vector_load %arg13[%swap3A_707] {strides = array<i32>} : memref<512xf32, #tpu.memory_space<vmem>>, vector<16xf32>,
    %swap3A_709 = vector.shape_cast %swap3A_708 : vector<16xf32> to vector<16xf32>
    %swap3A_710 = vector.shape_cast %div3A_706 : vector<16xf32> to vector<16xf32>
    tpu.vector_store %arg13[%swap3A_707], %swap3A_710 {strides = array<i32>} : memref<512xf32, #tpu.memory_space<vmem>>, vector<16xf32>,
    %get3A_711 = arith.constant 0 : i32
    %get3A_712 = arith.index_cast %get3A_711 : i32 to index
    %get3A_713 = arith.constant 48 : index
    %get3A_714 = tpu.vector_load %arg10[%get3A_712, %get3A_713] {strides = array<i32>} : memref<1x512xf32, #tpu.memory_space<vmem>>, vector<1x16xf32>,
    %get3A_715 = vector.shape_cast %get3A_714 : vector<1x16xf32> to vector<16xf32>
    %add3A_716 = arith.constant 1.000000e+00 : f32
    %add3A_717 = vector.broadcast %add3A_716 : f32 to vector<16xf32>
    %add3A_718 = arith.addf %add3A_717, %get3A_715 : vector<16xf32>
    %div3A_719 = arith.constant 1.000000e+00 : f32
    %div3A_720 = vector.broadcast %div3A_719 : f32 to vector<16xf32>
    %div3A_721 = arith.divf %div3A_720, %add3A_718 : vector<16xf32>
    %swap3A_722 = arith.constant 48 : index
    %swap3A_723 = tpu.vector_load %arg13[%swap3A_722] {strides = array<i32>} : memref<512xf32, #tpu.memory_space<vmem>>, vector<16xf32>,
    %swap3A_724 = vector.shape_cast %swap3A_723 : vector<16xf32> to vector<16xf32>
    %swap3A_725 = vector.shape_cast %div3A_721 : vector<16xf32> to vector<16xf32>
    tpu.vector_store %arg13[%swap3A_722], %swap3A_725 {strides = array<i32>} : memref<512xf32, #tpu.memory_space<vmem>>, vector<16xf32>,
    %get3A_726 = arith.constant 0 : i32
    %get3A_727 = arith.index_cast %get3A_726 : i32 to index
    %get3A_728 = arith.constant 64 : index
    %get3A_729 = tpu.vector_load %arg10[%get3A_727, %get3A_728] {strides = array<i32>} : memref<1x512xf32, #tpu.memory_space<vmem>>, vector<1x16xf32>,
    %get3A_730 = vector.shape_cast %get3A_729 : vector<1x16xf32> to vector<16xf32>
    %add3A_731 = arith.constant 1.000000e+00 : f32
    %add3A_732 = vector.broadcast %add3A_731 : f32 to vector<16xf32>
    %add3A_733 = arith.addf %add3A_732, %get3A_730 : vector<16xf32>
    %div3A_734 = arith.constant 1.000000e+00 : f32
    %div3A_735 = vector.broadcast %div3A_734 : f32 to vector<16xf32>
    %div3A_736 = arith.divf %div3A_735, %add3A_733 : vector<16xf32>
    %swap3A_737 = arith.constant 64 : index
    %swap3A_738 = tpu.vector_load %arg13[%swap3A_737] {strides = array<i32>} : memref<512xf32, #tpu.memory_space<vmem>>, vector<16xf32>,
    %swap3A_739 = vector.shape_cast %swap3A_738 : vector<16xf32> to vector<16xf32>
    %swap3A_740 = vector.shape_cast %div3A_736 : vector<16xf32> to vector<16xf32>
    tpu.vector_store %arg13[%swap3A_737], %swap3A_740 {strides = array<i32>} : memref<512xf32, #tpu.memory_space<vmem>>, vector<16xf32>,
    %get3A_741 = arith.constant 0 : i32
    %get3A_742 = arith.index_cast %get3A_741 : i32 to index
    %get3A_743 = arith.constant 80 : index
    %get3A_744 = tpu.vector_load %arg10[%get3A_742, %get3A_743] {strides = array<i32>} : memref<1x512xf32, #tpu.memory_space<vmem>>, vector<1x16xf32>,
    %get3A_745 = vector.shape_cast %get3A_744 : vector<1x16xf32> to vector<16xf32>
    %add3A_746 = arith.constant 1.000000e+00 : f32
    %add3A_747 = vector.broadcast %add3A_746 : f32 to vector<16xf32>
    %add3A_748 = arith.addf %add3A_747, %get3A_745 : vector<16xf32>
    %div3A_749 = arith.constant 1.000000e+00 : f32
    %div3A_750 = vector.broadcast %div3A_749 : f32 to vector<16xf32>
    %div3A_751 = arith.divf %div3A_750, %add3A_748 : vector<16xf32>
    %swap3A_752 = arith.constant 80 : index
    %swap3A_753 = tpu.vector_load %arg13[%swap3A_752] {strides = array<i32>} : memref<512xf32, #tpu.memory_space<vmem>>, vector<16xf32>,
    %swap3A_754 = vector.shape_cast %swap3A_753 : vector<16xf32> to vector<16xf32>
    %swap3A_755 = vector.shape_cast %div3A_751 : vector<16xf32> to vector<16xf32>
    tpu.vector_store %arg13[%swap3A_752], %swap3A_755 {strides = array<i32>} : memref<512xf32, #tpu.memory_space<vmem>>, vector<16xf32>,
    %get3A_756 = arith.constant 0 : i32
    %get3A_757 = arith.index_cast %get3A_756 : i32 to index
    %get3A_758 = arith.constant 96 : index
    %get3A_759 = tpu.vector_load %arg10[%get3A_757, %get3A_758] {strides = array<i32>} : memref<1x512xf32, #tpu.memory_space<vmem>>, vector<1x16xf32>,
    %get3A_760 = vector.shape_cast %get3A_759 : vector<1x16xf32> to vector<16xf32>
    %add3A_761 = arith.constant 1.000000e+00 : f32
    %add3A_762 = vector.broadcast %add3A_761 : f32 to vector<16xf32>
    %add3A_763 = arith.addf %add3A_762, %get3A_760 : vector<16xf32>
    %div3A_764 = arith.constant 1.000000e+00 : f32
    %div3A_765 = vector.broadcast %div3A_764 : f32 to vector<16xf32>
    %div3A_766 = arith.divf %div3A_765, %add3A_763 : vector<16xf32>
    %swap3A_767 = arith.constant 96 : index
    %swap3A_768 = tpu.vector_load %arg13[%swap3A_767] {strides = array<i32>} : memref<512xf32, #tpu.memory_space<vmem>>, vector<16xf32>,
    %swap3A_769 = vector.shape_cast %swap3A_768 : vector<16xf32> to vector<16xf32>
    %swap3A_770 = vector.shape_cast %div3A_766 : vector<16xf32> to vector<16xf32>
    tpu.vector_store %arg13[%swap3A_767], %swap3A_770 {strides = array<i32>} : memref<512xf32, #tpu.memory_space<vmem>>, vector<16xf32>,
    %get3A_771 = arith.constant 0 : i32
    %get3A_772 = arith.index_cast %get3A_771 : i32 to index
    %get3A_773 = arith.constant 112 : index
    %get3A_774 = tpu.vector_load %arg10[%get3A_772, %get3A_773] {strides = array<i32>} : memref<1x512xf32, #tpu.memory_space<vmem>>, vector<1x16xf32>,
    %get3A_775 = vector.shape_cast %get3A_774 : vector<1x16xf32> to vector<16xf32>
    %add3A_776 = arith.constant 1.000000e+00 : f32
    %add3A_777 = vector.broadcast %add3A_776 : f32 to vector<16xf32>
    %add3A_778 = arith.addf %add3A_777, %get3A_775 : vector<16xf32>
    %div3A_779 = arith.constant 1.000000e+00 : f32
    %div3A_780 = vector.broadcast %div3A_779 : f32 to vector<16xf32>
    %div3A_781 = arith.divf %div3A_780, %add3A_778 : vector<16xf32>
    %swap3A_782 = arith.constant 112 : index
    %swap3A_783 = tpu.vector_load %arg13[%swap3A_782] {strides = array<i32>} : memref<512xf32, #tpu.memory_space<vmem>>, vector<16xf32>,
    %swap3A_784 = vector.shape_cast %swap3A_783 : vector<16xf32> to vector<16xf32>
    %swap3A_785 = vector.shape_cast %div3A_781 : vector<16xf32> to vector<16xf32>
    tpu.vector_store %arg13[%swap3A_782], %swap3A_785 {strides = array<i32>} : memref<512xf32, #tpu.memory_space<vmem>>, vector<16xf32>,
    %add3A_786 = arith.constant 0 : i32
    %add3A_787 = arith.addi %mul3A_2, %add3A_786 : i32
    %dma_start3A_788 = arith.constant 0 : i32
    %dma_start3A_789 = tpu.memref_slice %arg13[%dma_start3A_788] : memref<512xf32, #tpu.memory_space<vmem>> -> memref<128xf32, #tpu.memory_space<vmem>>
    %dma_start3A_790 = tpu.memref_slice %arg7[%add3A_787] : memref<16384xf32, #tpu.memory_space<hbm>> -> memref<128xf32, #tpu.memory_space<hbm>>
    %dma_start3A_791 = tpu.memref_slice %arg7[%add3A_787] : memref<16384xf32, #tpu.memory_space<hbm>> -> memref<128xf32, #tpu.memory_space<hbm>>
    %dma_start3A_792 = arith.constant 0 : i32
    %dma_start3A_793 = tpu.memref_slice %arg13[%dma_start3A_792] : memref<512xf32, #tpu.memory_space<vmem>> -> memref<128xf32, #tpu.memory_space<vmem>>
    tpu.enqueue_dma source(%dma_start3A_793 : memref<128xf32, #tpu.memory_space<vmem>>) target(%dma_start3A_791 : memref<128xf32, #tpu.memory_space<hbm>>) target_semaphore(%arg18 : memref<!tpu.dma_semaphore, #tpu.memory_space<semaphore_mem>>)
    %dma_wait3A_794 = arith.constant 0 : i32
    %dma_wait3A_795 = arith.constant 128 : i32
    %dma_wait3A_796 = tpu.memref_slice %arg11[%dma_wait3A_794, %dma_wait3A_795] : memref<1x512xf32, #tpu.memory_space<vmem>> -> memref<1x128xf32, #tpu.memory_space<vmem>>
    %dma_wait3A_797 = arith.constant 0 : i32
    %dma_wait3A_798 = arith.constant 128 : i32
    %dma_wait3A_799 = tpu.memref_slice %arg9[%dma_wait3A_797, %dma_wait3A_798] : memref<1x512xi32, #tpu.memory_space<vmem>> -> memref<1x128xi32, #tpu.memory_space<vmem>>
    %dma_wait3A_800 = arith.constant 0 : i32
    %dma_wait3A_801 = arith.constant 0 : i32
    %dma_wait3A_802 = tpu.memref_slice %arg5[%dma_wait3A_800, %dma_wait3A_801] : memref<1x100000xf32, #tpu.memory_space<hbm>> -> memref<1x100000xf32, #tpu.memory_space<hbm>>
    tpu.wait_indirect_dma semaphore(%arg15 : memref<!tpu.dma_semaphore, #tpu.memory_space<semaphore_mem>>) src(%dma_wait3A_802 : memref<1x100000xf32, #tpu.memory_space<hbm>>) dst(%dma_wait3A_796 : memref<1x128xf32, #tpu.memory_space<vmem>>)
    %get3A_803 = arith.constant 0 : i32
    %get3A_804 = arith.index_cast %get3A_803 : i32 to index
    %get3A_805 = arith.constant 128 : index
    %get3A_806 = tpu.vector_load %arg11[%get3A_804, %get3A_805] {strides = array<i32>} : memref<1x512xf32, #tpu.memory_space<vmem>>, vector<1x16xf32>,
    %get3A_807 = vector.shape_cast %get3A_806 : vector<1x16xf32> to vector<16xf32>
    %neg3A_808 = arith.constant 0.000000e+00 : f32
    %neg3A_809 = vector.broadcast %neg3A_808 : f32 to vector<16xf32>
    %neg3A_810 = arith.subf %neg3A_809, %get3A_807 : vector<16xf32>
    %exp3A_811 = math.exp %neg3A_810 : vector<16xf32>
    %swap3A_812 = arith.constant 0 : i32
    %swap3A_813 = arith.index_cast %swap3A_812 : i32 to index
    %swap3A_814 = arith.constant 128 : index
    %swap3A_815 = tpu.vector_load %arg11[%swap3A_813, %swap3A_814] {strides = array<i32>} : memref<1x512xf32, #tpu.memory_space<vmem>>, vector<1x16xf32>,
    %swap3A_816 = vector.shape_cast %swap3A_815 : vector<1x16xf32> to vector<16xf32>
    %swap3A_817 = vector.shape_cast %exp3A_811 : vector<16xf32> to vector<1x16xf32>
    tpu.vector_store %arg11[%swap3A_813, %swap3A_814], %swap3A_817 {strides = array<i32>} : memref<1x512xf32, #tpu.memory_space<vmem>>, vector<1x16xf32>,
    %get3A_818 = arith.constant 0 : i32
    %get3A_819 = arith.index_cast %get3A_818 : i32 to index
    %get3A_820 = arith.constant 144 : index
    %get3A_821 = tpu.vector_load %arg11[%get3A_819, %get3A_820] {strides = array<i32>} : memref<1x512xf32, #tpu.memory_space<vmem>>, vector<1x16xf32>,
    %get3A_822 = vector.shape_cast %get3A_821 : vector<1x16xf32> to vector<16xf32>
    %neg3A_823 = arith.constant 0.000000e+00 : f32
    %neg3A_824 = vector.broadcast %neg3A_823 : f32 to vector<16xf32>
    %neg3A_825 = arith.subf %neg3A_824, %get3A_822 : vector<16xf32>
    %exp3A_826 = math.exp %neg3A_825 : vector<16xf32>
    %swap3A_827 = arith.constant 0 : i32
    %swap3A_828 = arith.index_cast %swap3A_827 : i32 to index
    %swap3A_829 = arith.constant 144 : index
    %swap3A_830 = tpu.vector_load %arg11[%swap3A_828, %swap3A_829] {strides = array<i32>} : memref<1x512xf32, #tpu.memory_space<vmem>>, vector<1x16xf32>,
    %swap3A_831 = vector.shape_cast %swap3A_830 : vector<1x16xf32> to vector<16xf32>
    %swap3A_832 = vector.shape_cast %exp3A_826 : vector<16xf32> to vector<1x16xf32>
    tpu.vector_store %arg11[%swap3A_828, %swap3A_829], %swap3A_832 {strides = array<i32>} : memref<1x512xf32, #tpu.memory_space<vmem>>, vector<1x16xf32>,
    %get3A_833 = arith.constant 0 : i32
    %get3A_834 = arith.index_cast %get3A_833 : i32 to index
    %get3A_835 = arith.constant 160 : index
    %get3A_836 = tpu.vector_load %arg11[%get3A_834, %get3A_835] {strides = array<i32>} : memref<1x512xf32, #tpu.memory_space<vmem>>, vector<1x16xf32>,
    %get3A_837 = vector.shape_cast %get3A_836 : vector<1x16xf32> to vector<16xf32>
    %neg3A_838 = arith.constant 0.000000e+00 : f32
    %neg3A_839 = vector.broadcast %neg3A_838 : f32 to vector<16xf32>
    %neg3A_840 = arith.subf %neg3A_839, %get3A_837 : vector<16xf32>
    %exp3A_841 = math.exp %neg3A_840 : vector<16xf32>
    %swap3A_842 = arith.constant 0 : i32
    %swap3A_843 = arith.index_cast %swap3A_842 : i32 to index
    %swap3A_844 = arith.constant 160 : index
    %swap3A_845 = tpu.vector_load %arg11[%swap3A_843, %swap3A_844] {strides = array<i32>} : memref<1x512xf32, #tpu.memory_space<vmem>>, vector<1x16xf32>,
    %swap3A_846 = vector.shape_cast %swap3A_845 : vector<1x16xf32> to vector<16xf32>
    %swap3A_847 = vector.shape_cast %exp3A_841 : vector<16xf32> to vector<1x16xf32>
    tpu.vector_store %arg11[%swap3A_843, %swap3A_844], %swap3A_847 {strides = array<i32>} : memref<1x512xf32, #tpu.memory_space<vmem>>, vector<1x16xf32>,
    %get3A_848 = arith.constant 0 : i32
    %get3A_849 = arith.index_cast %get3A_848 : i32 to index
    %get3A_850 = arith.constant 176 : index
    %get3A_851 = tpu.vector_load %arg11[%get3A_849, %get3A_850] {strides = array<i32>} : memref<1x512xf32, #tpu.memory_space<vmem>>, vector<1x16xf32>,
    %get3A_852 = vector.shape_cast %get3A_851 : vector<1x16xf32> to vector<16xf32>
    %neg3A_853 = arith.constant 0.000000e+00 : f32
    %neg3A_854 = vector.broadcast %neg3A_853 : f32 to vector<16xf32>
    %neg3A_855 = arith.subf %neg3A_854, %get3A_852 : vector<16xf32>
    %exp3A_856 = math.exp %neg3A_855 : vector<16xf32>
    %swap3A_857 = arith.constant 0 : i32
    %swap3A_858 = arith.index_cast %swap3A_857 : i32 to index
    %swap3A_859 = arith.constant 176 : index
    %swap3A_860 = tpu.vector_load %arg11[%swap3A_858, %swap3A_859] {strides = array<i32>} : memref<1x512xf32, #tpu.memory_space<vmem>>, vector<1x16xf32>,
    %swap3A_861 = vector.shape_cast %swap3A_860 : vector<1x16xf32> to vector<16xf32>
    %swap3A_862 = vector.shape_cast %exp3A_856 : vector<16xf32> to vector<1x16xf32>
    tpu.vector_store %arg11[%swap3A_858, %swap3A_859], %swap3A_862 {strides = array<i32>} : memref<1x512xf32, #tpu.memory_space<vmem>>, vector<1x16xf32>,
    %get3A_863 = arith.constant 0 : i32
    %get3A_864 = arith.index_cast %get3A_863 : i32 to index
    %get3A_865 = arith.constant 192 : index
    %get3A_866 = tpu.vector_load %arg11[%get3A_864, %get3A_865] {strides = array<i32>} : memref<1x512xf32, #tpu.memory_space<vmem>>, vector<1x16xf32>,
    %get3A_867 = vector.shape_cast %get3A_866 : vector<1x16xf32> to vector<16xf32>
    %neg3A_868 = arith.constant 0.000000e+00 : f32
    %neg3A_869 = vector.broadcast %neg3A_868 : f32 to vector<16xf32>
    %neg3A_870 = arith.subf %neg3A_869, %get3A_867 : vector<16xf32>
    %exp3A_871 = math.exp %neg3A_870 : vector<16xf32>
    %swap3A_872 = arith.constant 0 : i32
    %swap3A_873 = arith.index_cast %swap3A_872 : i32 to index
    %swap3A_874 = arith.constant 192 : index
    %swap3A_875 = tpu.vector_load %arg11[%swap3A_873, %swap3A_874] {strides = array<i32>} : memref<1x512xf32, #tpu.memory_space<vmem>>, vector<1x16xf32>,
    %swap3A_876 = vector.shape_cast %swap3A_875 : vector<1x16xf32> to vector<16xf32>
    %swap3A_877 = vector.shape_cast %exp3A_871 : vector<16xf32> to vector<1x16xf32>
    tpu.vector_store %arg11[%swap3A_873, %swap3A_874], %swap3A_877 {strides = array<i32>} : memref<1x512xf32, #tpu.memory_space<vmem>>, vector<1x16xf32>,
    %get3A_878 = arith.constant 0 : i32
    %get3A_879 = arith.index_cast %get3A_878 : i32 to index
    %get3A_880 = arith.constant 208 : index
    %get3A_881 = tpu.vector_load %arg11[%get3A_879, %get3A_880] {strides = array<i32>} : memref<1x512xf32, #tpu.memory_space<vmem>>, vector<1x16xf32>,
    %get3A_882 = vector.shape_cast %get3A_881 : vector<1x16xf32> to vector<16xf32>
    %neg3A_883 = arith.constant 0.000000e+00 : f32
    %neg3A_884 = vector.broadcast %neg3A_883 : f32 to vector<16xf32>
    %neg3A_885 = arith.subf %neg3A_884, %get3A_882 : vector<16xf32>
    %exp3A_886 = math.exp %neg3A_885 : vector<16xf32>
    %swap3A_887 = arith.constant 0 : i32
    %swap3A_888 = arith.index_cast %swap3A_887 : i32 to index
    %swap3A_889 = arith.constant 208 : index
    %swap3A_890 = tpu.vector_load %arg11[%swap3A_888, %swap3A_889] {strides = array<i32>} : memref<1x512xf32, #tpu.memory_space<vmem>>, vector<1x16xf32>,
    %swap3A_891 = vector.shape_cast %swap3A_890 : vector<1x16xf32> to vector<16xf32>
    %swap3A_892 = vector.shape_cast %exp3A_886 : vector<16xf32> to vector<1x16xf32>
    tpu.vector_store %arg11[%swap3A_888, %swap3A_889], %swap3A_892 {strides = array<i32>} : memref<1x512xf32, #tpu.memory_space<vmem>>, vector<1x16xf32>,
    %get3A_893 = arith.constant 0 : i32
    %get3A_894 = arith.index_cast %get3A_893 : i32 to index
    %get3A_895 = arith.constant 224 : index
    %get3A_896 = tpu.vector_load %arg11[%get3A_894, %get3A_895] {strides = array<i32>} : memref<1x512xf32, #tpu.memory_space<vmem>>, vector<1x16xf32>,
    %get3A_897 = vector.shape_cast %get3A_896 : vector<1x16xf32> to vector<16xf32>
    %neg3A_898 = arith.constant 0.000000e+00 : f32
    %neg3A_899 = vector.broadcast %neg3A_898 : f32 to vector<16xf32>
    %neg3A_900 = arith.subf %neg3A_899, %get3A_897 : vector<16xf32>
    %exp3A_901 = math.exp %neg3A_900 : vector<16xf32>
    %swap3A_902 = arith.constant 0 : i32
    %swap3A_903 = arith.index_cast %swap3A_902 : i32 to index
    %swap3A_904 = arith.constant 224 : index
    %swap3A_905 = tpu.vector_load %arg11[%swap3A_903, %swap3A_904] {strides = array<i32>} : memref<1x512xf32, #tpu.memory_space<vmem>>, vector<1x16xf32>,
    %swap3A_906 = vector.shape_cast %swap3A_905 : vector<1x16xf32> to vector<16xf32>
    %swap3A_907 = vector.shape_cast %exp3A_901 : vector<16xf32> to vector<1x16xf32>
    tpu.vector_store %arg11[%swap3A_903, %swap3A_904], %swap3A_907 {strides = array<i32>} : memref<1x512xf32, #tpu.memory_space<vmem>>, vector<1x16xf32>,
    %get3A_908 = arith.constant 0 : i32
    %get3A_909 = arith.index_cast %get3A_908 : i32 to index
    %get3A_910 = arith.constant 240 : index
    %get3A_911 = tpu.vector_load %arg11[%get3A_909, %get3A_910] {strides = array<i32>} : memref<1x512xf32, #tpu.memory_space<vmem>>, vector<1x16xf32>,
    %get3A_912 = vector.shape_cast %get3A_911 : vector<1x16xf32> to vector<16xf32>
    %neg3A_913 = arith.constant 0.000000e+00 : f32
    %neg3A_914 = vector.broadcast %neg3A_913 : f32 to vector<16xf32>
    %neg3A_915 = arith.subf %neg3A_914, %get3A_912 : vector<16xf32>
    %exp3A_916 = math.exp %neg3A_915 : vector<16xf32>
    %swap3A_917 = arith.constant 0 : i32
    %swap3A_918 = arith.index_cast %swap3A_917 : i32 to index
    %swap3A_919 = arith.constant 240 : index
    %swap3A_920 = tpu.vector_load %arg11[%swap3A_918, %swap3A_919] {strides = array<i32>} : memref<1x512xf32, #tpu.memory_space<vmem>>, vector<1x16xf32>,
    %swap3A_921 = vector.shape_cast %swap3A_920 : vector<1x16xf32> to vector<16xf32>
    %swap3A_922 = vector.shape_cast %exp3A_916 : vector<16xf32> to vector<1x16xf32>
    tpu.vector_store %arg11[%swap3A_918, %swap3A_919], %swap3A_922 {strides = array<i32>} : memref<1x512xf32, #tpu.memory_space<vmem>>, vector<1x16xf32>,
    %dma_wait3A_923 = arith.constant 0 : i32
    %dma_wait3A_924 = arith.constant 128 : i32
    %dma_wait3A_925 = tpu.memref_slice %arg10[%dma_wait3A_923, %dma_wait3A_924] : memref<1x512xf32, #tpu.memory_space<vmem>> -> memref<1x128xf32, #tpu.memory_space<vmem>>
    %dma_wait3A_926 = arith.constant 0 : i32
    %dma_wait3A_927 = arith.constant 128 : i32
    %dma_wait3A_928 = tpu.memref_slice %arg8[%dma_wait3A_926, %dma_wait3A_927] : memref<1x512xi32, #tpu.memory_space<vmem>> -> memref<1x128xi32, #tpu.memory_space<vmem>>
    %dma_wait3A_929 = arith.constant 0 : i32
    %dma_wait3A_930 = arith.constant 0 : i32
    %dma_wait3A_931 = tpu.memref_slice %arg4[%dma_wait3A_929, %dma_wait3A_930] : memref<1x1000000xf32, #tpu.memory_space<hbm>> -> memref<1x1000000xf32, #tpu.memory_space<hbm>>
    tpu.wait_indirect_dma semaphore(%arg15 : memref<!tpu.dma_semaphore, #tpu.memory_space<semaphore_mem>>) src(%dma_wait3A_931 : memref<1x1000000xf32, #tpu.memory_space<hbm>>) dst(%dma_wait3A_925 : memref<1x128xf32, #tpu.memory_space<vmem>>)
    %dma_wait3A_932 = arith.constant 0 : i32
    %dma_wait3A_933 = arith.constant 128 : i32
    %dma_wait3A_934 = tpu.memref_slice %arg12[%dma_wait3A_932, %dma_wait3A_933] : memref<1x512xf32, #tpu.memory_space<vmem>> -> memref<1x128xf32, #tpu.memory_space<vmem>>
    %dma_wait3A_935 = arith.constant 0 : i32
    %dma_wait3A_936 = arith.constant 128 : i32
    %dma_wait3A_937 = tpu.memref_slice %arg9[%dma_wait3A_935, %dma_wait3A_936] : memref<1x512xi32, #tpu.memory_space<vmem>> -> memref<1x128xi32, #tpu.memory_space<vmem>>
    %dma_wait3A_938 = arith.constant 0 : i32
    %dma_wait3A_939 = arith.constant 0 : i32
    %dma_wait3A_940 = tpu.memref_slice %arg6[%dma_wait3A_938, %dma_wait3A_939] : memref<1x100000xf32, #tpu.memory_space<hbm>> -> memref<1x100000xf32, #tpu.memory_space<hbm>>
    tpu.wait_indirect_dma semaphore(%arg15 : memref<!tpu.dma_semaphore, #tpu.memory_space<semaphore_mem>>) src(%dma_wait3A_940 : memref<1x100000xf32, #tpu.memory_space<hbm>>) dst(%dma_wait3A_934 : memref<1x128xf32, #tpu.memory_space<vmem>>)
    %get3A_941 = arith.constant 0 : i32
    %get3A_942 = arith.index_cast %get3A_941 : i32 to index
    %get3A_943 = arith.constant 128 : index
    %get3A_944 = tpu.vector_load %arg10[%get3A_942, %get3A_943] {strides = array<i32>} : memref<1x512xf32, #tpu.memory_space<vmem>>, vector<1x16xf32>,
    %get3A_945 = vector.shape_cast %get3A_944 : vector<1x16xf32> to vector<16xf32>
    %get3A_946 = arith.constant 0 : i32
    %get3A_947 = arith.index_cast %get3A_946 : i32 to index
    %get3A_948 = arith.constant 128 : index
    %get3A_949 = tpu.vector_load %arg12[%get3A_947, %get3A_948] {strides = array<i32>} : memref<1x512xf32, #tpu.memory_space<vmem>>, vector<1x16xf32>,
    %get3A_950 = vector.shape_cast %get3A_949 : vector<1x16xf32> to vector<16xf32>
    %sub3A_951 = arith.subf %get3A_945, %get3A_950 : vector<16xf32>
    %mul3A_952 = arith.constant 3.400000e+00 : f32
    %mul3A_953 = vector.broadcast %mul3A_952 : f32 to vector<16xf32>
    %mul3A_954 = arith.mulf %mul3A_953, %sub3A_951 : vector<16xf32>
    %get3A_955 = arith.constant 0 : i32
    %get3A_956 = arith.index_cast %get3A_955 : i32 to index
    %get3A_957 = arith.constant 128 : index
    %get3A_958 = tpu.vector_load %arg11[%get3A_956, %get3A_957] {strides = array<i32>} : memref<1x512xf32, #tpu.memory_space<vmem>>, vector<1x16xf32>,
    %get3A_959 = vector.shape_cast %get3A_958 : vector<1x16xf32> to vector<16xf32>
    %add3A_960 = arith.constant 1.000000e+00 : f32
    %add3A_961 = vector.broadcast %add3A_960 : f32 to vector<16xf32>
    %add3A_962 = arith.addf %add3A_961, %get3A_959 : vector<16xf32>
    %div3A_963 = arith.divf %mul3A_954, %add3A_962 : vector<16xf32>
    %neg3A_964 = arith.constant 0.000000e+00 : f32
    %neg3A_965 = vector.broadcast %neg3A_964 : f32 to vector<16xf32>
    %neg3A_966 = arith.subf %neg3A_965, %div3A_963 : vector<16xf32>
    %exp3A_967 = math.exp %neg3A_966 : vector<16xf32>
    %swap3A_968 = arith.constant 0 : i32
    %swap3A_969 = arith.index_cast %swap3A_968 : i32 to index
    %swap3A_970 = arith.constant 128 : index
    %swap3A_971 = tpu.vector_load %arg10[%swap3A_969, %swap3A_970] {strides = array<i32>} : memref<1x512xf32, #tpu.memory_space<vmem>>, vector<1x16xf32>,
    %swap3A_972 = vector.shape_cast %swap3A_971 : vector<1x16xf32> to vector<16xf32>
    %swap3A_973 = vector.shape_cast %exp3A_967 : vector<16xf32> to vector<1x16xf32>
    tpu.vector_store %arg10[%swap3A_969, %swap3A_970], %swap3A_973 {strides = array<i32>} : memref<1x512xf32, #tpu.memory_space<vmem>>, vector<1x16xf32>,
    %get3A_974 = arith.constant 0 : i32
    %get3A_975 = arith.index_cast %get3A_974 : i32 to index
    %get3A_976 = arith.constant 144 : index
    %get3A_977 = tpu.vector_load %arg10[%get3A_975, %get3A_976] {strides = array<i32>} : memref<1x512xf32, #tpu.memory_space<vmem>>, vector<1x16xf32>,
    %get3A_978 = vector.shape_cast %get3A_977 : vector<1x16xf32> to vector<16xf32>
    %get3A_979 = arith.constant 0 : i32
    %get3A_980 = arith.index_cast %get3A_979 : i32 to index
    %get3A_981 = arith.constant 144 : index
    %get3A_982 = tpu.vector_load %arg12[%get3A_980, %get3A_981] {strides = array<i32>} : memref<1x512xf32, #tpu.memory_space<vmem>>, vector<1x16xf32>,
    %get3A_983 = vector.shape_cast %get3A_982 : vector<1x16xf32> to vector<16xf32>
    %sub3A_984 = arith.subf %get3A_978, %get3A_983 : vector<16xf32>
    %mul3A_985 = arith.constant 3.400000e+00 : f32
    %mul3A_986 = vector.broadcast %mul3A_985 : f32 to vector<16xf32>
    %mul3A_987 = arith.mulf %mul3A_986, %sub3A_984 : vector<16xf32>
    %get3A_988 = arith.constant 0 : i32
    %get3A_989 = arith.index_cast %get3A_988 : i32 to index
    %get3A_990 = arith.constant 144 : index
    %get3A_991 = tpu.vector_load %arg11[%get3A_989, %get3A_990] {strides = array<i32>} : memref<1x512xf32, #tpu.memory_space<vmem>>, vector<1x16xf32>,
    %get3A_992 = vector.shape_cast %get3A_991 : vector<1x16xf32> to vector<16xf32>
    %add3A_993 = arith.constant 1.000000e+00 : f32
    %add3A_994 = vector.broadcast %add3A_993 : f32 to vector<16xf32>
    %add3A_995 = arith.addf %add3A_994, %get3A_992 : vector<16xf32>
    %div3A_996 = arith.divf %mul3A_987, %add3A_995 : vector<16xf32>
    %neg3A_997 = arith.constant 0.000000e+00 : f32
    %neg3A_998 = vector.broadcast %neg3A_997 : f32 to vector<16xf32>
    %neg3A_999 = arith.subf %neg3A_998, %div3A_996 : vector<16xf32>
    %exp3A_1000 = math.exp %neg3A_999 : vector<16xf32>
    %swap3A_1001 = arith.constant 0 : i32
    %swap3A_1002 = arith.index_cast %swap3A_1001 : i32 to index
    %swap3A_1003 = arith.constant 144 : index
    %swap3A_1004 = tpu.vector_load %arg10[%swap3A_1002, %swap3A_1003] {strides = array<i32>} : memref<1x512xf32, #tpu.memory_space<vmem>>, vector<1x16xf32>,
    %swap3A_1005 = vector.shape_cast %swap3A_1004 : vector<1x16xf32> to vector<16xf32>
    %swap3A_1006 = vector.shape_cast %exp3A_1000 : vector<16xf32> to vector<1x16xf32>
    tpu.vector_store %arg10[%swap3A_1002, %swap3A_1003], %swap3A_1006 {strides = array<i32>} : memref<1x512xf32, #tpu.memory_space<vmem>>, vector<1x16xf32>,
    %get3A_1007 = arith.constant 0 : i32
    %get3A_1008 = arith.index_cast %get3A_1007 : i32 to index
    %get3A_1009 = arith.constant 160 : index
    %get3A_1010 = tpu.vector_load %arg10[%get3A_1008, %get3A_1009] {strides = array<i32>} : memref<1x512xf32, #tpu.memory_space<vmem>>, vector<1x16xf32>,
    %get3A_1011 = vector.shape_cast %get3A_1010 : vector<1x16xf32> to vector<16xf32>
    %get3A_1012 = arith.constant 0 : i32
    %get3A_1013 = arith.index_cast %get3A_1012 : i32 to index
    %get3A_1014 = arith.constant 160 : index
    %get3A_1015 = tpu.vector_load %arg12[%get3A_1013, %get3A_1014] {strides = array<i32>} : memref<1x512xf32, #tpu.memory_space<vmem>>, vector<1x16xf32>,
    %get3A_1016 = vector.shape_cast %get3A_1015 : vector<1x16xf32> to vector<16xf32>
    %sub3A_1017 = arith.subf %get3A_1011, %get3A_1016 : vector<16xf32>
    %mul3A_1018 = arith.constant 3.400000e+00 : f32
    %mul3A_1019 = vector.broadcast %mul3A_1018 : f32 to vector<16xf32>
    %mul3A_1020 = arith.mulf %mul3A_1019, %sub3A_1017 : vector<16xf32>
    %get3A_1021 = arith.constant 0 : i32
    %get3A_1022 = arith.index_cast %get3A_1021 : i32 to index
    %get3A_1023 = arith.constant 160 : index
    %get3A_1024 = tpu.vector_load %arg11[%get3A_1022, %get3A_1023] {strides = array<i32>} : memref<1x512xf32, #tpu.memory_space<vmem>>, vector<1x16xf32>,
    %get3A_1025 = vector.shape_cast %get3A_1024 : vector<1x16xf32> to vector<16xf32>
    %add3A_1026 = arith.constant 1.000000e+00 : f32
    %add3A_1027 = vector.broadcast %add3A_1026 : f32 to vector<16xf32>
    %add3A_1028 = arith.addf %add3A_1027, %get3A_1025 : vector<16xf32>
    %div3A_1029 = arith.divf %mul3A_1020, %add3A_1028 : vector<16xf32>
    %neg3A_1030 = arith.constant 0.000000e+00 : f32
    %neg3A_1031 = vector.broadcast %neg3A_1030 : f32 to vector<16xf32>
    %neg3A_1032 = arith.subf %neg3A_1031, %div3A_1029 : vector<16xf32>
    %exp3A_1033 = math.exp %neg3A_1032 : vector<16xf32>
    %swap3A_1034 = arith.constant 0 : i32
    %swap3A_1035 = arith.index_cast %swap3A_1034 : i32 to index
    %swap3A_1036 = arith.constant 160 : index
    %swap3A_1037 = tpu.vector_load %arg10[%swap3A_1035, %swap3A_1036] {strides = array<i32>} : memref<1x512xf32, #tpu.memory_space<vmem>>, vector<1x16xf32>,
    %swap3A_1038 = vector.shape_cast %swap3A_1037 : vector<1x16xf32> to vector<16xf32>
    %swap3A_1039 = vector.shape_cast %exp3A_1033 : vector<16xf32> to vector<1x16xf32>
    tpu.vector_store %arg10[%swap3A_1035, %swap3A_1036], %swap3A_1039 {strides = array<i32>} : memref<1x512xf32, #tpu.memory_space<vmem>>, vector<1x16xf32>,
    %get3A_1040 = arith.constant 0 : i32
    %get3A_1041 = arith.index_cast %get3A_1040 : i32 to index
    %get3A_1042 = arith.constant 176 : index
    %get3A_1043 = tpu.vector_load %arg10[%get3A_1041, %get3A_1042] {strides = array<i32>} : memref<1x512xf32, #tpu.memory_space<vmem>>, vector<1x16xf32>,
    %get3A_1044 = vector.shape_cast %get3A_1043 : vector<1x16xf32> to vector<16xf32>
    %get3A_1045 = arith.constant 0 : i32
    %get3A_1046 = arith.index_cast %get3A_1045 : i32 to index
    %get3A_1047 = arith.constant 176 : index
    %get3A_1048 = tpu.vector_load %arg12[%get3A_1046, %get3A_1047] {strides = array<i32>} : memref<1x512xf32, #tpu.memory_space<vmem>>, vector<1x16xf32>,
    %get3A_1049 = vector.shape_cast %get3A_1048 : vector<1x16xf32> to vector<16xf32>
    %sub3A_1050 = arith.subf %get3A_1044, %get3A_1049 : vector<16xf32>
    %mul3A_1051 = arith.constant 3.400000e+00 : f32
    %mul3A_1052 = vector.broadcast %mul3A_1051 : f32 to vector<16xf32>
    %mul3A_1053 = arith.mulf %mul3A_1052, %sub3A_1050 : vector<16xf32>
    %get3A_1054 = arith.constant 0 : i32
    %get3A_1055 = arith.index_cast %get3A_1054 : i32 to index
    %get3A_1056 = arith.constant 176 : index
    %get3A_1057 = tpu.vector_load %arg11[%get3A_1055, %get3A_1056] {strides = array<i32>} : memref<1x512xf32, #tpu.memory_space<vmem>>, vector<1x16xf32>,
    %get3A_1058 = vector.shape_cast %get3A_1057 : vector<1x16xf32> to vector<16xf32>
    %add3A_1059 = arith.constant 1.000000e+00 : f32
    %add3A_1060 = vector.broadcast %add3A_1059 : f32 to vector<16xf32>
    %add3A_1061 = arith.addf %add3A_1060, %get3A_1058 : vector<16xf32>
    %div3A_1062 = arith.divf %mul3A_1053, %add3A_1061 : vector<16xf32>
    %neg3A_1063 = arith.constant 0.000000e+00 : f32
    %neg3A_1064 = vector.broadcast %neg3A_1063 : f32 to vector<16xf32>
    %neg3A_1065 = arith.subf %neg3A_1064, %div3A_1062 : vector<16xf32>
    %exp3A_1066 = math.exp %neg3A_1065 : vector<16xf32>
    %swap3A_1067 = arith.constant 0 : i32
    %swap3A_1068 = arith.index_cast %swap3A_1067 : i32 to index
    %swap3A_1069 = arith.constant 176 : index
    %swap3A_1070 = tpu.vector_load %arg10[%swap3A_1068, %swap3A_1069] {strides = array<i32>} : memref<1x512xf32, #tpu.memory_space<vmem>>, vector<1x16xf32>,
    %swap3A_1071 = vector.shape_cast %swap3A_1070 : vector<1x16xf32> to vector<16xf32>
    %swap3A_1072 = vector.shape_cast %exp3A_1066 : vector<16xf32> to vector<1x16xf32>
    tpu.vector_store %arg10[%swap3A_1068, %swap3A_1069], %swap3A_1072 {strides = array<i32>} : memref<1x512xf32, #tpu.memory_space<vmem>>, vector<1x16xf32>,
    %get3A_1073 = arith.constant 0 : i32
    %get3A_1074 = arith.index_cast %get3A_1073 : i32 to index
    %get3A_1075 = arith.constant 192 : index
    %get3A_1076 = tpu.vector_load %arg10[%get3A_1074, %get3A_1075] {strides = array<i32>} : memref<1x512xf32, #tpu.memory_space<vmem>>, vector<1x16xf32>,
    %get3A_1077 = vector.shape_cast %get3A_1076 : vector<1x16xf32> to vector<16xf32>
    %get3A_1078 = arith.constant 0 : i32
    %get3A_1079 = arith.index_cast %get3A_1078 : i32 to index
    %get3A_1080 = arith.constant 192 : index
    %get3A_1081 = tpu.vector_load %arg12[%get3A_1079, %get3A_1080] {strides = array<i32>} : memref<1x512xf32, #tpu.memory_space<vmem>>, vector<1x16xf32>,
    %get3A_1082 = vector.shape_cast %get3A_1081 : vector<1x16xf32> to vector<16xf32>
    %sub3A_1083 = arith.subf %get3A_1077, %get3A_1082 : vector<16xf32>
    %mul3A_1084 = arith.constant 3.400000e+00 : f32
    %mul3A_1085 = vector.broadcast %mul3A_1084 : f32 to vector<16xf32>
    %mul3A_1086 = arith.mulf %mul3A_1085, %sub3A_1083 : vector<16xf32>
    %get3A_1087 = arith.constant 0 : i32
    %get3A_1088 = arith.index_cast %get3A_1087 : i32 to index
    %get3A_1089 = arith.constant 192 : index
    %get3A_1090 = tpu.vector_load %arg11[%get3A_1088, %get3A_1089] {strides = array<i32>} : memref<1x512xf32, #tpu.memory_space<vmem>>, vector<1x16xf32>,
    %get3A_1091 = vector.shape_cast %get3A_1090 : vector<1x16xf32> to vector<16xf32>
    %add3A_1092 = arith.constant 1.000000e+00 : f32
    %add3A_1093 = vector.broadcast %add3A_1092 : f32 to vector<16xf32>
    %add3A_1094 = arith.addf %add3A_1093, %get3A_1091 : vector<16xf32>
    %div3A_1095 = arith.divf %mul3A_1086, %add3A_1094 : vector<16xf32>
    %neg3A_1096 = arith.constant 0.000000e+00 : f32
    %neg3A_1097 = vector.broadcast %neg3A_1096 : f32 to vector<16xf32>
    %neg3A_1098 = arith.subf %neg3A_1097, %div3A_1095 : vector<16xf32>
    %exp3A_1099 = math.exp %neg3A_1098 : vector<16xf32>
    %swap3A_1100 = arith.constant 0 : i32
    %swap3A_1101 = arith.index_cast %swap3A_1100 : i32 to index
    %swap3A_1102 = arith.constant 192 : index
    %swap3A_1103 = tpu.vector_load %arg10[%swap3A_1101, %swap3A_1102] {strides = array<i32>} : memref<1x512xf32, #tpu.memory_space<vmem>>, vector<1x16xf32>,
    %swap3A_1104 = vector.shape_cast %swap3A_1103 : vector<1x16xf32> to vector<16xf32>
    %swap3A_1105 = vector.shape_cast %exp3A_1099 : vector<16xf32> to vector<1x16xf32>
    tpu.vector_store %arg10[%swap3A_1101, %swap3A_1102], %swap3A_1105 {strides = array<i32>} : memref<1x512xf32, #tpu.memory_space<vmem>>, vector<1x16xf32>,
    %get3A_1106 = arith.constant 0 : i32
    %get3A_1107 = arith.index_cast %get3A_1106 : i32 to index
    %get3A_1108 = arith.constant 208 : index
    %get3A_1109 = tpu.vector_load %arg10[%get3A_1107, %get3A_1108] {strides = array<i32>} : memref<1x512xf32, #tpu.memory_space<vmem>>, vector<1x16xf32>,
    %get3A_1110 = vector.shape_cast %get3A_1109 : vector<1x16xf32> to vector<16xf32>
    %get3A_1111 = arith.constant 0 : i32
    %get3A_1112 = arith.index_cast %get3A_1111 : i32 to index
    %get3A_1113 = arith.constant 208 : index
    %get3A_1114 = tpu.vector_load %arg12[%get3A_1112, %get3A_1113] {strides = array<i32>} : memref<1x512xf32, #tpu.memory_space<vmem>>, vector<1x16xf32>,
    %get3A_1115 = vector.shape_cast %get3A_1114 : vector<1x16xf32> to vector<16xf32>
    %sub3A_1116 = arith.subf %get3A_1110, %get3A_1115 : vector<16xf32>
    %mul3A_1117 = arith.constant 3.400000e+00 : f32
    %mul3A_1118 = vector.broadcast %mul3A_1117 : f32 to vector<16xf32>
    %mul3A_1119 = arith.mulf %mul3A_1118, %sub3A_1116 : vector<16xf32>
    %get3A_1120 = arith.constant 0 : i32
    %get3A_1121 = arith.index_cast %get3A_1120 : i32 to index
    %get3A_1122 = arith.constant 208 : index
    %get3A_1123 = tpu.vector_load %arg11[%get3A_1121, %get3A_1122] {strides = array<i32>} : memref<1x512xf32, #tpu.memory_space<vmem>>, vector<1x16xf32>,
    %get3A_1124 = vector.shape_cast %get3A_1123 : vector<1x16xf32> to vector<16xf32>
    %add3A_1125 = arith.constant 1.000000e+00 : f32
    %add3A_1126 = vector.broadcast %add3A_1125 : f32 to vector<16xf32>
    %add3A_1127 = arith.addf %add3A_1126, %get3A_1124 : vector<16xf32>
    %div3A_1128 = arith.divf %mul3A_1119, %add3A_1127 : vector<16xf32>
    %neg3A_1129 = arith.constant 0.000000e+00 : f32
    %neg3A_1130 = vector.broadcast %neg3A_1129 : f32 to vector<16xf32>
    %neg3A_1131 = arith.subf %neg3A_1130, %div3A_1128 : vector<16xf32>
    %exp3A_1132 = math.exp %neg3A_1131 : vector<16xf32>
    %swap3A_1133 = arith.constant 0 : i32
    %swap3A_1134 = arith.index_cast %swap3A_1133 : i32 to index
    %swap3A_1135 = arith.constant 208 : index
    %swap3A_1136 = tpu.vector_load %arg10[%swap3A_1134, %swap3A_1135] {strides = array<i32>} : memref<1x512xf32, #tpu.memory_space<vmem>>, vector<1x16xf32>,
    %swap3A_1137 = vector.shape_cast %swap3A_1136 : vector<1x16xf32> to vector<16xf32>
    %swap3A_1138 = vector.shape_cast %exp3A_1132 : vector<16xf32> to vector<1x16xf32>
    tpu.vector_store %arg10[%swap3A_1134, %swap3A_1135], %swap3A_1138 {strides = array<i32>} : memref<1x512xf32, #tpu.memory_space<vmem>>, vector<1x16xf32>,
    %get3A_1139 = arith.constant 0 : i32
    %get3A_1140 = arith.index_cast %get3A_1139 : i32 to index
    %get3A_1141 = arith.constant 224 : index
    %get3A_1142 = tpu.vector_load %arg10[%get3A_1140, %get3A_1141] {strides = array<i32>} : memref<1x512xf32, #tpu.memory_space<vmem>>, vector<1x16xf32>,
    %get3A_1143 = vector.shape_cast %get3A_1142 : vector<1x16xf32> to vector<16xf32>
    %get3A_1144 = arith.constant 0 : i32
    %get3A_1145 = arith.index_cast %get3A_1144 : i32 to index
    %get3A_1146 = arith.constant 224 : index
    %get3A_1147 = tpu.vector_load %arg12[%get3A_1145, %get3A_1146] {strides = array<i32>} : memref<1x512xf32, #tpu.memory_space<vmem>>, vector<1x16xf32>,
    %get3A_1148 = vector.shape_cast %get3A_1147 : vector<1x16xf32> to vector<16xf32>
    %sub3A_1149 = arith.subf %get3A_1143, %get3A_1148 : vector<16xf32>
    %mul3A_1150 = arith.constant 3.400000e+00 : f32
    %mul3A_1151 = vector.broadcast %mul3A_1150 : f32 to vector<16xf32>
    %mul3A_1152 = arith.mulf %mul3A_1151, %sub3A_1149 : vector<16xf32>
    %get3A_1153 = arith.constant 0 : i32
    %get3A_1154 = arith.index_cast %get3A_1153 : i32 to index
    %get3A_1155 = arith.constant 224 : index
    %get3A_1156 = tpu.vector_load %arg11[%get3A_1154, %get3A_1155] {strides = array<i32>} : memref<1x512xf32, #tpu.memory_space<vmem>>, vector<1x16xf32>,
    %get3A_1157 = vector.shape_cast %get3A_1156 : vector<1x16xf32> to vector<16xf32>
    %add3A_1158 = arith.constant 1.000000e+00 : f32
    %add3A_1159 = vector.broadcast %add3A_1158 : f32 to vector<16xf32>
    %add3A_1160 = arith.addf %add3A_1159, %get3A_1157 : vector<16xf32>
    %div3A_1161 = arith.divf %mul3A_1152, %add3A_1160 : vector<16xf32>
    %neg3A_1162 = arith.constant 0.000000e+00 : f32
    %neg3A_1163 = vector.broadcast %neg3A_1162 : f32 to vector<16xf32>
    %neg3A_1164 = arith.subf %neg3A_1163, %div3A_1161 : vector<16xf32>
    %exp3A_1165 = math.exp %neg3A_1164 : vector<16xf32>
    %swap3A_1166 = arith.constant 0 : i32
    %swap3A_1167 = arith.index_cast %swap3A_1166 : i32 to index
    %swap3A_1168 = arith.constant 224 : index
    %swap3A_1169 = tpu.vector_load %arg10[%swap3A_1167, %swap3A_1168] {strides = array<i32>} : memref<1x512xf32, #tpu.memory_space<vmem>>, vector<1x16xf32>,
    %swap3A_1170 = vector.shape_cast %swap3A_1169 : vector<1x16xf32> to vector<16xf32>
    %swap3A_1171 = vector.shape_cast %exp3A_1165 : vector<16xf32> to vector<1x16xf32>
    tpu.vector_store %arg10[%swap3A_1167, %swap3A_1168], %swap3A_1171 {strides = array<i32>} : memref<1x512xf32, #tpu.memory_space<vmem>>, vector<1x16xf32>,
    %get3A_1172 = arith.constant 0 : i32
    %get3A_1173 = arith.index_cast %get3A_1172 : i32 to index
    %get3A_1174 = arith.constant 240 : index
    %get3A_1175 = tpu.vector_load %arg10[%get3A_1173, %get3A_1174] {strides = array<i32>} : memref<1x512xf32, #tpu.memory_space<vmem>>, vector<1x16xf32>,
    %get3A_1176 = vector.shape_cast %get3A_1175 : vector<1x16xf32> to vector<16xf32>
    %get3A_1177 = arith.constant 0 : i32
    %get3A_1178 = arith.index_cast %get3A_1177 : i32 to index
    %get3A_1179 = arith.constant 240 : index
    %get3A_1180 = tpu.vector_load %arg12[%get3A_1178, %get3A_1179] {strides = array<i32>} : memref<1x512xf32, #tpu.memory_space<vmem>>, vector<1x16xf32>,
    %get3A_1181 = vector.shape_cast %get3A_1180 : vector<1x16xf32> to vector<16xf32>
    %sub3A_1182 = arith.subf %get3A_1176, %get3A_1181 : vector<16xf32>
    %mul3A_1183 = arith.constant 3.400000e+00 : f32
    %mul3A_1184 = vector.broadcast %mul3A_1183 : f32 to vector<16xf32>
    %mul3A_1185 = arith.mulf %mul3A_1184, %sub3A_1182 : vector<16xf32>
    %get3A_1186 = arith.constant 0 : i32
    %get3A_1187 = arith.index_cast %get3A_1186 : i32 to index
    %get3A_1188 = arith.constant 240 : index
    %get3A_1189 = tpu.vector_load %arg11[%get3A_1187, %get3A_1188] {strides = array<i32>} : memref<1x512xf32, #tpu.memory_space<vmem>>, vector<1x16xf32>,
    %get3A_1190 = vector.shape_cast %get3A_1189 : vector<1x16xf32> to vector<16xf32>
    %add3A_1191 = arith.constant 1.000000e+00 : f32
    %add3A_1192 = vector.broadcast %add3A_1191 : f32 to vector<16xf32>
    %add3A_1193 = arith.addf %add3A_1192, %get3A_1190 : vector<16xf32>
    %div3A_1194 = arith.divf %mul3A_1185, %add3A_1193 : vector<16xf32>
    %neg3A_1195 = arith.constant 0.000000e+00 : f32
    %neg3A_1196 = vector.broadcast %neg3A_1195 : f32 to vector<16xf32>
    %neg3A_1197 = arith.subf %neg3A_1196, %div3A_1194 : vector<16xf32>
    %exp3A_1198 = math.exp %neg3A_1197 : vector<16xf32>
    %swap3A_1199 = arith.constant 0 : i32
    %swap3A_1200 = arith.index_cast %swap3A_1199 : i32 to index
    %swap3A_1201 = arith.constant 240 : index
    %swap3A_1202 = tpu.vector_load %arg10[%swap3A_1200, %swap3A_1201] {strides = array<i32>} : memref<1x512xf32, #tpu.memory_space<vmem>>, vector<1x16xf32>,
    %swap3A_1203 = vector.shape_cast %swap3A_1202 : vector<1x16xf32> to vector<16xf32>
    %swap3A_1204 = vector.shape_cast %exp3A_1198 : vector<16xf32> to vector<1x16xf32>
    tpu.vector_store %arg10[%swap3A_1200, %swap3A_1201], %swap3A_1204 {strides = array<i32>} : memref<1x512xf32, #tpu.memory_space<vmem>>, vector<1x16xf32>,
    %get3A_1205 = arith.constant 0 : i32
    %get3A_1206 = arith.index_cast %get3A_1205 : i32 to index
    %get3A_1207 = arith.constant 128 : index
    %get3A_1208 = tpu.vector_load %arg10[%get3A_1206, %get3A_1207] {strides = array<i32>} : memref<1x512xf32, #tpu.memory_space<vmem>>, vector<1x16xf32>,
    %get3A_1209 = vector.shape_cast %get3A_1208 : vector<1x16xf32> to vector<16xf32>
    %add3A_1210 = arith.constant 1.000000e+00 : f32
    %add3A_1211 = vector.broadcast %add3A_1210 : f32 to vector<16xf32>
    %add3A_1212 = arith.addf %add3A_1211, %get3A_1209 : vector<16xf32>
    %div3A_1213 = arith.constant 1.000000e+00 : f32
    %div3A_1214 = vector.broadcast %div3A_1213 : f32 to vector<16xf32>
    %div3A_1215 = arith.divf %div3A_1214, %add3A_1212 : vector<16xf32>
    %swap3A_1216 = arith.constant 128 : index
    %swap3A_1217 = tpu.vector_load %arg13[%swap3A_1216] {strides = array<i32>} : memref<512xf32, #tpu.memory_space<vmem>>, vector<16xf32>,
    %swap3A_1218 = vector.shape_cast %swap3A_1217 : vector<16xf32> to vector<16xf32>
    %swap3A_1219 = vector.shape_cast %div3A_1215 : vector<16xf32> to vector<16xf32>
    tpu.vector_store %arg13[%swap3A_1216], %swap3A_1219 {strides = array<i32>} : memref<512xf32, #tpu.memory_space<vmem>>, vector<16xf32>,
    %get3A_1220 = arith.constant 0 : i32
    %get3A_1221 = arith.index_cast %get3A_1220 : i32 to index
    %get3A_1222 = arith.constant 144 : index
    %get3A_1223 = tpu.vector_load %arg10[%get3A_1221, %get3A_1222] {strides = array<i32>} : memref<1x512xf32, #tpu.memory_space<vmem>>, vector<1x16xf32>,
    %get3A_1224 = vector.shape_cast %get3A_1223 : vector<1x16xf32> to vector<16xf32>
    %add3A_1225 = arith.constant 1.000000e+00 : f32
    %add3A_1226 = vector.broadcast %add3A_1225 : f32 to vector<16xf32>
    %add3A_1227 = arith.addf %add3A_1226, %get3A_1224 : vector<16xf32>
    %div3A_1228 = arith.constant 1.000000e+00 : f32
    %div3A_1229 = vector.broadcast %div3A_1228 : f32 to vector<16xf32>
    %div3A_1230 = arith.divf %div3A_1229, %add3A_1227 : vector<16xf32>
    %swap3A_1231 = arith.constant 144 : index
    %swap3A_1232 = tpu.vector_load %arg13[%swap3A_1231] {strides = array<i32>} : memref<512xf32, #tpu.memory_space<vmem>>, vector<16xf32>,
    %swap3A_1233 = vector.shape_cast %swap3A_1232 : vector<16xf32> to vector<16xf32>
    %swap3A_1234 = vector.shape_cast %div3A_1230 : vector<16xf32> to vector<16xf32>
    tpu.vector_store %arg13[%swap3A_1231], %swap3A_1234 {strides = array<i32>} : memref<512xf32, #tpu.memory_space<vmem>>, vector<16xf32>,
    %get3A_1235 = arith.constant 0 : i32
    %get3A_1236 = arith.index_cast %get3A_1235 : i32 to index
    %get3A_1237 = arith.constant 160 : index
    %get3A_1238 = tpu.vector_load %arg10[%get3A_1236, %get3A_1237] {strides = array<i32>} : memref<1x512xf32, #tpu.memory_space<vmem>>, vector<1x16xf32>,
    %get3A_1239 = vector.shape_cast %get3A_1238 : vector<1x16xf32> to vector<16xf32>
    %add3A_1240 = arith.constant 1.000000e+00 : f32
    %add3A_1241 = vector.broadcast %add3A_1240 : f32 to vector<16xf32>
    %add3A_1242 = arith.addf %add3A_1241, %get3A_1239 : vector<16xf32>
    %div3A_1243 = arith.constant 1.000000e+00 : f32
    %div3A_1244 = vector.broadcast %div3A_1243 : f32 to vector<16xf32>
    %div3A_1245 = arith.divf %div3A_1244, %add3A_1242 : vector<16xf32>
    %swap3A_1246 = arith.constant 160 : index
    %swap3A_1247 = tpu.vector_load %arg13[%swap3A_1246] {strides = array<i32>} : memref<512xf32, #tpu.memory_space<vmem>>, vector<16xf32>,
    %swap3A_1248 = vector.shape_cast %swap3A_1247 : vector<16xf32> to vector<16xf32>
    %swap3A_1249 = vector.shape_cast %div3A_1245 : vector<16xf32> to vector<16xf32>
    tpu.vector_store %arg13[%swap3A_1246], %swap3A_1249 {strides = array<i32>} : memref<512xf32, #tpu.memory_space<vmem>>, vector<16xf32>,
    %get3A_1250 = arith.constant 0 : i32
    %get3A_1251 = arith.index_cast %get3A_1250 : i32 to index
    %get3A_1252 = arith.constant 176 : index
    %get3A_1253 = tpu.vector_load %arg10[%get3A_1251, %get3A_1252] {strides = array<i32>} : memref<1x512xf32, #tpu.memory_space<vmem>>, vector<1x16xf32>,
    %get3A_1254 = vector.shape_cast %get3A_1253 : vector<1x16xf32> to vector<16xf32>
    %add3A_1255 = arith.constant 1.000000e+00 : f32
    %add3A_1256 = vector.broadcast %add3A_1255 : f32 to vector<16xf32>
    %add3A_1257 = arith.addf %add3A_1256, %get3A_1254 : vector<16xf32>
    %div3A_1258 = arith.constant 1.000000e+00 : f32
    %div3A_1259 = vector.broadcast %div3A_1258 : f32 to vector<16xf32>
    %div3A_1260 = arith.divf %div3A_1259, %add3A_1257 : vector<16xf32>
    %swap3A_1261 = arith.constant 176 : index
    %swap3A_1262 = tpu.vector_load %arg13[%swap3A_1261] {strides = array<i32>} : memref<512xf32, #tpu.memory_space<vmem>>, vector<16xf32>,
    %swap3A_1263 = vector.shape_cast %swap3A_1262 : vector<16xf32> to vector<16xf32>
    %swap3A_1264 = vector.shape_cast %div3A_1260 : vector<16xf32> to vector<16xf32>
    tpu.vector_store %arg13[%swap3A_1261], %swap3A_1264 {strides = array<i32>} : memref<512xf32, #tpu.memory_space<vmem>>, vector<16xf32>,
    %get3A_1265 = arith.constant 0 : i32
    %get3A_1266 = arith.index_cast %get3A_1265 : i32 to index
    %get3A_1267 = arith.constant 192 : index
    %get3A_1268 = tpu.vector_load %arg10[%get3A_1266, %get3A_1267] {strides = array<i32>} : memref<1x512xf32, #tpu.memory_space<vmem>>, vector<1x16xf32>,
    %get3A_1269 = vector.shape_cast %get3A_1268 : vector<1x16xf32> to vector<16xf32>
    %add3A_1270 = arith.constant 1.000000e+00 : f32
    %add3A_1271 = vector.broadcast %add3A_1270 : f32 to vector<16xf32>
    %add3A_1272 = arith.addf %add3A_1271, %get3A_1269 : vector<16xf32>
    %div3A_1273 = arith.constant 1.000000e+00 : f32
    %div3A_1274 = vector.broadcast %div3A_1273 : f32 to vector<16xf32>
    %div3A_1275 = arith.divf %div3A_1274, %add3A_1272 : vector<16xf32>
    %swap3A_1276 = arith.constant 192 : index
    %swap3A_1277 = tpu.vector_load %arg13[%swap3A_1276] {strides = array<i32>} : memref<512xf32, #tpu.memory_space<vmem>>, vector<16xf32>,
    %swap3A_1278 = vector.shape_cast %swap3A_1277 : vector<16xf32> to vector<16xf32>
    %swap3A_1279 = vector.shape_cast %div3A_1275 : vector<16xf32> to vector<16xf32>
    tpu.vector_store %arg13[%swap3A_1276], %swap3A_1279 {strides = array<i32>} : memref<512xf32, #tpu.memory_space<vmem>>, vector<16xf32>,
    %get3A_1280 = arith.constant 0 : i32
    %get3A_1281 = arith.index_cast %get3A_1280 : i32 to index
    %get3A_1282 = arith.constant 208 : index
    %get3A_1283 = tpu.vector_load %arg10[%get3A_1281, %get3A_1282] {strides = array<i32>} : memref<1x512xf32, #tpu.memory_space<vmem>>, vector<1x16xf32>,
    %get3A_1284 = vector.shape_cast %get3A_1283 : vector<1x16xf32> to vector<16xf32>
    %add3A_1285 = arith.constant 1.000000e+00 : f32
    %add3A_1286 = vector.broadcast %add3A_1285 : f32 to vector<16xf32>
    %add3A_1287 = arith.addf %add3A_1286, %get3A_1284 : vector<16xf32>
    %div3A_1288 = arith.constant 1.000000e+00 : f32
    %div3A_1289 = vector.broadcast %div3A_1288 : f32 to vector<16xf32>
    %div3A_1290 = arith.divf %div3A_1289, %add3A_1287 : vector<16xf32>
    %swap3A_1291 = arith.constant 208 : index
    %swap3A_1292 = tpu.vector_load %arg13[%swap3A_1291] {strides = array<i32>} : memref<512xf32, #tpu.memory_space<vmem>>, vector<16xf32>,
    %swap3A_1293 = vector.shape_cast %swap3A_1292 : vector<16xf32> to vector<16xf32>
    %swap3A_1294 = vector.shape_cast %div3A_1290 : vector<16xf32> to vector<16xf32>
    tpu.vector_store %arg13[%swap3A_1291], %swap3A_1294 {strides = array<i32>} : memref<512xf32, #tpu.memory_space<vmem>>, vector<16xf32>,
    %get3A_1295 = arith.constant 0 : i32
    %get3A_1296 = arith.index_cast %get3A_1295 : i32 to index
    %get3A_1297 = arith.constant 224 : index
    %get3A_1298 = tpu.vector_load %arg10[%get3A_1296, %get3A_1297] {strides = array<i32>} : memref<1x512xf32, #tpu.memory_space<vmem>>, vector<1x16xf32>,
    %get3A_1299 = vector.shape_cast %get3A_1298 : vector<1x16xf32> to vector<16xf32>
    %add3A_1300 = arith.constant 1.000000e+00 : f32
    %add3A_1301 = vector.broadcast %add3A_1300 : f32 to vector<16xf32>
    %add3A_1302 = arith.addf %add3A_1301, %get3A_1299 : vector<16xf32>
    %div3A_1303 = arith.constant 1.000000e+00 : f32
    %div3A_1304 = vector.broadcast %div3A_1303 : f32 to vector<16xf32>
    %div3A_1305 = arith.divf %div3A_1304, %add3A_1302 : vector<16xf32>
    %swap3A_1306 = arith.constant 224 : index
    %swap3A_1307 = tpu.vector_load %arg13[%swap3A_1306] {strides = array<i32>} : memref<512xf32, #tpu.memory_space<vmem>>, vector<16xf32>,
    %swap3A_1308 = vector.shape_cast %swap3A_1307 : vector<16xf32> to vector<16xf32>
    %swap3A_1309 = vector.shape_cast %div3A_1305 : vector<16xf32> to vector<16xf32>
    tpu.vector_store %arg13[%swap3A_1306], %swap3A_1309 {strides = array<i32>} : memref<512xf32, #tpu.memory_space<vmem>>, vector<16xf32>,
    %get3A_1310 = arith.constant 0 : i32
    %get3A_1311 = arith.index_cast %get3A_1310 : i32 to index
    %get3A_1312 = arith.constant 240 : index
    %get3A_1313 = tpu.vector_load %arg10[%get3A_1311, %get3A_1312] {strides = array<i32>} : memref<1x512xf32, #tpu.memory_space<vmem>>, vector<1x16xf32>,
    %get3A_1314 = vector.shape_cast %get3A_1313 : vector<1x16xf32> to vector<16xf32>
    %add3A_1315 = arith.constant 1.000000e+00 : f32
    %add3A_1316 = vector.broadcast %add3A_1315 : f32 to vector<16xf32>
    %add3A_1317 = arith.addf %add3A_1316, %get3A_1314 : vector<16xf32>
    %div3A_1318 = arith.constant 1.000000e+00 : f32
    %div3A_1319 = vector.broadcast %div3A_1318 : f32 to vector<16xf32>
    %div3A_1320 = arith.divf %div3A_1319, %add3A_1317 : vector<16xf32>
    %swap3A_1321 = arith.constant 240 : index
    %swap3A_1322 = tpu.vector_load %arg13[%swap3A_1321] {strides = array<i32>} : memref<512xf32, #tpu.memory_space<vmem>>, vector<16xf32>,
    %swap3A_1323 = vector.shape_cast %swap3A_1322 : vector<16xf32> to vector<16xf32>
    %swap3A_1324 = vector.shape_cast %div3A_1320 : vector<16xf32> to vector<16xf32>
    tpu.vector_store %arg13[%swap3A_1321], %swap3A_1324 {strides = array<i32>} : memref<512xf32, #tpu.memory_space<vmem>>, vector<16xf32>,
    %add3A_1325 = arith.constant 128 : i32
    %add3A_1326 = arith.addi %mul3A_2, %add3A_1325 : i32
    %dma_start3A_1327 = arith.constant 128 : i32
    %dma_start3A_1328 = tpu.memref_slice %arg13[%dma_start3A_1327] : memref<512xf32, #tpu.memory_space<vmem>> -> memref<128xf32, #tpu.memory_space<vmem>>
    %dma_start3A_1329 = tpu.memref_slice %arg7[%add3A_1326] : memref<16384xf32, #tpu.memory_space<hbm>> -> memref<128xf32, #tpu.memory_space<hbm>>
    %dma_start3A_1330 = tpu.memref_slice %arg7[%add3A_1326] : memref<16384xf32, #tpu.memory_space<hbm>> -> memref<128xf32, #tpu.memory_space<hbm>>
    %dma_start3A_1331 = arith.constant 128 : i32
    %dma_start3A_1332 = tpu.memref_slice %arg13[%dma_start3A_1331] : memref<512xf32, #tpu.memory_space<vmem>> -> memref<128xf32, #tpu.memory_space<vmem>>
    tpu.enqueue_dma source(%dma_start3A_1332 : memref<128xf32, #tpu.memory_space<vmem>>) target(%dma_start3A_1330 : memref<128xf32, #tpu.memory_space<hbm>>) target_semaphore(%arg18 : memref<!tpu.dma_semaphore, #tpu.memory_space<semaphore_mem>>)
    %dma_wait3A_1333 = arith.constant 0 : i32
    %dma_wait3A_1334 = arith.constant 256 : i32
    %dma_wait3A_1335 = tpu.memref_slice %arg11[%dma_wait3A_1333, %dma_wait3A_1334] : memref<1x512xf32, #tpu.memory_space<vmem>> -> memref<1x128xf32, #tpu.memory_space<vmem>>
    %dma_wait3A_1336 = arith.constant 0 : i32
    %dma_wait3A_1337 = arith.constant 256 : i32
    %dma_wait3A_1338 = tpu.memref_slice %arg9[%dma_wait3A_1336, %dma_wait3A_1337] : memref<1x512xi32, #tpu.memory_space<vmem>> -> memref<1x128xi32, #tpu.memory_space<vmem>>
    %dma_wait3A_1339 = arith.constant 0 : i32
    %dma_wait3A_1340 = arith.constant 0 : i32
    %dma_wait3A_1341 = tpu.memref_slice %arg5[%dma_wait3A_1339, %dma_wait3A_1340] : memref<1x100000xf32, #tpu.memory_space<hbm>> -> memref<1x100000xf32, #tpu.memory_space<hbm>>
    tpu.wait_indirect_dma semaphore(%arg16 : memref<!tpu.dma_semaphore, #tpu.memory_space<semaphore_mem>>) src(%dma_wait3A_1341 : memref<1x100000xf32, #tpu.memory_space<hbm>>) dst(%dma_wait3A_1335 : memref<1x128xf32, #tpu.memory_space<vmem>>)
    %get3A_1342 = arith.constant 0 : i32
    %get3A_1343 = arith.index_cast %get3A_1342 : i32 to index
    %get3A_1344 = arith.constant 256 : index
    %get3A_1345 = tpu.vector_load %arg11[%get3A_1343, %get3A_1344] {strides = array<i32>} : memref<1x512xf32, #tpu.memory_space<vmem>>, vector<1x16xf32>,
    %get3A_1346 = vector.shape_cast %get3A_1345 : vector<1x16xf32> to vector<16xf32>
    %neg3A_1347 = arith.constant 0.000000e+00 : f32
    %neg3A_1348 = vector.broadcast %neg3A_1347 : f32 to vector<16xf32>
    %neg3A_1349 = arith.subf %neg3A_1348, %get3A_1346 : vector<16xf32>
    %exp3A_1350 = math.exp %neg3A_1349 : vector<16xf32>
    %swap3A_1351 = arith.constant 0 : i32
    %swap3A_1352 = arith.index_cast %swap3A_1351 : i32 to index
    %swap3A_1353 = arith.constant 256 : index
    %swap3A_1354 = tpu.vector_load %arg11[%swap3A_1352, %swap3A_1353] {strides = array<i32>} : memref<1x512xf32, #tpu.memory_space<vmem>>, vector<1x16xf32>,
    %swap3A_1355 = vector.shape_cast %swap3A_1354 : vector<1x16xf32> to vector<16xf32>
    %swap3A_1356 = vector.shape_cast %exp3A_1350 : vector<16xf32> to vector<1x16xf32>
    tpu.vector_store %arg11[%swap3A_1352, %swap3A_1353], %swap3A_1356 {strides = array<i32>} : memref<1x512xf32, #tpu.memory_space<vmem>>, vector<1x16xf32>,
    %get3A_1357 = arith.constant 0 : i32
    %get3A_1358 = arith.index_cast %get3A_1357 : i32 to index
    %get3A_1359 = arith.constant 272 : index
    %get3A_1360 = tpu.vector_load %arg11[%get3A_1358, %get3A_1359] {strides = array<i32>} : memref<1x512xf32, #tpu.memory_space<vmem>>, vector<1x16xf32>,
    %get3A_1361 = vector.shape_cast %get3A_1360 : vector<1x16xf32> to vector<16xf32>
    %neg3A_1362 = arith.constant 0.000000e+00 : f32
    %neg3A_1363 = vector.broadcast %neg3A_1362 : f32 to vector<16xf32>
    %neg3A_1364 = arith.subf %neg3A_1363, %get3A_1361 : vector<16xf32>
    %exp3A_1365 = math.exp %neg3A_1364 : vector<16xf32>
    %swap3A_1366 = arith.constant 0 : i32
    %swap3A_1367 = arith.index_cast %swap3A_1366 : i32 to index
    %swap3A_1368 = arith.constant 272 : index
    %swap3A_1369 = tpu.vector_load %arg11[%swap3A_1367, %swap3A_1368] {strides = array<i32>} : memref<1x512xf32, #tpu.memory_space<vmem>>, vector<1x16xf32>,
    %swap3A_1370 = vector.shape_cast %swap3A_1369 : vector<1x16xf32> to vector<16xf32>
    %swap3A_1371 = vector.shape_cast %exp3A_1365 : vector<16xf32> to vector<1x16xf32>
    tpu.vector_store %arg11[%swap3A_1367, %swap3A_1368], %swap3A_1371 {strides = array<i32>} : memref<1x512xf32, #tpu.memory_space<vmem>>, vector<1x16xf32>,
    %get3A_1372 = arith.constant 0 : i32
    %get3A_1373 = arith.index_cast %get3A_1372 : i32 to index
    %get3A_1374 = arith.constant 288 : index
    %get3A_1375 = tpu.vector_load %arg11[%get3A_1373, %get3A_1374] {strides = array<i32>} : memref<1x512xf32, #tpu.memory_space<vmem>>, vector<1x16xf32>,
    %get3A_1376 = vector.shape_cast %get3A_1375 : vector<1x16xf32> to vector<16xf32>
    %neg3A_1377 = arith.constant 0.000000e+00 : f32
    %neg3A_1378 = vector.broadcast %neg3A_1377 : f32 to vector<16xf32>
    %neg3A_1379 = arith.subf %neg3A_1378, %get3A_1376 : vector<16xf32>
    %exp3A_1380 = math.exp %neg3A_1379 : vector<16xf32>
    %swap3A_1381 = arith.constant 0 : i32
    %swap3A_1382 = arith.index_cast %swap3A_1381 : i32 to index
    %swap3A_1383 = arith.constant 288 : index
    %swap3A_1384 = tpu.vector_load %arg11[%swap3A_1382, %swap3A_1383] {strides = array<i32>} : memref<1x512xf32, #tpu.memory_space<vmem>>, vector<1x16xf32>,
    %swap3A_1385 = vector.shape_cast %swap3A_1384 : vector<1x16xf32> to vector<16xf32>
    %swap3A_1386 = vector.shape_cast %exp3A_1380 : vector<16xf32> to vector<1x16xf32>
    tpu.vector_store %arg11[%swap3A_1382, %swap3A_1383], %swap3A_1386 {strides = array<i32>} : memref<1x512xf32, #tpu.memory_space<vmem>>, vector<1x16xf32>,
    %get3A_1387 = arith.constant 0 : i32
    %get3A_1388 = arith.index_cast %get3A_1387 : i32 to index
    %get3A_1389 = arith.constant 304 : index
    %get3A_1390 = tpu.vector_load %arg11[%get3A_1388, %get3A_1389] {strides = array<i32>} : memref<1x512xf32, #tpu.memory_space<vmem>>, vector<1x16xf32>,
    %get3A_1391 = vector.shape_cast %get3A_1390 : vector<1x16xf32> to vector<16xf32>
    %neg3A_1392 = arith.constant 0.000000e+00 : f32
    %neg3A_1393 = vector.broadcast %neg3A_1392 : f32 to vector<16xf32>
    %neg3A_1394 = arith.subf %neg3A_1393, %get3A_1391 : vector<16xf32>
    %exp3A_1395 = math.exp %neg3A_1394 : vector<16xf32>
    %swap3A_1396 = arith.constant 0 : i32
    %swap3A_1397 = arith.index_cast %swap3A_1396 : i32 to index
    %swap3A_1398 = arith.constant 304 : index
    %swap3A_1399 = tpu.vector_load %arg11[%swap3A_1397, %swap3A_1398] {strides = array<i32>} : memref<1x512xf32, #tpu.memory_space<vmem>>, vector<1x16xf32>,
    %swap3A_1400 = vector.shape_cast %swap3A_1399 : vector<1x16xf32> to vector<16xf32>
    %swap3A_1401 = vector.shape_cast %exp3A_1395 : vector<16xf32> to vector<1x16xf32>
    tpu.vector_store %arg11[%swap3A_1397, %swap3A_1398], %swap3A_1401 {strides = array<i32>} : memref<1x512xf32, #tpu.memory_space<vmem>>, vector<1x16xf32>,
    %get3A_1402 = arith.constant 0 : i32
    %get3A_1403 = arith.index_cast %get3A_1402 : i32 to index
    %get3A_1404 = arith.constant 320 : index
    %get3A_1405 = tpu.vector_load %arg11[%get3A_1403, %get3A_1404] {strides = array<i32>} : memref<1x512xf32, #tpu.memory_space<vmem>>, vector<1x16xf32>,
    %get3A_1406 = vector.shape_cast %get3A_1405 : vector<1x16xf32> to vector<16xf32>
    %neg3A_1407 = arith.constant 0.000000e+00 : f32
    %neg3A_1408 = vector.broadcast %neg3A_1407 : f32 to vector<16xf32>
    %neg3A_1409 = arith.subf %neg3A_1408, %get3A_1406 : vector<16xf32>
    %exp3A_1410 = math.exp %neg3A_1409 : vector<16xf32>
    %swap3A_1411 = arith.constant 0 : i32
    %swap3A_1412 = arith.index_cast %swap3A_1411 : i32 to index
    %swap3A_1413 = arith.constant 320 : index
    %swap3A_1414 = tpu.vector_load %arg11[%swap3A_1412, %swap3A_1413] {strides = array<i32>} : memref<1x512xf32, #tpu.memory_space<vmem>>, vector<1x16xf32>,
    %swap3A_1415 = vector.shape_cast %swap3A_1414 : vector<1x16xf32> to vector<16xf32>
    %swap3A_1416 = vector.shape_cast %exp3A_1410 : vector<16xf32> to vector<1x16xf32>
    tpu.vector_store %arg11[%swap3A_1412, %swap3A_1413], %swap3A_1416 {strides = array<i32>} : memref<1x512xf32, #tpu.memory_space<vmem>>, vector<1x16xf32>,
    %get3A_1417 = arith.constant 0 : i32
    %get3A_1418 = arith.index_cast %get3A_1417 : i32 to index
    %get3A_1419 = arith.constant 336 : index
    %get3A_1420 = tpu.vector_load %arg11[%get3A_1418, %get3A_1419] {strides = array<i32>} : memref<1x512xf32, #tpu.memory_space<vmem>>, vector<1x16xf32>,
    %get3A_1421 = vector.shape_cast %get3A_1420 : vector<1x16xf32> to vector<16xf32>
    %neg3A_1422 = arith.constant 0.000000e+00 : f32
    %neg3A_1423 = vector.broadcast %neg3A_1422 : f32 to vector<16xf32>
    %neg3A_1424 = arith.subf %neg3A_1423, %get3A_1421 : vector<16xf32>
    %exp3A_1425 = math.exp %neg3A_1424 : vector<16xf32>
    %swap3A_1426 = arith.constant 0 : i32
    %swap3A_1427 = arith.index_cast %swap3A_1426 : i32 to index
    %swap3A_1428 = arith.constant 336 : index
    %swap3A_1429 = tpu.vector_load %arg11[%swap3A_1427, %swap3A_1428] {strides = array<i32>} : memref<1x512xf32, #tpu.memory_space<vmem>>, vector<1x16xf32>,
    %swap3A_1430 = vector.shape_cast %swap3A_1429 : vector<1x16xf32> to vector<16xf32>
    %swap3A_1431 = vector.shape_cast %exp3A_1425 : vector<16xf32> to vector<1x16xf32>
    tpu.vector_store %arg11[%swap3A_1427, %swap3A_1428], %swap3A_1431 {strides = array<i32>} : memref<1x512xf32, #tpu.memory_space<vmem>>, vector<1x16xf32>,
    %get3A_1432 = arith.constant 0 : i32
    %get3A_1433 = arith.index_cast %get3A_1432 : i32 to index
    %get3A_1434 = arith.constant 352 : index
    %get3A_1435 = tpu.vector_load %arg11[%get3A_1433, %get3A_1434] {strides = array<i32>} : memref<1x512xf32, #tpu.memory_space<vmem>>, vector<1x16xf32>,
    %get3A_1436 = vector.shape_cast %get3A_1435 : vector<1x16xf32> to vector<16xf32>
    %neg3A_1437 = arith.constant 0.000000e+00 : f32
    %neg3A_1438 = vector.broadcast %neg3A_1437 : f32 to vector<16xf32>
    %neg3A_1439 = arith.subf %neg3A_1438, %get3A_1436 : vector<16xf32>
    %exp3A_1440 = math.exp %neg3A_1439 : vector<16xf32>
    %swap3A_1441 = arith.constant 0 : i32
    %swap3A_1442 = arith.index_cast %swap3A_1441 : i32 to index
    %swap3A_1443 = arith.constant 352 : index
    %swap3A_1444 = tpu.vector_load %arg11[%swap3A_1442, %swap3A_1443] {strides = array<i32>} : memref<1x512xf32, #tpu.memory_space<vmem>>, vector<1x16xf32>,
    %swap3A_1445 = vector.shape_cast %swap3A_1444 : vector<1x16xf32> to vector<16xf32>
    %swap3A_1446 = vector.shape_cast %exp3A_1440 : vector<16xf32> to vector<1x16xf32>
    tpu.vector_store %arg11[%swap3A_1442, %swap3A_1443], %swap3A_1446 {strides = array<i32>} : memref<1x512xf32, #tpu.memory_space<vmem>>, vector<1x16xf32>,
    %get3A_1447 = arith.constant 0 : i32
    %get3A_1448 = arith.index_cast %get3A_1447 : i32 to index
    %get3A_1449 = arith.constant 368 : index
    %get3A_1450 = tpu.vector_load %arg11[%get3A_1448, %get3A_1449] {strides = array<i32>} : memref<1x512xf32, #tpu.memory_space<vmem>>, vector<1x16xf32>,
    %get3A_1451 = vector.shape_cast %get3A_1450 : vector<1x16xf32> to vector<16xf32>
    %neg3A_1452 = arith.constant 0.000000e+00 : f32
    %neg3A_1453 = vector.broadcast %neg3A_1452 : f32 to vector<16xf32>
    %neg3A_1454 = arith.subf %neg3A_1453, %get3A_1451 : vector<16xf32>
    %exp3A_1455 = math.exp %neg3A_1454 : vector<16xf32>
    %swap3A_1456 = arith.constant 0 : i32
    %swap3A_1457 = arith.index_cast %swap3A_1456 : i32 to index
    %swap3A_1458 = arith.constant 368 : index
    %swap3A_1459 = tpu.vector_load %arg11[%swap3A_1457, %swap3A_1458] {strides = array<i32>} : memref<1x512xf32, #tpu.memory_space<vmem>>, vector<1x16xf32>,
    %swap3A_1460 = vector.shape_cast %swap3A_1459 : vector<1x16xf32> to vector<16xf32>
    %swap3A_1461 = vector.shape_cast %exp3A_1455 : vector<16xf32> to vector<1x16xf32>
    tpu.vector_store %arg11[%swap3A_1457, %swap3A_1458], %swap3A_1461 {strides = array<i32>} : memref<1x512xf32, #tpu.memory_space<vmem>>, vector<1x16xf32>,
    %dma_wait3A_1462 = arith.constant 0 : i32
    %dma_wait3A_1463 = arith.constant 256 : i32
    %dma_wait3A_1464 = tpu.memref_slice %arg10[%dma_wait3A_1462, %dma_wait3A_1463] : memref<1x512xf32, #tpu.memory_space<vmem>> -> memref<1x128xf32, #tpu.memory_space<vmem>>
    %dma_wait3A_1465 = arith.constant 0 : i32
    %dma_wait3A_1466 = arith.constant 256 : i32
    %dma_wait3A_1467 = tpu.memref_slice %arg8[%dma_wait3A_1465, %dma_wait3A_1466] : memref<1x512xi32, #tpu.memory_space<vmem>> -> memref<1x128xi32, #tpu.memory_space<vmem>>
    %dma_wait3A_1468 = arith.constant 0 : i32
    %dma_wait3A_1469 = arith.constant 0 : i32
    %dma_wait3A_1470 = tpu.memref_slice %arg4[%dma_wait3A_1468, %dma_wait3A_1469] : memref<1x1000000xf32, #tpu.memory_space<hbm>> -> memref<1x1000000xf32, #tpu.memory_space<hbm>>
    tpu.wait_indirect_dma semaphore(%arg16 : memref<!tpu.dma_semaphore, #tpu.memory_space<semaphore_mem>>) src(%dma_wait3A_1470 : memref<1x1000000xf32, #tpu.memory_space<hbm>>) dst(%dma_wait3A_1464 : memref<1x128xf32, #tpu.memory_space<vmem>>)
    %dma_wait3A_1471 = arith.constant 0 : i32
    %dma_wait3A_1472 = arith.constant 256 : i32
    %dma_wait3A_1473 = tpu.memref_slice %arg12[%dma_wait3A_1471, %dma_wait3A_1472] : memref<1x512xf32, #tpu.memory_space<vmem>> -> memref<1x128xf32, #tpu.memory_space<vmem>>
    %dma_wait3A_1474 = arith.constant 0 : i32
    %dma_wait3A_1475 = arith.constant 256 : i32
    %dma_wait3A_1476 = tpu.memref_slice %arg9[%dma_wait3A_1474, %dma_wait3A_1475] : memref<1x512xi32, #tpu.memory_space<vmem>> -> memref<1x128xi32, #tpu.memory_space<vmem>>
    %dma_wait3A_1477 = arith.constant 0 : i32
    %dma_wait3A_1478 = arith.constant 0 : i32
    %dma_wait3A_1479 = tpu.memref_slice %arg6[%dma_wait3A_1477, %dma_wait3A_1478] : memref<1x100000xf32, #tpu.memory_space<hbm>> -> memref<1x100000xf32, #tpu.memory_space<hbm>>
    tpu.wait_indirect_dma semaphore(%arg16 : memref<!tpu.dma_semaphore, #tpu.memory_space<semaphore_mem>>) src(%dma_wait3A_1479 : memref<1x100000xf32, #tpu.memory_space<hbm>>) dst(%dma_wait3A_1473 : memref<1x128xf32, #tpu.memory_space<vmem>>)
    %get3A_1480 = arith.constant 0 : i32
    %get3A_1481 = arith.index_cast %get3A_1480 : i32 to index
    %get3A_1482 = arith.constant 256 : index
    %get3A_1483 = tpu.vector_load %arg10[%get3A_1481, %get3A_1482] {strides = array<i32>} : memref<1x512xf32, #tpu.memory_space<vmem>>, vector<1x16xf32>,
    %get3A_1484 = vector.shape_cast %get3A_1483 : vector<1x16xf32> to vector<16xf32>
    %get3A_1485 = arith.constant 0 : i32
    %get3A_1486 = arith.index_cast %get3A_1485 : i32 to index
    %get3A_1487 = arith.constant 256 : index
    %get3A_1488 = tpu.vector_load %arg12[%get3A_1486, %get3A_1487] {strides = array<i32>} : memref<1x512xf32, #tpu.memory_space<vmem>>, vector<1x16xf32>,
    %get3A_1489 = vector.shape_cast %get3A_1488 : vector<1x16xf32> to vector<16xf32>
    %sub3A_1490 = arith.subf %get3A_1484, %get3A_1489 : vector<16xf32>
    %mul3A_1491 = arith.constant 3.400000e+00 : f32
    %mul3A_1492 = vector.broadcast %mul3A_1491 : f32 to vector<16xf32>
    %mul3A_1493 = arith.mulf %mul3A_1492, %sub3A_1490 : vector<16xf32>
    %get3A_1494 = arith.constant 0 : i32
    %get3A_1495 = arith.index_cast %get3A_1494 : i32 to index
    %get3A_1496 = arith.constant 256 : index
    %get3A_1497 = tpu.vector_load %arg11[%get3A_1495, %get3A_1496] {strides = array<i32>} : memref<1x512xf32, #tpu.memory_space<vmem>>, vector<1x16xf32>,
    %get3A_1498 = vector.shape_cast %get3A_1497 : vector<1x16xf32> to vector<16xf32>
    %add3A_1499 = arith.constant 1.000000e+00 : f32
    %add3A_1500 = vector.broadcast %add3A_1499 : f32 to vector<16xf32>
    %add3A_1501 = arith.addf %add3A_1500, %get3A_1498 : vector<16xf32>
    %div3A_1502 = arith.divf %mul3A_1493, %add3A_1501 : vector<16xf32>
    %neg3A_1503 = arith.constant 0.000000e+00 : f32
    %neg3A_1504 = vector.broadcast %neg3A_1503 : f32 to vector<16xf32>
    %neg3A_1505 = arith.subf %neg3A_1504, %div3A_1502 : vector<16xf32>
    %exp3A_1506 = math.exp %neg3A_1505 : vector<16xf32>
    %swap3A_1507 = arith.constant 0 : i32
    %swap3A_1508 = arith.index_cast %swap3A_1507 : i32 to index
    %swap3A_1509 = arith.constant 256 : index
    %swap3A_1510 = tpu.vector_load %arg10[%swap3A_1508, %swap3A_1509] {strides = array<i32>} : memref<1x512xf32, #tpu.memory_space<vmem>>, vector<1x16xf32>,
    %swap3A_1511 = vector.shape_cast %swap3A_1510 : vector<1x16xf32> to vector<16xf32>
    %swap3A_1512 = vector.shape_cast %exp3A_1506 : vector<16xf32> to vector<1x16xf32>
    tpu.vector_store %arg10[%swap3A_1508, %swap3A_1509], %swap3A_1512 {strides = array<i32>} : memref<1x512xf32, #tpu.memory_space<vmem>>, vector<1x16xf32>,
    %get3A_1513 = arith.constant 0 : i32
    %get3A_1514 = arith.index_cast %get3A_1513 : i32 to index
    %get3A_1515 = arith.constant 272 : index
    %get3A_1516 = tpu.vector_load %arg10[%get3A_1514, %get3A_1515] {strides = array<i32>} : memref<1x512xf32, #tpu.memory_space<vmem>>, vector<1x16xf32>,
    %get3A_1517 = vector.shape_cast %get3A_1516 : vector<1x16xf32> to vector<16xf32>
    %get3A_1518 = arith.constant 0 : i32
    %get3A_1519 = arith.index_cast %get3A_1518 : i32 to index
    %get3A_1520 = arith.constant 272 : index
    %get3A_1521 = tpu.vector_load %arg12[%get3A_1519, %get3A_1520] {strides = array<i32>} : memref<1x512xf32, #tpu.memory_space<vmem>>, vector<1x16xf32>,
    %get3A_1522 = vector.shape_cast %get3A_1521 : vector<1x16xf32> to vector<16xf32>
    %sub3A_1523 = arith.subf %get3A_1517, %get3A_1522 : vector<16xf32>
    %mul3A_1524 = arith.constant 3.400000e+00 : f32
    %mul3A_1525 = vector.broadcast %mul3A_1524 : f32 to vector<16xf32>
    %mul3A_1526 = arith.mulf %mul3A_1525, %sub3A_1523 : vector<16xf32>
    %get3A_1527 = arith.constant 0 : i32
    %get3A_1528 = arith.index_cast %get3A_1527 : i32 to index
    %get3A_1529 = arith.constant 272 : index
    %get3A_1530 = tpu.vector_load %arg11[%get3A_1528, %get3A_1529] {strides = array<i32>} : memref<1x512xf32, #tpu.memory_space<vmem>>, vector<1x16xf32>,
    %get3A_1531 = vector.shape_cast %get3A_1530 : vector<1x16xf32> to vector<16xf32>
    %add3A_1532 = arith.constant 1.000000e+00 : f32
    %add3A_1533 = vector.broadcast %add3A_1532 : f32 to vector<16xf32>
    %add3A_1534 = arith.addf %add3A_1533, %get3A_1531 : vector<16xf32>
    %div3A_1535 = arith.divf %mul3A_1526, %add3A_1534 : vector<16xf32>
    %neg3A_1536 = arith.constant 0.000000e+00 : f32
    %neg3A_1537 = vector.broadcast %neg3A_1536 : f32 to vector<16xf32>
    %neg3A_1538 = arith.subf %neg3A_1537, %div3A_1535 : vector<16xf32>
    %exp3A_1539 = math.exp %neg3A_1538 : vector<16xf32>
    %swap3A_1540 = arith.constant 0 : i32
    %swap3A_1541 = arith.index_cast %swap3A_1540 : i32 to index
    %swap3A_1542 = arith.constant 272 : index
    %swap3A_1543 = tpu.vector_load %arg10[%swap3A_1541, %swap3A_1542] {strides = array<i32>} : memref<1x512xf32, #tpu.memory_space<vmem>>, vector<1x16xf32>,
    %swap3A_1544 = vector.shape_cast %swap3A_1543 : vector<1x16xf32> to vector<16xf32>
    %swap3A_1545 = vector.shape_cast %exp3A_1539 : vector<16xf32> to vector<1x16xf32>
    tpu.vector_store %arg10[%swap3A_1541, %swap3A_1542], %swap3A_1545 {strides = array<i32>} : memref<1x512xf32, #tpu.memory_space<vmem>>, vector<1x16xf32>,
    %get3A_1546 = arith.constant 0 : i32
    %get3A_1547 = arith.index_cast %get3A_1546 : i32 to index
    %get3A_1548 = arith.constant 288 : index
    %get3A_1549 = tpu.vector_load %arg10[%get3A_1547, %get3A_1548] {strides = array<i32>} : memref<1x512xf32, #tpu.memory_space<vmem>>, vector<1x16xf32>,
    %get3A_1550 = vector.shape_cast %get3A_1549 : vector<1x16xf32> to vector<16xf32>
    %get3A_1551 = arith.constant 0 : i32
    %get3A_1552 = arith.index_cast %get3A_1551 : i32 to index
    %get3A_1553 = arith.constant 288 : index
    %get3A_1554 = tpu.vector_load %arg12[%get3A_1552, %get3A_1553] {strides = array<i32>} : memref<1x512xf32, #tpu.memory_space<vmem>>, vector<1x16xf32>,
    %get3A_1555 = vector.shape_cast %get3A_1554 : vector<1x16xf32> to vector<16xf32>
    %sub3A_1556 = arith.subf %get3A_1550, %get3A_1555 : vector<16xf32>
    %mul3A_1557 = arith.constant 3.400000e+00 : f32
    %mul3A_1558 = vector.broadcast %mul3A_1557 : f32 to vector<16xf32>
    %mul3A_1559 = arith.mulf %mul3A_1558, %sub3A_1556 : vector<16xf32>
    %get3A_1560 = arith.constant 0 : i32
    %get3A_1561 = arith.index_cast %get3A_1560 : i32 to index
    %get3A_1562 = arith.constant 288 : index
    %get3A_1563 = tpu.vector_load %arg11[%get3A_1561, %get3A_1562] {strides = array<i32>} : memref<1x512xf32, #tpu.memory_space<vmem>>, vector<1x16xf32>,
    %get3A_1564 = vector.shape_cast %get3A_1563 : vector<1x16xf32> to vector<16xf32>
    %add3A_1565 = arith.constant 1.000000e+00 : f32
    %add3A_1566 = vector.broadcast %add3A_1565 : f32 to vector<16xf32>
    %add3A_1567 = arith.addf %add3A_1566, %get3A_1564 : vector<16xf32>
    %div3A_1568 = arith.divf %mul3A_1559, %add3A_1567 : vector<16xf32>
    %neg3A_1569 = arith.constant 0.000000e+00 : f32
    %neg3A_1570 = vector.broadcast %neg3A_1569 : f32 to vector<16xf32>
    %neg3A_1571 = arith.subf %neg3A_1570, %div3A_1568 : vector<16xf32>
    %exp3A_1572 = math.exp %neg3A_1571 : vector<16xf32>
    %swap3A_1573 = arith.constant 0 : i32
    %swap3A_1574 = arith.index_cast %swap3A_1573 : i32 to index
    %swap3A_1575 = arith.constant 288 : index
    %swap3A_1576 = tpu.vector_load %arg10[%swap3A_1574, %swap3A_1575] {strides = array<i32>} : memref<1x512xf32, #tpu.memory_space<vmem>>, vector<1x16xf32>,
    %swap3A_1577 = vector.shape_cast %swap3A_1576 : vector<1x16xf32> to vector<16xf32>
    %swap3A_1578 = vector.shape_cast %exp3A_1572 : vector<16xf32> to vector<1x16xf32>
    tpu.vector_store %arg10[%swap3A_1574, %swap3A_1575], %swap3A_1578 {strides = array<i32>} : memref<1x512xf32, #tpu.memory_space<vmem>>, vector<1x16xf32>,
    %get3A_1579 = arith.constant 0 : i32
    %get3A_1580 = arith.index_cast %get3A_1579 : i32 to index
    %get3A_1581 = arith.constant 304 : index
    %get3A_1582 = tpu.vector_load %arg10[%get3A_1580, %get3A_1581] {strides = array<i32>} : memref<1x512xf32, #tpu.memory_space<vmem>>, vector<1x16xf32>,
    %get3A_1583 = vector.shape_cast %get3A_1582 : vector<1x16xf32> to vector<16xf32>
    %get3A_1584 = arith.constant 0 : i32
    %get3A_1585 = arith.index_cast %get3A_1584 : i32 to index
    %get3A_1586 = arith.constant 304 : index
    %get3A_1587 = tpu.vector_load %arg12[%get3A_1585, %get3A_1586] {strides = array<i32>} : memref<1x512xf32, #tpu.memory_space<vmem>>, vector<1x16xf32>,
    %get3A_1588 = vector.shape_cast %get3A_1587 : vector<1x16xf32> to vector<16xf32>
    %sub3A_1589 = arith.subf %get3A_1583, %get3A_1588 : vector<16xf32>
    %mul3A_1590 = arith.constant 3.400000e+00 : f32
    %mul3A_1591 = vector.broadcast %mul3A_1590 : f32 to vector<16xf32>
    %mul3A_1592 = arith.mulf %mul3A_1591, %sub3A_1589 : vector<16xf32>
    %get3A_1593 = arith.constant 0 : i32
    %get3A_1594 = arith.index_cast %get3A_1593 : i32 to index
    %get3A_1595 = arith.constant 304 : index
    %get3A_1596 = tpu.vector_load %arg11[%get3A_1594, %get3A_1595] {strides = array<i32>} : memref<1x512xf32, #tpu.memory_space<vmem>>, vector<1x16xf32>,
    %get3A_1597 = vector.shape_cast %get3A_1596 : vector<1x16xf32> to vector<16xf32>
    %add3A_1598 = arith.constant 1.000000e+00 : f32
    %add3A_1599 = vector.broadcast %add3A_1598 : f32 to vector<16xf32>
    %add3A_1600 = arith.addf %add3A_1599, %get3A_1597 : vector<16xf32>
    %div3A_1601 = arith.divf %mul3A_1592, %add3A_1600 : vector<16xf32>
    %neg3A_1602 = arith.constant 0.000000e+00 : f32
    %neg3A_1603 = vector.broadcast %neg3A_1602 : f32 to vector<16xf32>
    %neg3A_1604 = arith.subf %neg3A_1603, %div3A_1601 : vector<16xf32>
    %exp3A_1605 = math.exp %neg3A_1604 : vector<16xf32>
    %swap3A_1606 = arith.constant 0 : i32
    %swap3A_1607 = arith.index_cast %swap3A_1606 : i32 to index
    %swap3A_1608 = arith.constant 304 : index
    %swap3A_1609 = tpu.vector_load %arg10[%swap3A_1607, %swap3A_1608] {strides = array<i32>} : memref<1x512xf32, #tpu.memory_space<vmem>>, vector<1x16xf32>,
    %swap3A_1610 = vector.shape_cast %swap3A_1609 : vector<1x16xf32> to vector<16xf32>
    %swap3A_1611 = vector.shape_cast %exp3A_1605 : vector<16xf32> to vector<1x16xf32>
    tpu.vector_store %arg10[%swap3A_1607, %swap3A_1608], %swap3A_1611 {strides = array<i32>} : memref<1x512xf32, #tpu.memory_space<vmem>>, vector<1x16xf32>,
    %get3A_1612 = arith.constant 0 : i32
    %get3A_1613 = arith.index_cast %get3A_1612 : i32 to index
    %get3A_1614 = arith.constant 320 : index
    %get3A_1615 = tpu.vector_load %arg10[%get3A_1613, %get3A_1614] {strides = array<i32>} : memref<1x512xf32, #tpu.memory_space<vmem>>, vector<1x16xf32>,
    %get3A_1616 = vector.shape_cast %get3A_1615 : vector<1x16xf32> to vector<16xf32>
    %get3A_1617 = arith.constant 0 : i32
    %get3A_1618 = arith.index_cast %get3A_1617 : i32 to index
    %get3A_1619 = arith.constant 320 : index
    %get3A_1620 = tpu.vector_load %arg12[%get3A_1618, %get3A_1619] {strides = array<i32>} : memref<1x512xf32, #tpu.memory_space<vmem>>, vector<1x16xf32>,
    %get3A_1621 = vector.shape_cast %get3A_1620 : vector<1x16xf32> to vector<16xf32>
    %sub3A_1622 = arith.subf %get3A_1616, %get3A_1621 : vector<16xf32>
    %mul3A_1623 = arith.constant 3.400000e+00 : f32
    %mul3A_1624 = vector.broadcast %mul3A_1623 : f32 to vector<16xf32>
    %mul3A_1625 = arith.mulf %mul3A_1624, %sub3A_1622 : vector<16xf32>
    %get3A_1626 = arith.constant 0 : i32
    %get3A_1627 = arith.index_cast %get3A_1626 : i32 to index
    %get3A_1628 = arith.constant 320 : index
    %get3A_1629 = tpu.vector_load %arg11[%get3A_1627, %get3A_1628] {strides = array<i32>} : memref<1x512xf32, #tpu.memory_space<vmem>>, vector<1x16xf32>,
    %get3A_1630 = vector.shape_cast %get3A_1629 : vector<1x16xf32> to vector<16xf32>
    %add3A_1631 = arith.constant 1.000000e+00 : f32
    %add3A_1632 = vector.broadcast %add3A_1631 : f32 to vector<16xf32>
    %add3A_1633 = arith.addf %add3A_1632, %get3A_1630 : vector<16xf32>
    %div3A_1634 = arith.divf %mul3A_1625, %add3A_1633 : vector<16xf32>
    %neg3A_1635 = arith.constant 0.000000e+00 : f32
    %neg3A_1636 = vector.broadcast %neg3A_1635 : f32 to vector<16xf32>
    %neg3A_1637 = arith.subf %neg3A_1636, %div3A_1634 : vector<16xf32>
    %exp3A_1638 = math.exp %neg3A_1637 : vector<16xf32>
    %swap3A_1639 = arith.constant 0 : i32
    %swap3A_1640 = arith.index_cast %swap3A_1639 : i32 to index
    %swap3A_1641 = arith.constant 320 : index
    %swap3A_1642 = tpu.vector_load %arg10[%swap3A_1640, %swap3A_1641] {strides = array<i32>} : memref<1x512xf32, #tpu.memory_space<vmem>>, vector<1x16xf32>,
    %swap3A_1643 = vector.shape_cast %swap3A_1642 : vector<1x16xf32> to vector<16xf32>
    %swap3A_1644 = vector.shape_cast %exp3A_1638 : vector<16xf32> to vector<1x16xf32>
    tpu.vector_store %arg10[%swap3A_1640, %swap3A_1641], %swap3A_1644 {strides = array<i32>} : memref<1x512xf32, #tpu.memory_space<vmem>>, vector<1x16xf32>,
    %get3A_1645 = arith.constant 0 : i32
    %get3A_1646 = arith.index_cast %get3A_1645 : i32 to index
    %get3A_1647 = arith.constant 336 : index
    %get3A_1648 = tpu.vector_load %arg10[%get3A_1646, %get3A_1647] {strides = array<i32>} : memref<1x512xf32, #tpu.memory_space<vmem>>, vector<1x16xf32>,
    %get3A_1649 = vector.shape_cast %get3A_1648 : vector<1x16xf32> to vector<16xf32>
    %get3A_1650 = arith.constant 0 : i32
    %get3A_1651 = arith.index_cast %get3A_1650 : i32 to index
    %get3A_1652 = arith.constant 336 : index
    %get3A_1653 = tpu.vector_load %arg12[%get3A_1651, %get3A_1652] {strides = array<i32>} : memref<1x512xf32, #tpu.memory_space<vmem>>, vector<1x16xf32>,
    %get3A_1654 = vector.shape_cast %get3A_1653 : vector<1x16xf32> to vector<16xf32>
    %sub3A_1655 = arith.subf %get3A_1649, %get3A_1654 : vector<16xf32>
    %mul3A_1656 = arith.constant 3.400000e+00 : f32
    %mul3A_1657 = vector.broadcast %mul3A_1656 : f32 to vector<16xf32>
    %mul3A_1658 = arith.mulf %mul3A_1657, %sub3A_1655 : vector<16xf32>
    %get3A_1659 = arith.constant 0 : i32
    %get3A_1660 = arith.index_cast %get3A_1659 : i32 to index
    %get3A_1661 = arith.constant 336 : index
    %get3A_1662 = tpu.vector_load %arg11[%get3A_1660, %get3A_1661] {strides = array<i32>} : memref<1x512xf32, #tpu.memory_space<vmem>>, vector<1x16xf32>,
    %get3A_1663 = vector.shape_cast %get3A_1662 : vector<1x16xf32> to vector<16xf32>
    %add3A_1664 = arith.constant 1.000000e+00 : f32
    %add3A_1665 = vector.broadcast %add3A_1664 : f32 to vector<16xf32>
    %add3A_1666 = arith.addf %add3A_1665, %get3A_1663 : vector<16xf32>
    %div3A_1667 = arith.divf %mul3A_1658, %add3A_1666 : vector<16xf32>
    %neg3A_1668 = arith.constant 0.000000e+00 : f32
    %neg3A_1669 = vector.broadcast %neg3A_1668 : f32 to vector<16xf32>
    %neg3A_1670 = arith.subf %neg3A_1669, %div3A_1667 : vector<16xf32>
    %exp3A_1671 = math.exp %neg3A_1670 : vector<16xf32>
    %swap3A_1672 = arith.constant 0 : i32
    %swap3A_1673 = arith.index_cast %swap3A_1672 : i32 to index
    %swap3A_1674 = arith.constant 336 : index
    %swap3A_1675 = tpu.vector_load %arg10[%swap3A_1673, %swap3A_1674] {strides = array<i32>} : memref<1x512xf32, #tpu.memory_space<vmem>>, vector<1x16xf32>,
    %swap3A_1676 = vector.shape_cast %swap3A_1675 : vector<1x16xf32> to vector<16xf32>
    %swap3A_1677 = vector.shape_cast %exp3A_1671 : vector<16xf32> to vector<1x16xf32>
    tpu.vector_store %arg10[%swap3A_1673, %swap3A_1674], %swap3A_1677 {strides = array<i32>} : memref<1x512xf32, #tpu.memory_space<vmem>>, vector<1x16xf32>,
    %get3A_1678 = arith.constant 0 : i32
    %get3A_1679 = arith.index_cast %get3A_1678 : i32 to index
    %get3A_1680 = arith.constant 352 : index
    %get3A_1681 = tpu.vector_load %arg10[%get3A_1679, %get3A_1680] {strides = array<i32>} : memref<1x512xf32, #tpu.memory_space<vmem>>, vector<1x16xf32>,
    %get3A_1682 = vector.shape_cast %get3A_1681 : vector<1x16xf32> to vector<16xf32>
    %get3A_1683 = arith.constant 0 : i32
    %get3A_1684 = arith.index_cast %get3A_1683 : i32 to index
    %get3A_1685 = arith.constant 352 : index
    %get3A_1686 = tpu.vector_load %arg12[%get3A_1684, %get3A_1685] {strides = array<i32>} : memref<1x512xf32, #tpu.memory_space<vmem>>, vector<1x16xf32>,
    %get3A_1687 = vector.shape_cast %get3A_1686 : vector<1x16xf32> to vector<16xf32>
    %sub3A_1688 = arith.subf %get3A_1682, %get3A_1687 : vector<16xf32>
    %mul3A_1689 = arith.constant 3.400000e+00 : f32
    %mul3A_1690 = vector.broadcast %mul3A_1689 : f32 to vector<16xf32>
    %mul3A_1691 = arith.mulf %mul3A_1690, %sub3A_1688 : vector<16xf32>
    %get3A_1692 = arith.constant 0 : i32
    %get3A_1693 = arith.index_cast %get3A_1692 : i32 to index
    %get3A_1694 = arith.constant 352 : index
    %get3A_1695 = tpu.vector_load %arg11[%get3A_1693, %get3A_1694] {strides = array<i32>} : memref<1x512xf32, #tpu.memory_space<vmem>>, vector<1x16xf32>,
    %get3A_1696 = vector.shape_cast %get3A_1695 : vector<1x16xf32> to vector<16xf32>
    %add3A_1697 = arith.constant 1.000000e+00 : f32
    %add3A_1698 = vector.broadcast %add3A_1697 : f32 to vector<16xf32>
    %add3A_1699 = arith.addf %add3A_1698, %get3A_1696 : vector<16xf32>
    %div3A_1700 = arith.divf %mul3A_1691, %add3A_1699 : vector<16xf32>
    %neg3A_1701 = arith.constant 0.000000e+00 : f32
    %neg3A_1702 = vector.broadcast %neg3A_1701 : f32 to vector<16xf32>
    %neg3A_1703 = arith.subf %neg3A_1702, %div3A_1700 : vector<16xf32>
    %exp3A_1704 = math.exp %neg3A_1703 : vector<16xf32>
    %swap3A_1705 = arith.constant 0 : i32
    %swap3A_1706 = arith.index_cast %swap3A_1705 : i32 to index
    %swap3A_1707 = arith.constant 352 : index
    %swap3A_1708 = tpu.vector_load %arg10[%swap3A_1706, %swap3A_1707] {strides = array<i32>} : memref<1x512xf32, #tpu.memory_space<vmem>>, vector<1x16xf32>,
    %swap3A_1709 = vector.shape_cast %swap3A_1708 : vector<1x16xf32> to vector<16xf32>
    %swap3A_1710 = vector.shape_cast %exp3A_1704 : vector<16xf32> to vector<1x16xf32>
    tpu.vector_store %arg10[%swap3A_1706, %swap3A_1707], %swap3A_1710 {strides = array<i32>} : memref<1x512xf32, #tpu.memory_space<vmem>>, vector<1x16xf32>,
    %get3A_1711 = arith.constant 0 : i32
    %get3A_1712 = arith.index_cast %get3A_1711 : i32 to index
    %get3A_1713 = arith.constant 368 : index
    %get3A_1714 = tpu.vector_load %arg10[%get3A_1712, %get3A_1713] {strides = array<i32>} : memref<1x512xf32, #tpu.memory_space<vmem>>, vector<1x16xf32>,
    %get3A_1715 = vector.shape_cast %get3A_1714 : vector<1x16xf32> to vector<16xf32>
    %get3A_1716 = arith.constant 0 : i32
    %get3A_1717 = arith.index_cast %get3A_1716 : i32 to index
    %get3A_1718 = arith.constant 368 : index
    %get3A_1719 = tpu.vector_load %arg12[%get3A_1717, %get3A_1718] {strides = array<i32>} : memref<1x512xf32, #tpu.memory_space<vmem>>, vector<1x16xf32>,
    %get3A_1720 = vector.shape_cast %get3A_1719 : vector<1x16xf32> to vector<16xf32>
    %sub3A_1721 = arith.subf %get3A_1715, %get3A_1720 : vector<16xf32>
    %mul3A_1722 = arith.constant 3.400000e+00 : f32
    %mul3A_1723 = vector.broadcast %mul3A_1722 : f32 to vector<16xf32>
    %mul3A_1724 = arith.mulf %mul3A_1723, %sub3A_1721 : vector<16xf32>
    %get3A_1725 = arith.constant 0 : i32
    %get3A_1726 = arith.index_cast %get3A_1725 : i32 to index
    %get3A_1727 = arith.constant 368 : index
    %get3A_1728 = tpu.vector_load %arg11[%get3A_1726, %get3A_1727] {strides = array<i32>} : memref<1x512xf32, #tpu.memory_space<vmem>>, vector<1x16xf32>,
    %get3A_1729 = vector.shape_cast %get3A_1728 : vector<1x16xf32> to vector<16xf32>
    %add3A_1730 = arith.constant 1.000000e+00 : f32
    %add3A_1731 = vector.broadcast %add3A_1730 : f32 to vector<16xf32>
    %add3A_1732 = arith.addf %add3A_1731, %get3A_1729 : vector<16xf32>
    %div3A_1733 = arith.divf %mul3A_1724, %add3A_1732 : vector<16xf32>
    %neg3A_1734 = arith.constant 0.000000e+00 : f32
    %neg3A_1735 = vector.broadcast %neg3A_1734 : f32 to vector<16xf32>
    %neg3A_1736 = arith.subf %neg3A_1735, %div3A_1733 : vector<16xf32>
    %exp3A_1737 = math.exp %neg3A_1736 : vector<16xf32>
    %swap3A_1738 = arith.constant 0 : i32
    %swap3A_1739 = arith.index_cast %swap3A_1738 : i32 to index
    %swap3A_1740 = arith.constant 368 : index
    %swap3A_1741 = tpu.vector_load %arg10[%swap3A_1739, %swap3A_1740] {strides = array<i32>} : memref<1x512xf32, #tpu.memory_space<vmem>>, vector<1x16xf32>,
    %swap3A_1742 = vector.shape_cast %swap3A_1741 : vector<1x16xf32> to vector<16xf32>
    %swap3A_1743 = vector.shape_cast %exp3A_1737 : vector<16xf32> to vector<1x16xf32>
    tpu.vector_store %arg10[%swap3A_1739, %swap3A_1740], %swap3A_1743 {strides = array<i32>} : memref<1x512xf32, #tpu.memory_space<vmem>>, vector<1x16xf32>,
    %get3A_1744 = arith.constant 0 : i32
    %get3A_1745 = arith.index_cast %get3A_1744 : i32 to index
    %get3A_1746 = arith.constant 256 : index
    %get3A_1747 = tpu.vector_load %arg10[%get3A_1745, %get3A_1746] {strides = array<i32>} : memref<1x512xf32, #tpu.memory_space<vmem>>, vector<1x16xf32>,
    %get3A_1748 = vector.shape_cast %get3A_1747 : vector<1x16xf32> to vector<16xf32>
    %add3A_1749 = arith.constant 1.000000e+00 : f32
    %add3A_1750 = vector.broadcast %add3A_1749 : f32 to vector<16xf32>
    %add3A_1751 = arith.addf %add3A_1750, %get3A_1748 : vector<16xf32>
    %div3A_1752 = arith.constant 1.000000e+00 : f32
    %div3A_1753 = vector.broadcast %div3A_1752 : f32 to vector<16xf32>
    %div3A_1754 = arith.divf %div3A_1753, %add3A_1751 : vector<16xf32>
    %swap3A_1755 = arith.constant 256 : index
    %swap3A_1756 = tpu.vector_load %arg13[%swap3A_1755] {strides = array<i32>} : memref<512xf32, #tpu.memory_space<vmem>>, vector<16xf32>,
    %swap3A_1757 = vector.shape_cast %swap3A_1756 : vector<16xf32> to vector<16xf32>
    %swap3A_1758 = vector.shape_cast %div3A_1754 : vector<16xf32> to vector<16xf32>
    tpu.vector_store %arg13[%swap3A_1755], %swap3A_1758 {strides = array<i32>} : memref<512xf32, #tpu.memory_space<vmem>>, vector<16xf32>,
    %get3A_1759 = arith.constant 0 : i32
    %get3A_1760 = arith.index_cast %get3A_1759 : i32 to index
    %get3A_1761 = arith.constant 272 : index
    %get3A_1762 = tpu.vector_load %arg10[%get3A_1760, %get3A_1761] {strides = array<i32>} : memref<1x512xf32, #tpu.memory_space<vmem>>, vector<1x16xf32>,
    %get3A_1763 = vector.shape_cast %get3A_1762 : vector<1x16xf32> to vector<16xf32>
    %add3A_1764 = arith.constant 1.000000e+00 : f32
    %add3A_1765 = vector.broadcast %add3A_1764 : f32 to vector<16xf32>
    %add3A_1766 = arith.addf %add3A_1765, %get3A_1763 : vector<16xf32>
    %div3A_1767 = arith.constant 1.000000e+00 : f32
    %div3A_1768 = vector.broadcast %div3A_1767 : f32 to vector<16xf32>
    %div3A_1769 = arith.divf %div3A_1768, %add3A_1766 : vector<16xf32>
    %swap3A_1770 = arith.constant 272 : index
    %swap3A_1771 = tpu.vector_load %arg13[%swap3A_1770] {strides = array<i32>} : memref<512xf32, #tpu.memory_space<vmem>>, vector<16xf32>,
    %swap3A_1772 = vector.shape_cast %swap3A_1771 : vector<16xf32> to vector<16xf32>
    %swap3A_1773 = vector.shape_cast %div3A_1769 : vector<16xf32> to vector<16xf32>
    tpu.vector_store %arg13[%swap3A_1770], %swap3A_1773 {strides = array<i32>} : memref<512xf32, #tpu.memory_space<vmem>>, vector<16xf32>,
    %get3A_1774 = arith.constant 0 : i32
    %get3A_1775 = arith.index_cast %get3A_1774 : i32 to index
    %get3A_1776 = arith.constant 288 : index
    %get3A_1777 = tpu.vector_load %arg10[%get3A_1775, %get3A_1776] {strides = array<i32>} : memref<1x512xf32, #tpu.memory_space<vmem>>, vector<1x16xf32>,
    %get3A_1778 = vector.shape_cast %get3A_1777 : vector<1x16xf32> to vector<16xf32>
    %add3A_1779 = arith.constant 1.000000e+00 : f32
    %add3A_1780 = vector.broadcast %add3A_1779 : f32 to vector<16xf32>
    %add3A_1781 = arith.addf %add3A_1780, %get3A_1778 : vector<16xf32>
    %div3A_1782 = arith.constant 1.000000e+00 : f32
    %div3A_1783 = vector.broadcast %div3A_1782 : f32 to vector<16xf32>
    %div3A_1784 = arith.divf %div3A_1783, %add3A_1781 : vector<16xf32>
    %swap3A_1785 = arith.constant 288 : index
    %swap3A_1786 = tpu.vector_load %arg13[%swap3A_1785] {strides = array<i32>} : memref<512xf32, #tpu.memory_space<vmem>>, vector<16xf32>,
    %swap3A_1787 = vector.shape_cast %swap3A_1786 : vector<16xf32> to vector<16xf32>
    %swap3A_1788 = vector.shape_cast %div3A_1784 : vector<16xf32> to vector<16xf32>
    tpu.vector_store %arg13[%swap3A_1785], %swap3A_1788 {strides = array<i32>} : memref<512xf32, #tpu.memory_space<vmem>>, vector<16xf32>,
    %get3A_1789 = arith.constant 0 : i32
    %get3A_1790 = arith.index_cast %get3A_1789 : i32 to index
    %get3A_1791 = arith.constant 304 : index
    %get3A_1792 = tpu.vector_load %arg10[%get3A_1790, %get3A_1791] {strides = array<i32>} : memref<1x512xf32, #tpu.memory_space<vmem>>, vector<1x16xf32>,
    %get3A_1793 = vector.shape_cast %get3A_1792 : vector<1x16xf32> to vector<16xf32>
    %add3A_1794 = arith.constant 1.000000e+00 : f32
    %add3A_1795 = vector.broadcast %add3A_1794 : f32 to vector<16xf32>
    %add3A_1796 = arith.addf %add3A_1795, %get3A_1793 : vector<16xf32>
    %div3A_1797 = arith.constant 1.000000e+00 : f32
    %div3A_1798 = vector.broadcast %div3A_1797 : f32 to vector<16xf32>
    %div3A_1799 = arith.divf %div3A_1798, %add3A_1796 : vector<16xf32>
    %swap3A_1800 = arith.constant 304 : index
    %swap3A_1801 = tpu.vector_load %arg13[%swap3A_1800] {strides = array<i32>} : memref<512xf32, #tpu.memory_space<vmem>>, vector<16xf32>,
    %swap3A_1802 = vector.shape_cast %swap3A_1801 : vector<16xf32> to vector<16xf32>
    %swap3A_1803 = vector.shape_cast %div3A_1799 : vector<16xf32> to vector<16xf32>
    tpu.vector_store %arg13[%swap3A_1800], %swap3A_1803 {strides = array<i32>} : memref<512xf32, #tpu.memory_space<vmem>>, vector<16xf32>,
    %get3A_1804 = arith.constant 0 : i32
    %get3A_1805 = arith.index_cast %get3A_1804 : i32 to index
    %get3A_1806 = arith.constant 320 : index
    %get3A_1807 = tpu.vector_load %arg10[%get3A_1805, %get3A_1806] {strides = array<i32>} : memref<1x512xf32, #tpu.memory_space<vmem>>, vector<1x16xf32>,
    %get3A_1808 = vector.shape_cast %get3A_1807 : vector<1x16xf32> to vector<16xf32>
    %add3A_1809 = arith.constant 1.000000e+00 : f32
    %add3A_1810 = vector.broadcast %add3A_1809 : f32 to vector<16xf32>
    %add3A_1811 = arith.addf %add3A_1810, %get3A_1808 : vector<16xf32>
    %div3A_1812 = arith.constant 1.000000e+00 : f32
    %div3A_1813 = vector.broadcast %div3A_1812 : f32 to vector<16xf32>
    %div3A_1814 = arith.divf %div3A_1813, %add3A_1811 : vector<16xf32>
    %swap3A_1815 = arith.constant 320 : index
    %swap3A_1816 = tpu.vector_load %arg13[%swap3A_1815] {strides = array<i32>} : memref<512xf32, #tpu.memory_space<vmem>>, vector<16xf32>,
    %swap3A_1817 = vector.shape_cast %swap3A_1816 : vector<16xf32> to vector<16xf32>
    %swap3A_1818 = vector.shape_cast %div3A_1814 : vector<16xf32> to vector<16xf32>
    tpu.vector_store %arg13[%swap3A_1815], %swap3A_1818 {strides = array<i32>} : memref<512xf32, #tpu.memory_space<vmem>>, vector<16xf32>,
    %get3A_1819 = arith.constant 0 : i32
    %get3A_1820 = arith.index_cast %get3A_1819 : i32 to index
    %get3A_1821 = arith.constant 336 : index
    %get3A_1822 = tpu.vector_load %arg10[%get3A_1820, %get3A_1821] {strides = array<i32>} : memref<1x512xf32, #tpu.memory_space<vmem>>, vector<1x16xf32>,
    %get3A_1823 = vector.shape_cast %get3A_1822 : vector<1x16xf32> to vector<16xf32>
    %add3A_1824 = arith.constant 1.000000e+00 : f32
    %add3A_1825 = vector.broadcast %add3A_1824 : f32 to vector<16xf32>
    %add3A_1826 = arith.addf %add3A_1825, %get3A_1823 : vector<16xf32>
    %div3A_1827 = arith.constant 1.000000e+00 : f32
    %div3A_1828 = vector.broadcast %div3A_1827 : f32 to vector<16xf32>
    %div3A_1829 = arith.divf %div3A_1828, %add3A_1826 : vector<16xf32>
    %swap3A_1830 = arith.constant 336 : index
    %swap3A_1831 = tpu.vector_load %arg13[%swap3A_1830] {strides = array<i32>} : memref<512xf32, #tpu.memory_space<vmem>>, vector<16xf32>,
    %swap3A_1832 = vector.shape_cast %swap3A_1831 : vector<16xf32> to vector<16xf32>
    %swap3A_1833 = vector.shape_cast %div3A_1829 : vector<16xf32> to vector<16xf32>
    tpu.vector_store %arg13[%swap3A_1830], %swap3A_1833 {strides = array<i32>} : memref<512xf32, #tpu.memory_space<vmem>>, vector<16xf32>,
    %get3A_1834 = arith.constant 0 : i32
    %get3A_1835 = arith.index_cast %get3A_1834 : i32 to index
    %get3A_1836 = arith.constant 352 : index
    %get3A_1837 = tpu.vector_load %arg10[%get3A_1835, %get3A_1836] {strides = array<i32>} : memref<1x512xf32, #tpu.memory_space<vmem>>, vector<1x16xf32>,
    %get3A_1838 = vector.shape_cast %get3A_1837 : vector<1x16xf32> to vector<16xf32>
    %add3A_1839 = arith.constant 1.000000e+00 : f32
    %add3A_1840 = vector.broadcast %add3A_1839 : f32 to vector<16xf32>
    %add3A_1841 = arith.addf %add3A_1840, %get3A_1838 : vector<16xf32>
    %div3A_1842 = arith.constant 1.000000e+00 : f32
    %div3A_1843 = vector.broadcast %div3A_1842 : f32 to vector<16xf32>
    %div3A_1844 = arith.divf %div3A_1843, %add3A_1841 : vector<16xf32>
    %swap3A_1845 = arith.constant 352 : index
    %swap3A_1846 = tpu.vector_load %arg13[%swap3A_1845] {strides = array<i32>} : memref<512xf32, #tpu.memory_space<vmem>>, vector<16xf32>,
    %swap3A_1847 = vector.shape_cast %swap3A_1846 : vector<16xf32> to vector<16xf32>
    %swap3A_1848 = vector.shape_cast %div3A_1844 : vector<16xf32> to vector<16xf32>
    tpu.vector_store %arg13[%swap3A_1845], %swap3A_1848 {strides = array<i32>} : memref<512xf32, #tpu.memory_space<vmem>>, vector<16xf32>,
    %get3A_1849 = arith.constant 0 : i32
    %get3A_1850 = arith.index_cast %get3A_1849 : i32 to index
    %get3A_1851 = arith.constant 368 : index
    %get3A_1852 = tpu.vector_load %arg10[%get3A_1850, %get3A_1851] {strides = array<i32>} : memref<1x512xf32, #tpu.memory_space<vmem>>, vector<1x16xf32>,
    %get3A_1853 = vector.shape_cast %get3A_1852 : vector<1x16xf32> to vector<16xf32>
    %add3A_1854 = arith.constant 1.000000e+00 : f32
    %add3A_1855 = vector.broadcast %add3A_1854 : f32 to vector<16xf32>
    %add3A_1856 = arith.addf %add3A_1855, %get3A_1853 : vector<16xf32>
    %div3A_1857 = arith.constant 1.000000e+00 : f32
    %div3A_1858 = vector.broadcast %div3A_1857 : f32 to vector<16xf32>
    %div3A_1859 = arith.divf %div3A_1858, %add3A_1856 : vector<16xf32>
    %swap3A_1860 = arith.constant 368 : index
    %swap3A_1861 = tpu.vector_load %arg13[%swap3A_1860] {strides = array<i32>} : memref<512xf32, #tpu.memory_space<vmem>>, vector<16xf32>,
    %swap3A_1862 = vector.shape_cast %swap3A_1861 : vector<16xf32> to vector<16xf32>
    %swap3A_1863 = vector.shape_cast %div3A_1859 : vector<16xf32> to vector<16xf32>
    tpu.vector_store %arg13[%swap3A_1860], %swap3A_1863 {strides = array<i32>} : memref<512xf32, #tpu.memory_space<vmem>>, vector<16xf32>,
    %add3A_1864 = arith.constant 256 : i32
    %add3A_1865 = arith.addi %mul3A_2, %add3A_1864 : i32
    %dma_start3A_1866 = arith.constant 256 : i32
    %dma_start3A_1867 = tpu.memref_slice %arg13[%dma_start3A_1866] : memref<512xf32, #tpu.memory_space<vmem>> -> memref<128xf32, #tpu.memory_space<vmem>>
    %dma_start3A_1868 = tpu.memref_slice %arg7[%add3A_1865] : memref<16384xf32, #tpu.memory_space<hbm>> -> memref<128xf32, #tpu.memory_space<hbm>>
    %dma_start3A_1869 = tpu.memref_slice %arg7[%add3A_1865] : memref<16384xf32, #tpu.memory_space<hbm>> -> memref<128xf32, #tpu.memory_space<hbm>>
    %dma_start3A_1870 = arith.constant 256 : i32
    %dma_start3A_1871 = tpu.memref_slice %arg13[%dma_start3A_1870] : memref<512xf32, #tpu.memory_space<vmem>> -> memref<128xf32, #tpu.memory_space<vmem>>
    tpu.enqueue_dma source(%dma_start3A_1871 : memref<128xf32, #tpu.memory_space<vmem>>) target(%dma_start3A_1869 : memref<128xf32, #tpu.memory_space<hbm>>) target_semaphore(%arg18 : memref<!tpu.dma_semaphore, #tpu.memory_space<semaphore_mem>>)
    %dma_wait3A_1872 = arith.constant 0 : i32
    %dma_wait3A_1873 = arith.constant 384 : i32
    %dma_wait3A_1874 = tpu.memref_slice %arg11[%dma_wait3A_1872, %dma_wait3A_1873] : memref<1x512xf32, #tpu.memory_space<vmem>> -> memref<1x128xf32, #tpu.memory_space<vmem>>
    %dma_wait3A_1875 = arith.constant 0 : i32
    %dma_wait3A_1876 = arith.constant 384 : i32
    %dma_wait3A_1877 = tpu.memref_slice %arg9[%dma_wait3A_1875, %dma_wait3A_1876] : memref<1x512xi32, #tpu.memory_space<vmem>> -> memref<1x128xi32, #tpu.memory_space<vmem>>
    %dma_wait3A_1878 = arith.constant 0 : i32
    %dma_wait3A_1879 = arith.constant 0 : i32
    %dma_wait3A_1880 = tpu.memref_slice %arg5[%dma_wait3A_1878, %dma_wait3A_1879] : memref<1x100000xf32, #tpu.memory_space<hbm>> -> memref<1x100000xf32, #tpu.memory_space<hbm>>
    tpu.wait_indirect_dma semaphore(%arg17 : memref<!tpu.dma_semaphore, #tpu.memory_space<semaphore_mem>>) src(%dma_wait3A_1880 : memref<1x100000xf32, #tpu.memory_space<hbm>>) dst(%dma_wait3A_1874 : memref<1x128xf32, #tpu.memory_space<vmem>>)
    %get3A_1881 = arith.constant 0 : i32
    %get3A_1882 = arith.index_cast %get3A_1881 : i32 to index
    %get3A_1883 = arith.constant 384 : index
    %get3A_1884 = tpu.vector_load %arg11[%get3A_1882, %get3A_1883] {strides = array<i32>} : memref<1x512xf32, #tpu.memory_space<vmem>>, vector<1x16xf32>,
    %get3A_1885 = vector.shape_cast %get3A_1884 : vector<1x16xf32> to vector<16xf32>
    %neg3A_1886 = arith.constant 0.000000e+00 : f32
    %neg3A_1887 = vector.broadcast %neg3A_1886 : f32 to vector<16xf32>
    %neg3A_1888 = arith.subf %neg3A_1887, %get3A_1885 : vector<16xf32>
    %exp3A_1889 = math.exp %neg3A_1888 : vector<16xf32>
    %swap3A_1890 = arith.constant 0 : i32
    %swap3A_1891 = arith.index_cast %swap3A_1890 : i32 to index
    %swap3A_1892 = arith.constant 384 : index
    %swap3A_1893 = tpu.vector_load %arg11[%swap3A_1891, %swap3A_1892] {strides = array<i32>} : memref<1x512xf32, #tpu.memory_space<vmem>>, vector<1x16xf32>,
    %swap3A_1894 = vector.shape_cast %swap3A_1893 : vector<1x16xf32> to vector<16xf32>
    %swap3A_1895 = vector.shape_cast %exp3A_1889 : vector<16xf32> to vector<1x16xf32>
    tpu.vector_store %arg11[%swap3A_1891, %swap3A_1892], %swap3A_1895 {strides = array<i32>} : memref<1x512xf32, #tpu.memory_space<vmem>>, vector<1x16xf32>,
    %get3A_1896 = arith.constant 0 : i32
    %get3A_1897 = arith.index_cast %get3A_1896 : i32 to index
    %get3A_1898 = arith.constant 400 : index
    %get3A_1899 = tpu.vector_load %arg11[%get3A_1897, %get3A_1898] {strides = array<i32>} : memref<1x512xf32, #tpu.memory_space<vmem>>, vector<1x16xf32>,
    %get3A_1900 = vector.shape_cast %get3A_1899 : vector<1x16xf32> to vector<16xf32>
    %neg3A_1901 = arith.constant 0.000000e+00 : f32
    %neg3A_1902 = vector.broadcast %neg3A_1901 : f32 to vector<16xf32>
    %neg3A_1903 = arith.subf %neg3A_1902, %get3A_1900 : vector<16xf32>
    %exp3A_1904 = math.exp %neg3A_1903 : vector<16xf32>
    %swap3A_1905 = arith.constant 0 : i32
    %swap3A_1906 = arith.index_cast %swap3A_1905 : i32 to index
    %swap3A_1907 = arith.constant 400 : index
    %swap3A_1908 = tpu.vector_load %arg11[%swap3A_1906, %swap3A_1907] {strides = array<i32>} : memref<1x512xf32, #tpu.memory_space<vmem>>, vector<1x16xf32>,
    %swap3A_1909 = vector.shape_cast %swap3A_1908 : vector<1x16xf32> to vector<16xf32>
    %swap3A_1910 = vector.shape_cast %exp3A_1904 : vector<16xf32> to vector<1x16xf32>
    tpu.vector_store %arg11[%swap3A_1906, %swap3A_1907], %swap3A_1910 {strides = array<i32>} : memref<1x512xf32, #tpu.memory_space<vmem>>, vector<1x16xf32>,
    %get3A_1911 = arith.constant 0 : i32
    %get3A_1912 = arith.index_cast %get3A_1911 : i32 to index
    %get3A_1913 = arith.constant 416 : index
    %get3A_1914 = tpu.vector_load %arg11[%get3A_1912, %get3A_1913] {strides = array<i32>} : memref<1x512xf32, #tpu.memory_space<vmem>>, vector<1x16xf32>,
    %get3A_1915 = vector.shape_cast %get3A_1914 : vector<1x16xf32> to vector<16xf32>
    %neg3A_1916 = arith.constant 0.000000e+00 : f32
    %neg3A_1917 = vector.broadcast %neg3A_1916 : f32 to vector<16xf32>
    %neg3A_1918 = arith.subf %neg3A_1917, %get3A_1915 : vector<16xf32>
    %exp3A_1919 = math.exp %neg3A_1918 : vector<16xf32>
    %swap3A_1920 = arith.constant 0 : i32
    %swap3A_1921 = arith.index_cast %swap3A_1920 : i32 to index
    %swap3A_1922 = arith.constant 416 : index
    %swap3A_1923 = tpu.vector_load %arg11[%swap3A_1921, %swap3A_1922] {strides = array<i32>} : memref<1x512xf32, #tpu.memory_space<vmem>>, vector<1x16xf32>,
    %swap3A_1924 = vector.shape_cast %swap3A_1923 : vector<1x16xf32> to vector<16xf32>
    %swap3A_1925 = vector.shape_cast %exp3A_1919 : vector<16xf32> to vector<1x16xf32>
    tpu.vector_store %arg11[%swap3A_1921, %swap3A_1922], %swap3A_1925 {strides = array<i32>} : memref<1x512xf32, #tpu.memory_space<vmem>>, vector<1x16xf32>,
    %get3A_1926 = arith.constant 0 : i32
    %get3A_1927 = arith.index_cast %get3A_1926 : i32 to index
    %get3A_1928 = arith.constant 432 : index
    %get3A_1929 = tpu.vector_load %arg11[%get3A_1927, %get3A_1928] {strides = array<i32>} : memref<1x512xf32, #tpu.memory_space<vmem>>, vector<1x16xf32>,
    %get3A_1930 = vector.shape_cast %get3A_1929 : vector<1x16xf32> to vector<16xf32>
    %neg3A_1931 = arith.constant 0.000000e+00 : f32
    %neg3A_1932 = vector.broadcast %neg3A_1931 : f32 to vector<16xf32>
    %neg3A_1933 = arith.subf %neg3A_1932, %get3A_1930 : vector<16xf32>
    %exp3A_1934 = math.exp %neg3A_1933 : vector<16xf32>
    %swap3A_1935 = arith.constant 0 : i32
    %swap3A_1936 = arith.index_cast %swap3A_1935 : i32 to index
    %swap3A_1937 = arith.constant 432 : index
    %swap3A_1938 = tpu.vector_load %arg11[%swap3A_1936, %swap3A_1937] {strides = array<i32>} : memref<1x512xf32, #tpu.memory_space<vmem>>, vector<1x16xf32>,
    %swap3A_1939 = vector.shape_cast %swap3A_1938 : vector<1x16xf32> to vector<16xf32>
    %swap3A_1940 = vector.shape_cast %exp3A_1934 : vector<16xf32> to vector<1x16xf32>
    tpu.vector_store %arg11[%swap3A_1936, %swap3A_1937], %swap3A_1940 {strides = array<i32>} : memref<1x512xf32, #tpu.memory_space<vmem>>, vector<1x16xf32>,
    %get3A_1941 = arith.constant 0 : i32
    %get3A_1942 = arith.index_cast %get3A_1941 : i32 to index
    %get3A_1943 = arith.constant 448 : index
    %get3A_1944 = tpu.vector_load %arg11[%get3A_1942, %get3A_1943] {strides = array<i32>} : memref<1x512xf32, #tpu.memory_space<vmem>>, vector<1x16xf32>,
    %get3A_1945 = vector.shape_cast %get3A_1944 : vector<1x16xf32> to vector<16xf32>
    %neg3A_1946 = arith.constant 0.000000e+00 : f32
    %neg3A_1947 = vector.broadcast %neg3A_1946 : f32 to vector<16xf32>
    %neg3A_1948 = arith.subf %neg3A_1947, %get3A_1945 : vector<16xf32>
    %exp3A_1949 = math.exp %neg3A_1948 : vector<16xf32>
    %swap3A_1950 = arith.constant 0 : i32
    %swap3A_1951 = arith.index_cast %swap3A_1950 : i32 to index
    %swap3A_1952 = arith.constant 448 : index
    %swap3A_1953 = tpu.vector_load %arg11[%swap3A_1951, %swap3A_1952] {strides = array<i32>} : memref<1x512xf32, #tpu.memory_space<vmem>>, vector<1x16xf32>,
    %swap3A_1954 = vector.shape_cast %swap3A_1953 : vector<1x16xf32> to vector<16xf32>
    %swap3A_1955 = vector.shape_cast %exp3A_1949 : vector<16xf32> to vector<1x16xf32>
    tpu.vector_store %arg11[%swap3A_1951, %swap3A_1952], %swap3A_1955 {strides = array<i32>} : memref<1x512xf32, #tpu.memory_space<vmem>>, vector<1x16xf32>,
    %get3A_1956 = arith.constant 0 : i32
    %get3A_1957 = arith.index_cast %get3A_1956 : i32 to index
    %get3A_1958 = arith.constant 464 : index
    %get3A_1959 = tpu.vector_load %arg11[%get3A_1957, %get3A_1958] {strides = array<i32>} : memref<1x512xf32, #tpu.memory_space<vmem>>, vector<1x16xf32>,
    %get3A_1960 = vector.shape_cast %get3A_1959 : vector<1x16xf32> to vector<16xf32>
    %neg3A_1961 = arith.constant 0.000000e+00 : f32
    %neg3A_1962 = vector.broadcast %neg3A_1961 : f32 to vector<16xf32>
    %neg3A_1963 = arith.subf %neg3A_1962, %get3A_1960 : vector<16xf32>
    %exp3A_1964 = math.exp %neg3A_1963 : vector<16xf32>
    %swap3A_1965 = arith.constant 0 : i32
    %swap3A_1966 = arith.index_cast %swap3A_1965 : i32 to index
    %swap3A_1967 = arith.constant 464 : index
    %swap3A_1968 = tpu.vector_load %arg11[%swap3A_1966, %swap3A_1967] {strides = array<i32>} : memref<1x512xf32, #tpu.memory_space<vmem>>, vector<1x16xf32>,
    %swap3A_1969 = vector.shape_cast %swap3A_1968 : vector<1x16xf32> to vector<16xf32>
    %swap3A_1970 = vector.shape_cast %exp3A_1964 : vector<16xf32> to vector<1x16xf32>
    tpu.vector_store %arg11[%swap3A_1966, %swap3A_1967], %swap3A_1970 {strides = array<i32>} : memref<1x512xf32, #tpu.memory_space<vmem>>, vector<1x16xf32>,
    %get3A_1971 = arith.constant 0 : i32
    %get3A_1972 = arith.index_cast %get3A_1971 : i32 to index
    %get3A_1973 = arith.constant 480 : index
    %get3A_1974 = tpu.vector_load %arg11[%get3A_1972, %get3A_1973] {strides = array<i32>} : memref<1x512xf32, #tpu.memory_space<vmem>>, vector<1x16xf32>,
    %get3A_1975 = vector.shape_cast %get3A_1974 : vector<1x16xf32> to vector<16xf32>
    %neg3A_1976 = arith.constant 0.000000e+00 : f32
    %neg3A_1977 = vector.broadcast %neg3A_1976 : f32 to vector<16xf32>
    %neg3A_1978 = arith.subf %neg3A_1977, %get3A_1975 : vector<16xf32>
    %exp3A_1979 = math.exp %neg3A_1978 : vector<16xf32>
    %swap3A_1980 = arith.constant 0 : i32
    %swap3A_1981 = arith.index_cast %swap3A_1980 : i32 to index
    %swap3A_1982 = arith.constant 480 : index
    %swap3A_1983 = tpu.vector_load %arg11[%swap3A_1981, %swap3A_1982] {strides = array<i32>} : memref<1x512xf32, #tpu.memory_space<vmem>>, vector<1x16xf32>,
    %swap3A_1984 = vector.shape_cast %swap3A_1983 : vector<1x16xf32> to vector<16xf32>
    %swap3A_1985 = vector.shape_cast %exp3A_1979 : vector<16xf32> to vector<1x16xf32>
    tpu.vector_store %arg11[%swap3A_1981, %swap3A_1982], %swap3A_1985 {strides = array<i32>} : memref<1x512xf32, #tpu.memory_space<vmem>>, vector<1x16xf32>,
    %get3A_1986 = arith.constant 0 : i32
    %get3A_1987 = arith.index_cast %get3A_1986 : i32 to index
    %get3A_1988 = arith.constant 496 : index
    %get3A_1989 = tpu.vector_load %arg11[%get3A_1987, %get3A_1988] {strides = array<i32>} : memref<1x512xf32, #tpu.memory_space<vmem>>, vector<1x16xf32>,
    %get3A_1990 = vector.shape_cast %get3A_1989 : vector<1x16xf32> to vector<16xf32>
    %neg3A_1991 = arith.constant 0.000000e+00 : f32
    %neg3A_1992 = vector.broadcast %neg3A_1991 : f32 to vector<16xf32>
    %neg3A_1993 = arith.subf %neg3A_1992, %get3A_1990 : vector<16xf32>
    %exp3A_1994 = math.exp %neg3A_1993 : vector<16xf32>
    %swap3A_1995 = arith.constant 0 : i32
    %swap3A_1996 = arith.index_cast %swap3A_1995 : i32 to index
    %swap3A_1997 = arith.constant 496 : index
    %swap3A_1998 = tpu.vector_load %arg11[%swap3A_1996, %swap3A_1997] {strides = array<i32>} : memref<1x512xf32, #tpu.memory_space<vmem>>, vector<1x16xf32>,
    %swap3A_1999 = vector.shape_cast %swap3A_1998 : vector<1x16xf32> to vector<16xf32>
    %swap3A_2000 = vector.shape_cast %exp3A_1994 : vector<16xf32> to vector<1x16xf32>
    tpu.vector_store %arg11[%swap3A_1996, %swap3A_1997], %swap3A_2000 {strides = array<i32>} : memref<1x512xf32, #tpu.memory_space<vmem>>, vector<1x16xf32>,
    %dma_wait3A_2001 = arith.constant 0 : i32
    %dma_wait3A_2002 = arith.constant 384 : i32
    %dma_wait3A_2003 = tpu.memref_slice %arg10[%dma_wait3A_2001, %dma_wait3A_2002] : memref<1x512xf32, #tpu.memory_space<vmem>> -> memref<1x128xf32, #tpu.memory_space<vmem>>
    %dma_wait3A_2004 = arith.constant 0 : i32
    %dma_wait3A_2005 = arith.constant 384 : i32
    %dma_wait3A_2006 = tpu.memref_slice %arg8[%dma_wait3A_2004, %dma_wait3A_2005] : memref<1x512xi32, #tpu.memory_space<vmem>> -> memref<1x128xi32, #tpu.memory_space<vmem>>
    %dma_wait3A_2007 = arith.constant 0 : i32
    %dma_wait3A_2008 = arith.constant 0 : i32
    %dma_wait3A_2009 = tpu.memref_slice %arg4[%dma_wait3A_2007, %dma_wait3A_2008] : memref<1x1000000xf32, #tpu.memory_space<hbm>> -> memref<1x1000000xf32, #tpu.memory_space<hbm>>
    tpu.wait_indirect_dma semaphore(%arg17 : memref<!tpu.dma_semaphore, #tpu.memory_space<semaphore_mem>>) src(%dma_wait3A_2009 : memref<1x1000000xf32, #tpu.memory_space<hbm>>) dst(%dma_wait3A_2003 : memref<1x128xf32, #tpu.memory_space<vmem>>)
    %dma_wait3A_2010 = arith.constant 0 : i32
    %dma_wait3A_2011 = arith.constant 384 : i32
    %dma_wait3A_2012 = tpu.memref_slice %arg12[%dma_wait3A_2010, %dma_wait3A_2011] : memref<1x512xf32, #tpu.memory_space<vmem>> -> memref<1x128xf32, #tpu.memory_space<vmem>>
    %dma_wait3A_2013 = arith.constant 0 : i32
    %dma_wait3A_2014 = arith.constant 384 : i32
    %dma_wait3A_2015 = tpu.memref_slice %arg9[%dma_wait3A_2013, %dma_wait3A_2014] : memref<1x512xi32, #tpu.memory_space<vmem>> -> memref<1x128xi32, #tpu.memory_space<vmem>>
    %dma_wait3A_2016 = arith.constant 0 : i32
    %dma_wait3A_2017 = arith.constant 0 : i32
    %dma_wait3A_2018 = tpu.memref_slice %arg6[%dma_wait3A_2016, %dma_wait3A_2017] : memref<1x100000xf32, #tpu.memory_space<hbm>> -> memref<1x100000xf32, #tpu.memory_space<hbm>>
    tpu.wait_indirect_dma semaphore(%arg17 : memref<!tpu.dma_semaphore, #tpu.memory_space<semaphore_mem>>) src(%dma_wait3A_2018 : memref<1x100000xf32, #tpu.memory_space<hbm>>) dst(%dma_wait3A_2012 : memref<1x128xf32, #tpu.memory_space<vmem>>)
    %get3A_2019 = arith.constant 0 : i32
    %get3A_2020 = arith.index_cast %get3A_2019 : i32 to index
    %get3A_2021 = arith.constant 384 : index
    %get3A_2022 = tpu.vector_load %arg10[%get3A_2020, %get3A_2021] {strides = array<i32>} : memref<1x512xf32, #tpu.memory_space<vmem>>, vector<1x16xf32>,
    %get3A_2023 = vector.shape_cast %get3A_2022 : vector<1x16xf32> to vector<16xf32>
    %get3A_2024 = arith.constant 0 : i32
    %get3A_2025 = arith.index_cast %get3A_2024 : i32 to index
    %get3A_2026 = arith.constant 384 : index
    %get3A_2027 = tpu.vector_load %arg12[%get3A_2025, %get3A_2026] {strides = array<i32>} : memref<1x512xf32, #tpu.memory_space<vmem>>, vector<1x16xf32>,
    %get3A_2028 = vector.shape_cast %get3A_2027 : vector<1x16xf32> to vector<16xf32>
    %sub3A_2029 = arith.subf %get3A_2023, %get3A_2028 : vector<16xf32>
    %mul3A_2030 = arith.constant 3.400000e+00 : f32
    %mul3A_2031 = vector.broadcast %mul3A_2030 : f32 to vector<16xf32>
    %mul3A_2032 = arith.mulf %mul3A_2031, %sub3A_2029 : vector<16xf32>
    %get3A_2033 = arith.constant 0 : i32
    %get3A_2034 = arith.index_cast %get3A_2033 : i32 to index
    %get3A_2035 = arith.constant 384 : index
    %get3A_2036 = tpu.vector_load %arg11[%get3A_2034, %get3A_2035] {strides = array<i32>} : memref<1x512xf32, #tpu.memory_space<vmem>>, vector<1x16xf32>,
    %get3A_2037 = vector.shape_cast %get3A_2036 : vector<1x16xf32> to vector<16xf32>
    %add3A_2038 = arith.constant 1.000000e+00 : f32
    %add3A_2039 = vector.broadcast %add3A_2038 : f32 to vector<16xf32>
    %add3A_2040 = arith.addf %add3A_2039, %get3A_2037 : vector<16xf32>
    %div3A_2041 = arith.divf %mul3A_2032, %add3A_2040 : vector<16xf32>
    %neg3A_2042 = arith.constant 0.000000e+00 : f32
    %neg3A_2043 = vector.broadcast %neg3A_2042 : f32 to vector<16xf32>
    %neg3A_2044 = arith.subf %neg3A_2043, %div3A_2041 : vector<16xf32>
    %exp3A_2045 = math.exp %neg3A_2044 : vector<16xf32>
    %swap3A_2046 = arith.constant 0 : i32
    %swap3A_2047 = arith.index_cast %swap3A_2046 : i32 to index
    %swap3A_2048 = arith.constant 384 : index
    %swap3A_2049 = tpu.vector_load %arg10[%swap3A_2047, %swap3A_2048] {strides = array<i32>} : memref<1x512xf32, #tpu.memory_space<vmem>>, vector<1x16xf32>,
    %swap3A_2050 = vector.shape_cast %swap3A_2049 : vector<1x16xf32> to vector<16xf32>
    %swap3A_2051 = vector.shape_cast %exp3A_2045 : vector<16xf32> to vector<1x16xf32>
    tpu.vector_store %arg10[%swap3A_2047, %swap3A_2048], %swap3A_2051 {strides = array<i32>} : memref<1x512xf32, #tpu.memory_space<vmem>>, vector<1x16xf32>,
    %get3A_2052 = arith.constant 0 : i32
    %get3A_2053 = arith.index_cast %get3A_2052 : i32 to index
    %get3A_2054 = arith.constant 400 : index
    %get3A_2055 = tpu.vector_load %arg10[%get3A_2053, %get3A_2054] {strides = array<i32>} : memref<1x512xf32, #tpu.memory_space<vmem>>, vector<1x16xf32>,
    %get3A_2056 = vector.shape_cast %get3A_2055 : vector<1x16xf32> to vector<16xf32>
    %get3A_2057 = arith.constant 0 : i32
    %get3A_2058 = arith.index_cast %get3A_2057 : i32 to index
    %get3A_2059 = arith.constant 400 : index
    %get3A_2060 = tpu.vector_load %arg12[%get3A_2058, %get3A_2059] {strides = array<i32>} : memref<1x512xf32, #tpu.memory_space<vmem>>, vector<1x16xf32>,
    %get3A_2061 = vector.shape_cast %get3A_2060 : vector<1x16xf32> to vector<16xf32>
    %sub3A_2062 = arith.subf %get3A_2056, %get3A_2061 : vector<16xf32>
    %mul3A_2063 = arith.constant 3.400000e+00 : f32
    %mul3A_2064 = vector.broadcast %mul3A_2063 : f32 to vector<16xf32>
    %mul3A_2065 = arith.mulf %mul3A_2064, %sub3A_2062 : vector<16xf32>
    %get3A_2066 = arith.constant 0 : i32
    %get3A_2067 = arith.index_cast %get3A_2066 : i32 to index
    %get3A_2068 = arith.constant 400 : index
    %get3A_2069 = tpu.vector_load %arg11[%get3A_2067, %get3A_2068] {strides = array<i32>} : memref<1x512xf32, #tpu.memory_space<vmem>>, vector<1x16xf32>,
    %get3A_2070 = vector.shape_cast %get3A_2069 : vector<1x16xf32> to vector<16xf32>
    %add3A_2071 = arith.constant 1.000000e+00 : f32
    %add3A_2072 = vector.broadcast %add3A_2071 : f32 to vector<16xf32>
    %add3A_2073 = arith.addf %add3A_2072, %get3A_2070 : vector<16xf32>
    %div3A_2074 = arith.divf %mul3A_2065, %add3A_2073 : vector<16xf32>
    %neg3A_2075 = arith.constant 0.000000e+00 : f32
    %neg3A_2076 = vector.broadcast %neg3A_2075 : f32 to vector<16xf32>
    %neg3A_2077 = arith.subf %neg3A_2076, %div3A_2074 : vector<16xf32>
    %exp3A_2078 = math.exp %neg3A_2077 : vector<16xf32>
    %swap3A_2079 = arith.constant 0 : i32
    %swap3A_2080 = arith.index_cast %swap3A_2079 : i32 to index
    %swap3A_2081 = arith.constant 400 : index
    %swap3A_2082 = tpu.vector_load %arg10[%swap3A_2080, %swap3A_2081] {strides = array<i32>} : memref<1x512xf32, #tpu.memory_space<vmem>>, vector<1x16xf32>,
    %swap3A_2083 = vector.shape_cast %swap3A_2082 : vector<1x16xf32> to vector<16xf32>
    %swap3A_2084 = vector.shape_cast %exp3A_2078 : vector<16xf32> to vector<1x16xf32>
    tpu.vector_store %arg10[%swap3A_2080, %swap3A_2081], %swap3A_2084 {strides = array<i32>} : memref<1x512xf32, #tpu.memory_space<vmem>>, vector<1x16xf32>,
    %get3A_2085 = arith.constant 0 : i32
    %get3A_2086 = arith.index_cast %get3A_2085 : i32 to index
    %get3A_2087 = arith.constant 416 : index
    %get3A_2088 = tpu.vector_load %arg10[%get3A_2086, %get3A_2087] {strides = array<i32>} : memref<1x512xf32, #tpu.memory_space<vmem>>, vector<1x16xf32>,
    %get3A_2089 = vector.shape_cast %get3A_2088 : vector<1x16xf32> to vector<16xf32>
    %get3A_2090 = arith.constant 0 : i32
    %get3A_2091 = arith.index_cast %get3A_2090 : i32 to index
    %get3A_2092 = arith.constant 416 : index
    %get3A_2093 = tpu.vector_load %arg12[%get3A_2091, %get3A_2092] {strides = array<i32>} : memref<1x512xf32, #tpu.memory_space<vmem>>, vector<1x16xf32>,
    %get3A_2094 = vector.shape_cast %get3A_2093 : vector<1x16xf32> to vector<16xf32>
    %sub3A_2095 = arith.subf %get3A_2089, %get3A_2094 : vector<16xf32>
    %mul3A_2096 = arith.constant 3.400000e+00 : f32
    %mul3A_2097 = vector.broadcast %mul3A_2096 : f32 to vector<16xf32>
    %mul3A_2098 = arith.mulf %mul3A_2097, %sub3A_2095 : vector<16xf32>
    %get3A_2099 = arith.constant 0 : i32
    %get3A_2100 = arith.index_cast %get3A_2099 : i32 to index
    %get3A_2101 = arith.constant 416 : index
    %get3A_2102 = tpu.vector_load %arg11[%get3A_2100, %get3A_2101] {strides = array<i32>} : memref<1x512xf32, #tpu.memory_space<vmem>>, vector<1x16xf32>,
    %get3A_2103 = vector.shape_cast %get3A_2102 : vector<1x16xf32> to vector<16xf32>
    %add3A_2104 = arith.constant 1.000000e+00 : f32
    %add3A_2105 = vector.broadcast %add3A_2104 : f32 to vector<16xf32>
    %add3A_2106 = arith.addf %add3A_2105, %get3A_2103 : vector<16xf32>
    %div3A_2107 = arith.divf %mul3A_2098, %add3A_2106 : vector<16xf32>
    %neg3A_2108 = arith.constant 0.000000e+00 : f32
    %neg3A_2109 = vector.broadcast %neg3A_2108 : f32 to vector<16xf32>
    %neg3A_2110 = arith.subf %neg3A_2109, %div3A_2107 : vector<16xf32>
    %exp3A_2111 = math.exp %neg3A_2110 : vector<16xf32>
    %swap3A_2112 = arith.constant 0 : i32
    %swap3A_2113 = arith.index_cast %swap3A_2112 : i32 to index
    %swap3A_2114 = arith.constant 416 : index
    %swap3A_2115 = tpu.vector_load %arg10[%swap3A_2113, %swap3A_2114] {strides = array<i32>} : memref<1x512xf32, #tpu.memory_space<vmem>>, vector<1x16xf32>,
    %swap3A_2116 = vector.shape_cast %swap3A_2115 : vector<1x16xf32> to vector<16xf32>
    %swap3A_2117 = vector.shape_cast %exp3A_2111 : vector<16xf32> to vector<1x16xf32>
    tpu.vector_store %arg10[%swap3A_2113, %swap3A_2114], %swap3A_2117 {strides = array<i32>} : memref<1x512xf32, #tpu.memory_space<vmem>>, vector<1x16xf32>,
    %get3A_2118 = arith.constant 0 : i32
    %get3A_2119 = arith.index_cast %get3A_2118 : i32 to index
    %get3A_2120 = arith.constant 432 : index
    %get3A_2121 = tpu.vector_load %arg10[%get3A_2119, %get3A_2120] {strides = array<i32>} : memref<1x512xf32, #tpu.memory_space<vmem>>, vector<1x16xf32>,
    %get3A_2122 = vector.shape_cast %get3A_2121 : vector<1x16xf32> to vector<16xf32>
    %get3A_2123 = arith.constant 0 : i32
    %get3A_2124 = arith.index_cast %get3A_2123 : i32 to index
    %get3A_2125 = arith.constant 432 : index
    %get3A_2126 = tpu.vector_load %arg12[%get3A_2124, %get3A_2125] {strides = array<i32>} : memref<1x512xf32, #tpu.memory_space<vmem>>, vector<1x16xf32>,
    %get3A_2127 = vector.shape_cast %get3A_2126 : vector<1x16xf32> to vector<16xf32>
    %sub3A_2128 = arith.subf %get3A_2122, %get3A_2127 : vector<16xf32>
    %mul3A_2129 = arith.constant 3.400000e+00 : f32
    %mul3A_2130 = vector.broadcast %mul3A_2129 : f32 to vector<16xf32>
    %mul3A_2131 = arith.mulf %mul3A_2130, %sub3A_2128 : vector<16xf32>
    %get3A_2132 = arith.constant 0 : i32
    %get3A_2133 = arith.index_cast %get3A_2132 : i32 to index
    %get3A_2134 = arith.constant 432 : index
    %get3A_2135 = tpu.vector_load %arg11[%get3A_2133, %get3A_2134] {strides = array<i32>} : memref<1x512xf32, #tpu.memory_space<vmem>>, vector<1x16xf32>,
    %get3A_2136 = vector.shape_cast %get3A_2135 : vector<1x16xf32> to vector<16xf32>
    %add3A_2137 = arith.constant 1.000000e+00 : f32
    %add3A_2138 = vector.broadcast %add3A_2137 : f32 to vector<16xf32>
    %add3A_2139 = arith.addf %add3A_2138, %get3A_2136 : vector<16xf32>
    %div3A_2140 = arith.divf %mul3A_2131, %add3A_2139 : vector<16xf32>
    %neg3A_2141 = arith.constant 0.000000e+00 : f32
    %neg3A_2142 = vector.broadcast %neg3A_2141 : f32 to vector<16xf32>
    %neg3A_2143 = arith.subf %neg3A_2142, %div3A_2140 : vector<16xf32>
    %exp3A_2144 = math.exp %neg3A_2143 : vector<16xf32>
    %swap3A_2145 = arith.constant 0 : i32
    %swap3A_2146 = arith.index_cast %swap3A_2145 : i32 to index
    %swap3A_2147 = arith.constant 432 : index
    %swap3A_2148 = tpu.vector_load %arg10[%swap3A_2146, %swap3A_2147] {strides = array<i32>} : memref<1x512xf32, #tpu.memory_space<vmem>>, vector<1x16xf32>,
    %swap3A_2149 = vector.shape_cast %swap3A_2148 : vector<1x16xf32> to vector<16xf32>
    %swap3A_2150 = vector.shape_cast %exp3A_2144 : vector<16xf32> to vector<1x16xf32>
    tpu.vector_store %arg10[%swap3A_2146, %swap3A_2147], %swap3A_2150 {strides = array<i32>} : memref<1x512xf32, #tpu.memory_space<vmem>>, vector<1x16xf32>,
    %get3A_2151 = arith.constant 0 : i32
    %get3A_2152 = arith.index_cast %get3A_2151 : i32 to index
    %get3A_2153 = arith.constant 448 : index
    %get3A_2154 = tpu.vector_load %arg10[%get3A_2152, %get3A_2153] {strides = array<i32>} : memref<1x512xf32, #tpu.memory_space<vmem>>, vector<1x16xf32>,
    %get3A_2155 = vector.shape_cast %get3A_2154 : vector<1x16xf32> to vector<16xf32>
    %get3A_2156 = arith.constant 0 : i32
    %get3A_2157 = arith.index_cast %get3A_2156 : i32 to index
    %get3A_2158 = arith.constant 448 : index
    %get3A_2159 = tpu.vector_load %arg12[%get3A_2157, %get3A_2158] {strides = array<i32>} : memref<1x512xf32, #tpu.memory_space<vmem>>, vector<1x16xf32>,
    %get3A_2160 = vector.shape_cast %get3A_2159 : vector<1x16xf32> to vector<16xf32>
    %sub3A_2161 = arith.subf %get3A_2155, %get3A_2160 : vector<16xf32>
    %mul3A_2162 = arith.constant 3.400000e+00 : f32
    %mul3A_2163 = vector.broadcast %mul3A_2162 : f32 to vector<16xf32>
    %mul3A_2164 = arith.mulf %mul3A_2163, %sub3A_2161 : vector<16xf32>
    %get3A_2165 = arith.constant 0 : i32
    %get3A_2166 = arith.index_cast %get3A_2165 : i32 to index
    %get3A_2167 = arith.constant 448 : index
    %get3A_2168 = tpu.vector_load %arg11[%get3A_2166, %get3A_2167] {strides = array<i32>} : memref<1x512xf32, #tpu.memory_space<vmem>>, vector<1x16xf32>,
    %get3A_2169 = vector.shape_cast %get3A_2168 : vector<1x16xf32> to vector<16xf32>
    %add3A_2170 = arith.constant 1.000000e+00 : f32
    %add3A_2171 = vector.broadcast %add3A_2170 : f32 to vector<16xf32>
    %add3A_2172 = arith.addf %add3A_2171, %get3A_2169 : vector<16xf32>
    %div3A_2173 = arith.divf %mul3A_2164, %add3A_2172 : vector<16xf32>
    %neg3A_2174 = arith.constant 0.000000e+00 : f32
    %neg3A_2175 = vector.broadcast %neg3A_2174 : f32 to vector<16xf32>
    %neg3A_2176 = arith.subf %neg3A_2175, %div3A_2173 : vector<16xf32>
    %exp3A_2177 = math.exp %neg3A_2176 : vector<16xf32>
    %swap3A_2178 = arith.constant 0 : i32
    %swap3A_2179 = arith.index_cast %swap3A_2178 : i32 to index
    %swap3A_2180 = arith.constant 448 : index
    %swap3A_2181 = tpu.vector_load %arg10[%swap3A_2179, %swap3A_2180] {strides = array<i32>} : memref<1x512xf32, #tpu.memory_space<vmem>>, vector<1x16xf32>,
    %swap3A_2182 = vector.shape_cast %swap3A_2181 : vector<1x16xf32> to vector<16xf32>
    %swap3A_2183 = vector.shape_cast %exp3A_2177 : vector<16xf32> to vector<1x16xf32>
    tpu.vector_store %arg10[%swap3A_2179, %swap3A_2180], %swap3A_2183 {strides = array<i32>} : memref<1x512xf32, #tpu.memory_space<vmem>>, vector<1x16xf32>,
    %get3A_2184 = arith.constant 0 : i32
    %get3A_2185 = arith.index_cast %get3A_2184 : i32 to index
    %get3A_2186 = arith.constant 464 : index
    %get3A_2187 = tpu.vector_load %arg10[%get3A_2185, %get3A_2186] {strides = array<i32>} : memref<1x512xf32, #tpu.memory_space<vmem>>, vector<1x16xf32>,
    %get3A_2188 = vector.shape_cast %get3A_2187 : vector<1x16xf32> to vector<16xf32>
    %get3A_2189 = arith.constant 0 : i32
    %get3A_2190 = arith.index_cast %get3A_2189 : i32 to index
    %get3A_2191 = arith.constant 464 : index
    %get3A_2192 = tpu.vector_load %arg12[%get3A_2190, %get3A_2191] {strides = array<i32>} : memref<1x512xf32, #tpu.memory_space<vmem>>, vector<1x16xf32>,
    %get3A_2193 = vector.shape_cast %get3A_2192 : vector<1x16xf32> to vector<16xf32>
    %sub3A_2194 = arith.subf %get3A_2188, %get3A_2193 : vector<16xf32>
    %mul3A_2195 = arith.constant 3.400000e+00 : f32
    %mul3A_2196 = vector.broadcast %mul3A_2195 : f32 to vector<16xf32>
    %mul3A_2197 = arith.mulf %mul3A_2196, %sub3A_2194 : vector<16xf32>
    %get3A_2198 = arith.constant 0 : i32
    %get3A_2199 = arith.index_cast %get3A_2198 : i32 to index
    %get3A_2200 = arith.constant 464 : index
    %get3A_2201 = tpu.vector_load %arg11[%get3A_2199, %get3A_2200] {strides = array<i32>} : memref<1x512xf32, #tpu.memory_space<vmem>>, vector<1x16xf32>,
    %get3A_2202 = vector.shape_cast %get3A_2201 : vector<1x16xf32> to vector<16xf32>
    %add3A_2203 = arith.constant 1.000000e+00 : f32
    %add3A_2204 = vector.broadcast %add3A_2203 : f32 to vector<16xf32>
    %add3A_2205 = arith.addf %add3A_2204, %get3A_2202 : vector<16xf32>
    %div3A_2206 = arith.divf %mul3A_2197, %add3A_2205 : vector<16xf32>
    %neg3A_2207 = arith.constant 0.000000e+00 : f32
    %neg3A_2208 = vector.broadcast %neg3A_2207 : f32 to vector<16xf32>
    %neg3A_2209 = arith.subf %neg3A_2208, %div3A_2206 : vector<16xf32>
    %exp3A_2210 = math.exp %neg3A_2209 : vector<16xf32>
    %swap3A_2211 = arith.constant 0 : i32
    %swap3A_2212 = arith.index_cast %swap3A_2211 : i32 to index
    %swap3A_2213 = arith.constant 464 : index
    %swap3A_2214 = tpu.vector_load %arg10[%swap3A_2212, %swap3A_2213] {strides = array<i32>} : memref<1x512xf32, #tpu.memory_space<vmem>>, vector<1x16xf32>,
    %swap3A_2215 = vector.shape_cast %swap3A_2214 : vector<1x16xf32> to vector<16xf32>
    %swap3A_2216 = vector.shape_cast %exp3A_2210 : vector<16xf32> to vector<1x16xf32>
    tpu.vector_store %arg10[%swap3A_2212, %swap3A_2213], %swap3A_2216 {strides = array<i32>} : memref<1x512xf32, #tpu.memory_space<vmem>>, vector<1x16xf32>,
    %get3A_2217 = arith.constant 0 : i32
    %get3A_2218 = arith.index_cast %get3A_2217 : i32 to index
    %get3A_2219 = arith.constant 480 : index
    %get3A_2220 = tpu.vector_load %arg10[%get3A_2218, %get3A_2219] {strides = array<i32>} : memref<1x512xf32, #tpu.memory_space<vmem>>, vector<1x16xf32>,
    %get3A_2221 = vector.shape_cast %get3A_2220 : vector<1x16xf32> to vector<16xf32>
    %get3A_2222 = arith.constant 0 : i32
    %get3A_2223 = arith.index_cast %get3A_2222 : i32 to index
    %get3A_2224 = arith.constant 480 : index
    %get3A_2225 = tpu.vector_load %arg12[%get3A_2223, %get3A_2224] {strides = array<i32>} : memref<1x512xf32, #tpu.memory_space<vmem>>, vector<1x16xf32>,
    %get3A_2226 = vector.shape_cast %get3A_2225 : vector<1x16xf32> to vector<16xf32>
    %sub3A_2227 = arith.subf %get3A_2221, %get3A_2226 : vector<16xf32>
    %mul3A_2228 = arith.constant 3.400000e+00 : f32
    %mul3A_2229 = vector.broadcast %mul3A_2228 : f32 to vector<16xf32>
    %mul3A_2230 = arith.mulf %mul3A_2229, %sub3A_2227 : vector<16xf32>
    %get3A_2231 = arith.constant 0 : i32
    %get3A_2232 = arith.index_cast %get3A_2231 : i32 to index
    %get3A_2233 = arith.constant 480 : index
    %get3A_2234 = tpu.vector_load %arg11[%get3A_2232, %get3A_2233] {strides = array<i32>} : memref<1x512xf32, #tpu.memory_space<vmem>>, vector<1x16xf32>,
    %get3A_2235 = vector.shape_cast %get3A_2234 : vector<1x16xf32> to vector<16xf32>
    %add3A_2236 = arith.constant 1.000000e+00 : f32
    %add3A_2237 = vector.broadcast %add3A_2236 : f32 to vector<16xf32>
    %add3A_2238 = arith.addf %add3A_2237, %get3A_2235 : vector<16xf32>
    %div3A_2239 = arith.divf %mul3A_2230, %add3A_2238 : vector<16xf32>
    %neg3A_2240 = arith.constant 0.000000e+00 : f32
    %neg3A_2241 = vector.broadcast %neg3A_2240 : f32 to vector<16xf32>
    %neg3A_2242 = arith.subf %neg3A_2241, %div3A_2239 : vector<16xf32>
    %exp3A_2243 = math.exp %neg3A_2242 : vector<16xf32>
    %swap3A_2244 = arith.constant 0 : i32
    %swap3A_2245 = arith.index_cast %swap3A_2244 : i32 to index
    %swap3A_2246 = arith.constant 480 : index
    %swap3A_2247 = tpu.vector_load %arg10[%swap3A_2245, %swap3A_2246] {strides = array<i32>} : memref<1x512xf32, #tpu.memory_space<vmem>>, vector<1x16xf32>,
    %swap3A_2248 = vector.shape_cast %swap3A_2247 : vector<1x16xf32> to vector<16xf32>
    %swap3A_2249 = vector.shape_cast %exp3A_2243 : vector<16xf32> to vector<1x16xf32>
    tpu.vector_store %arg10[%swap3A_2245, %swap3A_2246], %swap3A_2249 {strides = array<i32>} : memref<1x512xf32, #tpu.memory_space<vmem>>, vector<1x16xf32>,
    %get3A_2250 = arith.constant 0 : i32
    %get3A_2251 = arith.index_cast %get3A_2250 : i32 to index
    %get3A_2252 = arith.constant 496 : index
    %get3A_2253 = tpu.vector_load %arg10[%get3A_2251, %get3A_2252] {strides = array<i32>} : memref<1x512xf32, #tpu.memory_space<vmem>>, vector<1x16xf32>,
    %get3A_2254 = vector.shape_cast %get3A_2253 : vector<1x16xf32> to vector<16xf32>
    %get3A_2255 = arith.constant 0 : i32
    %get3A_2256 = arith.index_cast %get3A_2255 : i32 to index
    %get3A_2257 = arith.constant 496 : index
    %get3A_2258 = tpu.vector_load %arg12[%get3A_2256, %get3A_2257] {strides = array<i32>} : memref<1x512xf32, #tpu.memory_space<vmem>>, vector<1x16xf32>,
    %get3A_2259 = vector.shape_cast %get3A_2258 : vector<1x16xf32> to vector<16xf32>
    %sub3A_2260 = arith.subf %get3A_2254, %get3A_2259 : vector<16xf32>
    %mul3A_2261 = arith.constant 3.400000e+00 : f32
    %mul3A_2262 = vector.broadcast %mul3A_2261 : f32 to vector<16xf32>
    %mul3A_2263 = arith.mulf %mul3A_2262, %sub3A_2260 : vector<16xf32>
    %get3A_2264 = arith.constant 0 : i32
    %get3A_2265 = arith.index_cast %get3A_2264 : i32 to index
    %get3A_2266 = arith.constant 496 : index
    %get3A_2267 = tpu.vector_load %arg11[%get3A_2265, %get3A_2266] {strides = array<i32>} : memref<1x512xf32, #tpu.memory_space<vmem>>, vector<1x16xf32>,
    %get3A_2268 = vector.shape_cast %get3A_2267 : vector<1x16xf32> to vector<16xf32>
    %add3A_2269 = arith.constant 1.000000e+00 : f32
    %add3A_2270 = vector.broadcast %add3A_2269 : f32 to vector<16xf32>
    %add3A_2271 = arith.addf %add3A_2270, %get3A_2268 : vector<16xf32>
    %div3A_2272 = arith.divf %mul3A_2263, %add3A_2271 : vector<16xf32>
    %neg3A_2273 = arith.constant 0.000000e+00 : f32
    %neg3A_2274 = vector.broadcast %neg3A_2273 : f32 to vector<16xf32>
    %neg3A_2275 = arith.subf %neg3A_2274, %div3A_2272 : vector<16xf32>
    %exp3A_2276 = math.exp %neg3A_2275 : vector<16xf32>
    %swap3A_2277 = arith.constant 0 : i32
    %swap3A_2278 = arith.index_cast %swap3A_2277 : i32 to index
    %swap3A_2279 = arith.constant 496 : index
    %swap3A_2280 = tpu.vector_load %arg10[%swap3A_2278, %swap3A_2279] {strides = array<i32>} : memref<1x512xf32, #tpu.memory_space<vmem>>, vector<1x16xf32>,
    %swap3A_2281 = vector.shape_cast %swap3A_2280 : vector<1x16xf32> to vector<16xf32>
    %swap3A_2282 = vector.shape_cast %exp3A_2276 : vector<16xf32> to vector<1x16xf32>
    tpu.vector_store %arg10[%swap3A_2278, %swap3A_2279], %swap3A_2282 {strides = array<i32>} : memref<1x512xf32, #tpu.memory_space<vmem>>, vector<1x16xf32>,
    %get3A_2283 = arith.constant 0 : i32
    %get3A_2284 = arith.index_cast %get3A_2283 : i32 to index
    %get3A_2285 = arith.constant 384 : index
    %get3A_2286 = tpu.vector_load %arg10[%get3A_2284, %get3A_2285] {strides = array<i32>} : memref<1x512xf32, #tpu.memory_space<vmem>>, vector<1x16xf32>,
    %get3A_2287 = vector.shape_cast %get3A_2286 : vector<1x16xf32> to vector<16xf32>
    %add3A_2288 = arith.constant 1.000000e+00 : f32
    %add3A_2289 = vector.broadcast %add3A_2288 : f32 to vector<16xf32>
    %add3A_2290 = arith.addf %add3A_2289, %get3A_2287 : vector<16xf32>
    %div3A_2291 = arith.constant 1.000000e+00 : f32
    %div3A_2292 = vector.broadcast %div3A_2291 : f32 to vector<16xf32>
    %div3A_2293 = arith.divf %div3A_2292, %add3A_2290 : vector<16xf32>
    %swap3A_2294 = arith.constant 384 : index
    %swap3A_2295 = tpu.vector_load %arg13[%swap3A_2294] {strides = array<i32>} : memref<512xf32, #tpu.memory_space<vmem>>, vector<16xf32>,
    %swap3A_2296 = vector.shape_cast %swap3A_2295 : vector<16xf32> to vector<16xf32>
    %swap3A_2297 = vector.shape_cast %div3A_2293 : vector<16xf32> to vector<16xf32>
    tpu.vector_store %arg13[%swap3A_2294], %swap3A_2297 {strides = array<i32>} : memref<512xf32, #tpu.memory_space<vmem>>, vector<16xf32>,
    %get3A_2298 = arith.constant 0 : i32
    %get3A_2299 = arith.index_cast %get3A_2298 : i32 to index
    %get3A_2300 = arith.constant 400 : index
    %get3A_2301 = tpu.vector_load %arg10[%get3A_2299, %get3A_2300] {strides = array<i32>} : memref<1x512xf32, #tpu.memory_space<vmem>>, vector<1x16xf32>,
    %get3A_2302 = vector.shape_cast %get3A_2301 : vector<1x16xf32> to vector<16xf32>
    %add3A_2303 = arith.constant 1.000000e+00 : f32
    %add3A_2304 = vector.broadcast %add3A_2303 : f32 to vector<16xf32>
    %add3A_2305 = arith.addf %add3A_2304, %get3A_2302 : vector<16xf32>
    %div3A_2306 = arith.constant 1.000000e+00 : f32
    %div3A_2307 = vector.broadcast %div3A_2306 : f32 to vector<16xf32>
    %div3A_2308 = arith.divf %div3A_2307, %add3A_2305 : vector<16xf32>
    %swap3A_2309 = arith.constant 400 : index
    %swap3A_2310 = tpu.vector_load %arg13[%swap3A_2309] {strides = array<i32>} : memref<512xf32, #tpu.memory_space<vmem>>, vector<16xf32>,
    %swap3A_2311 = vector.shape_cast %swap3A_2310 : vector<16xf32> to vector<16xf32>
    %swap3A_2312 = vector.shape_cast %div3A_2308 : vector<16xf32> to vector<16xf32>
    tpu.vector_store %arg13[%swap3A_2309], %swap3A_2312 {strides = array<i32>} : memref<512xf32, #tpu.memory_space<vmem>>, vector<16xf32>,
    %get3A_2313 = arith.constant 0 : i32
    %get3A_2314 = arith.index_cast %get3A_2313 : i32 to index
    %get3A_2315 = arith.constant 416 : index
    %get3A_2316 = tpu.vector_load %arg10[%get3A_2314, %get3A_2315] {strides = array<i32>} : memref<1x512xf32, #tpu.memory_space<vmem>>, vector<1x16xf32>,
    %get3A_2317 = vector.shape_cast %get3A_2316 : vector<1x16xf32> to vector<16xf32>
    %add3A_2318 = arith.constant 1.000000e+00 : f32
    %add3A_2319 = vector.broadcast %add3A_2318 : f32 to vector<16xf32>
    %add3A_2320 = arith.addf %add3A_2319, %get3A_2317 : vector<16xf32>
    %div3A_2321 = arith.constant 1.000000e+00 : f32
    %div3A_2322 = vector.broadcast %div3A_2321 : f32 to vector<16xf32>
    %div3A_2323 = arith.divf %div3A_2322, %add3A_2320 : vector<16xf32>
    %swap3A_2324 = arith.constant 416 : index
    %swap3A_2325 = tpu.vector_load %arg13[%swap3A_2324] {strides = array<i32>} : memref<512xf32, #tpu.memory_space<vmem>>, vector<16xf32>,
    %swap3A_2326 = vector.shape_cast %swap3A_2325 : vector<16xf32> to vector<16xf32>
    %swap3A_2327 = vector.shape_cast %div3A_2323 : vector<16xf32> to vector<16xf32>
    tpu.vector_store %arg13[%swap3A_2324], %swap3A_2327 {strides = array<i32>} : memref<512xf32, #tpu.memory_space<vmem>>, vector<16xf32>,
    %get3A_2328 = arith.constant 0 : i32
    %get3A_2329 = arith.index_cast %get3A_2328 : i32 to index
    %get3A_2330 = arith.constant 432 : index
    %get3A_2331 = tpu.vector_load %arg10[%get3A_2329, %get3A_2330] {strides = array<i32>} : memref<1x512xf32, #tpu.memory_space<vmem>>, vector<1x16xf32>,
    %get3A_2332 = vector.shape_cast %get3A_2331 : vector<1x16xf32> to vector<16xf32>
    %add3A_2333 = arith.constant 1.000000e+00 : f32
    %add3A_2334 = vector.broadcast %add3A_2333 : f32 to vector<16xf32>
    %add3A_2335 = arith.addf %add3A_2334, %get3A_2332 : vector<16xf32>
    %div3A_2336 = arith.constant 1.000000e+00 : f32
    %div3A_2337 = vector.broadcast %div3A_2336 : f32 to vector<16xf32>
    %div3A_2338 = arith.divf %div3A_2337, %add3A_2335 : vector<16xf32>
    %swap3A_2339 = arith.constant 432 : index
    %swap3A_2340 = tpu.vector_load %arg13[%swap3A_2339] {strides = array<i32>} : memref<512xf32, #tpu.memory_space<vmem>>, vector<16xf32>,
    %swap3A_2341 = vector.shape_cast %swap3A_2340 : vector<16xf32> to vector<16xf32>
    %swap3A_2342 = vector.shape_cast %div3A_2338 : vector<16xf32> to vector<16xf32>
    tpu.vector_store %arg13[%swap3A_2339], %swap3A_2342 {strides = array<i32>} : memref<512xf32, #tpu.memory_space<vmem>>, vector<16xf32>,
    %get3A_2343 = arith.constant 0 : i32
    %get3A_2344 = arith.index_cast %get3A_2343 : i32 to index
    %get3A_2345 = arith.constant 448 : index
    %get3A_2346 = tpu.vector_load %arg10[%get3A_2344, %get3A_2345] {strides = array<i32>} : memref<1x512xf32, #tpu.memory_space<vmem>>, vector<1x16xf32>,
    %get3A_2347 = vector.shape_cast %get3A_2346 : vector<1x16xf32> to vector<16xf32>
    %add3A_2348 = arith.constant 1.000000e+00 : f32
    %add3A_2349 = vector.broadcast %add3A_2348 : f32 to vector<16xf32>
    %add3A_2350 = arith.addf %add3A_2349, %get3A_2347 : vector<16xf32>
    %div3A_2351 = arith.constant 1.000000e+00 : f32
    %div3A_2352 = vector.broadcast %div3A_2351 : f32 to vector<16xf32>
    %div3A_2353 = arith.divf %div3A_2352, %add3A_2350 : vector<16xf32>
    %swap3A_2354 = arith.constant 448 : index
    %swap3A_2355 = tpu.vector_load %arg13[%swap3A_2354] {strides = array<i32>} : memref<512xf32, #tpu.memory_space<vmem>>, vector<16xf32>,
    %swap3A_2356 = vector.shape_cast %swap3A_2355 : vector<16xf32> to vector<16xf32>
    %swap3A_2357 = vector.shape_cast %div3A_2353 : vector<16xf32> to vector<16xf32>
    tpu.vector_store %arg13[%swap3A_2354], %swap3A_2357 {strides = array<i32>} : memref<512xf32, #tpu.memory_space<vmem>>, vector<16xf32>,
    %get3A_2358 = arith.constant 0 : i32
    %get3A_2359 = arith.index_cast %get3A_2358 : i32 to index
    %get3A_2360 = arith.constant 464 : index
    %get3A_2361 = tpu.vector_load %arg10[%get3A_2359, %get3A_2360] {strides = array<i32>} : memref<1x512xf32, #tpu.memory_space<vmem>>, vector<1x16xf32>,
    %get3A_2362 = vector.shape_cast %get3A_2361 : vector<1x16xf32> to vector<16xf32>
    %add3A_2363 = arith.constant 1.000000e+00 : f32
    %add3A_2364 = vector.broadcast %add3A_2363 : f32 to vector<16xf32>
    %add3A_2365 = arith.addf %add3A_2364, %get3A_2362 : vector<16xf32>
    %div3A_2366 = arith.constant 1.000000e+00 : f32
    %div3A_2367 = vector.broadcast %div3A_2366 : f32 to vector<16xf32>
    %div3A_2368 = arith.divf %div3A_2367, %add3A_2365 : vector<16xf32>
    %swap3A_2369 = arith.constant 464 : index
    %swap3A_2370 = tpu.vector_load %arg13[%swap3A_2369] {strides = array<i32>} : memref<512xf32, #tpu.memory_space<vmem>>, vector<16xf32>,
    %swap3A_2371 = vector.shape_cast %swap3A_2370 : vector<16xf32> to vector<16xf32>
    %swap3A_2372 = vector.shape_cast %div3A_2368 : vector<16xf32> to vector<16xf32>
    tpu.vector_store %arg13[%swap3A_2369], %swap3A_2372 {strides = array<i32>} : memref<512xf32, #tpu.memory_space<vmem>>, vector<16xf32>,
    %get3A_2373 = arith.constant 0 : i32
    %get3A_2374 = arith.index_cast %get3A_2373 : i32 to index
    %get3A_2375 = arith.constant 480 : index
    %get3A_2376 = tpu.vector_load %arg10[%get3A_2374, %get3A_2375] {strides = array<i32>} : memref<1x512xf32, #tpu.memory_space<vmem>>, vector<1x16xf32>,
    %get3A_2377 = vector.shape_cast %get3A_2376 : vector<1x16xf32> to vector<16xf32>
    %add3A_2378 = arith.constant 1.000000e+00 : f32
    %add3A_2379 = vector.broadcast %add3A_2378 : f32 to vector<16xf32>
    %add3A_2380 = arith.addf %add3A_2379, %get3A_2377 : vector<16xf32>
    %div3A_2381 = arith.constant 1.000000e+00 : f32
    %div3A_2382 = vector.broadcast %div3A_2381 : f32 to vector<16xf32>
    %div3A_2383 = arith.divf %div3A_2382, %add3A_2380 : vector<16xf32>
    %swap3A_2384 = arith.constant 480 : index
    %swap3A_2385 = tpu.vector_load %arg13[%swap3A_2384] {strides = array<i32>} : memref<512xf32, #tpu.memory_space<vmem>>, vector<16xf32>,
    %swap3A_2386 = vector.shape_cast %swap3A_2385 : vector<16xf32> to vector<16xf32>
    %swap3A_2387 = vector.shape_cast %div3A_2383 : vector<16xf32> to vector<16xf32>
    tpu.vector_store %arg13[%swap3A_2384], %swap3A_2387 {strides = array<i32>} : memref<512xf32, #tpu.memory_space<vmem>>, vector<16xf32>,
    %get3A_2388 = arith.constant 0 : i32
    %get3A_2389 = arith.index_cast %get3A_2388 : i32 to index
    %get3A_2390 = arith.constant 496 : index
    %get3A_2391 = tpu.vector_load %arg10[%get3A_2389, %get3A_2390] {strides = array<i32>} : memref<1x512xf32, #tpu.memory_space<vmem>>, vector<1x16xf32>,
    %get3A_2392 = vector.shape_cast %get3A_2391 : vector<1x16xf32> to vector<16xf32>
    %add3A_2393 = arith.constant 1.000000e+00 : f32
    %add3A_2394 = vector.broadcast %add3A_2393 : f32 to vector<16xf32>
    %add3A_2395 = arith.addf %add3A_2394, %get3A_2392 : vector<16xf32>
    %div3A_2396 = arith.constant 1.000000e+00 : f32
    %div3A_2397 = vector.broadcast %div3A_2396 : f32 to vector<16xf32>
    %div3A_2398 = arith.divf %div3A_2397, %add3A_2395 : vector<16xf32>
    %swap3A_2399 = arith.constant 496 : index
    %swap3A_2400 = tpu.vector_load %arg13[%swap3A_2399] {strides = array<i32>} : memref<512xf32, #tpu.memory_space<vmem>>, vector<16xf32>,
    %swap3A_2401 = vector.shape_cast %swap3A_2400 : vector<16xf32> to vector<16xf32>
    %swap3A_2402 = vector.shape_cast %div3A_2398 : vector<16xf32> to vector<16xf32>
    tpu.vector_store %arg13[%swap3A_2399], %swap3A_2402 {strides = array<i32>} : memref<512xf32, #tpu.memory_space<vmem>>, vector<16xf32>,
    %add3A_2403 = arith.constant 384 : i32
    %add3A_2404 = arith.addi %mul3A_2, %add3A_2403 : i32
    %dma_start3A_2405 = arith.constant 384 : i32
    %dma_start3A_2406 = tpu.memref_slice %arg13[%dma_start3A_2405] : memref<512xf32, #tpu.memory_space<vmem>> -> memref<128xf32, #tpu.memory_space<vmem>>
    %dma_start3A_2407 = tpu.memref_slice %arg7[%add3A_2404] : memref<16384xf32, #tpu.memory_space<hbm>> -> memref<128xf32, #tpu.memory_space<hbm>>
    %dma_start3A_2408 = tpu.memref_slice %arg7[%add3A_2404] : memref<16384xf32, #tpu.memory_space<hbm>> -> memref<128xf32, #tpu.memory_space<hbm>>
    %dma_start3A_2409 = arith.constant 384 : i32
    %dma_start3A_2410 = tpu.memref_slice %arg13[%dma_start3A_2409] : memref<512xf32, #tpu.memory_space<vmem>> -> memref<128xf32, #tpu.memory_space<vmem>>
    tpu.enqueue_dma source(%dma_start3A_2410 : memref<128xf32, #tpu.memory_space<vmem>>) target(%dma_start3A_2408 : memref<128xf32, #tpu.memory_space<hbm>>) target_semaphore(%arg18 : memref<!tpu.dma_semaphore, #tpu.memory_space<semaphore_mem>>)
    %dma_wait3A_2411 = arith.constant 0 : i32
    %dma_wait3A_2412 = tpu.memref_slice %arg13[%dma_wait3A_2411] : memref<512xf32, #tpu.memory_space<vmem>> -> memref<128xf32, #tpu.memory_space<vmem>>
    %dma_wait3A_2413 = tpu.memref_slice %arg7[%add3A_787] : memref<16384xf32, #tpu.memory_space<hbm>> -> memref<128xf32, #tpu.memory_space<hbm>>
    %dma_wait3A_2414 = tpu.memref_slice %arg7[%add3A_787] : memref<16384xf32, #tpu.memory_space<hbm>> -> memref<128xf32, #tpu.memory_space<hbm>>
    %dma_wait3A_2415 = arith.constant 0 : i32
    %dma_wait3A_2416 = tpu.memref_slice %arg13[%dma_wait3A_2415] : memref<512xf32, #tpu.memory_space<vmem>> -> memref<128xf32, #tpu.memory_space<vmem>>
    tpu.wait_dma2 semaphore(%arg18 : memref<!tpu.dma_semaphore, #tpu.memory_space<semaphore_mem>>) src(%dma_wait3A_2416 : memref<128xf32, #tpu.memory_space<vmem>>) dst(%dma_wait3A_2414 : memref<128xf32, #tpu.memory_space<hbm>>)
    %dma_wait3A_2417 = arith.constant 128 : i32
    %dma_wait3A_2418 = tpu.memref_slice %arg13[%dma_wait3A_2417] : memref<512xf32, #tpu.memory_space<vmem>> -> memref<128xf32, #tpu.memory_space<vmem>>
    %dma_wait3A_2419 = tpu.memref_slice %arg7[%add3A_1326] : memref<16384xf32, #tpu.memory_space<hbm>> -> memref<128xf32, #tpu.memory_space<hbm>>
    %dma_wait3A_2420 = tpu.memref_slice %arg7[%add3A_1326] : memref<16384xf32, #tpu.memory_space<hbm>> -> memref<128xf32, #tpu.memory_space<hbm>>
    %dma_wait3A_2421 = arith.constant 128 : i32
    %dma_wait3A_2422 = tpu.memref_slice %arg13[%dma_wait3A_2421] : memref<512xf32, #tpu.memory_space<vmem>> -> memref<128xf32, #tpu.memory_space<vmem>>
    tpu.wait_dma2 semaphore(%arg18 : memref<!tpu.dma_semaphore, #tpu.memory_space<semaphore_mem>>) src(%dma_wait3A_2422 : memref<128xf32, #tpu.memory_space<vmem>>) dst(%dma_wait3A_2420 : memref<128xf32, #tpu.memory_space<hbm>>)
    %dma_wait3A_2423 = arith.constant 256 : i32
    %dma_wait3A_2424 = tpu.memref_slice %arg13[%dma_wait3A_2423] : memref<512xf32, #tpu.memory_space<vmem>> -> memref<128xf32, #tpu.memory_space<vmem>>
    %dma_wait3A_2425 = tpu.memref_slice %arg7[%add3A_1865] : memref<16384xf32, #tpu.memory_space<hbm>> -> memref<128xf32, #tpu.memory_space<hbm>>
    %dma_wait3A_2426 = tpu.memref_slice %arg7[%add3A_1865] : memref<16384xf32, #tpu.memory_space<hbm>> -> memref<128xf32, #tpu.memory_space<hbm>>
    %dma_wait3A_2427 = arith.constant 256 : i32
    %dma_wait3A_2428 = tpu.memref_slice %arg13[%dma_wait3A_2427] : memref<512xf32, #tpu.memory_space<vmem>> -> memref<128xf32, #tpu.memory_space<vmem>>
    tpu.wait_dma2 semaphore(%arg18 : memref<!tpu.dma_semaphore, #tpu.memory_space<semaphore_mem>>) src(%dma_wait3A_2428 : memref<128xf32, #tpu.memory_space<vmem>>) dst(%dma_wait3A_2426 : memref<128xf32, #tpu.memory_space<hbm>>)
    %dma_wait3A_2429 = arith.constant 384 : i32
    %dma_wait3A_2430 = tpu.memref_slice %arg13[%dma_wait3A_2429] : memref<512xf32, #tpu.memory_space<vmem>> -> memref<128xf32, #tpu.memory_space<vmem>>
    %dma_wait3A_2431 = tpu.memref_slice %arg7[%add3A_2404] : memref<16384xf32, #tpu.memory_space<hbm>> -> memref<128xf32, #tpu.memory_space<hbm>>
    %dma_wait3A_2432 = tpu.memref_slice %arg7[%add3A_2404] : memref<16384xf32, #tpu.memory_space<hbm>> -> memref<128xf32, #tpu.memory_space<hbm>>
    %dma_wait3A_2433 = arith.constant 384 : i32
    %dma_wait3A_2434 = tpu.memref_slice %arg13[%dma_wait3A_2433] : memref<512xf32, #tpu.memory_space<vmem>> -> memref<128xf32, #tpu.memory_space<vmem>>
    tpu.wait_dma2 semaphore(%arg18 : memref<!tpu.dma_semaphore, #tpu.memory_space<semaphore_mem>>) src(%dma_wait3A_2434 : memref<128xf32, #tpu.memory_space<vmem>>) dst(%dma_wait3A_2432 : memref<128xf32, #tpu.memory_space<hbm>>)
    return
  }
}

</mosaic_0001>

<sc_bundles>
// kernel: kernel.3.cloned.1.call-start
scs
__scs_entry_jumppad:
0x0: {  	(pc) =	sbr.rel $0x88, $3  }
0x1: {  	(tag) =	ssettag $0x0;
	lr =	simm.s32 $0x1  }
0x2: {  	[smem:$0x3F9C] =	sst lr;
	_ =	strace $0xD0000000  }
0x3: {  	_ = 	snop  }
0x4: {  	_ = 	snop  }
0x5: {  	_ = 	snop  }
0x6: {  	_ = 	snop  }
0x7: {  	_ = 	snop  }
__scs_overlays_trampoline_lowered:
0x8: {  	[smem:$0x3FAB] =	sst s0  }
0x9: {  	[smem:$0x3FAC] =	sst s1  }
0xa: {  	[smem:$0x3FAD] =	sst s2  }
0xb: {  	[smem:$0x3FAE] =	sst s3  }
0xc: {  	[smem:$0x3FAF] =	sst s4  }
0xd: {  	[smem:$0x3FB0] =	sst s5  }
0xe: {  	[smem:$0x3FB1] =	sst s6  }
0xf: {  	[smem:$0x3FB2] =	sst s7  }
0x10: {  	[smem:$0x3FB3] =	sst s8  }
0x11: {  	[smem:$0x3FB4] =	sst s9;
	s0 =	simm.s32 @!p0 $0x0  }
0x12: {  	s1 =	sld [smem:$0x3F9A];
	s0 =	simm.s32 @p0 $0x1  }
0x13: {  	[smem:$0x3FB5] =	sst s0;
	s0 =	simm.s32 @!p1 $0x0  }
0x14: {  	s2 =	sld [smem:$0x3F99];
	s0 =	simm.s32 @p1 $0x1  }
0x15: {  	[smem:$0x3FB6] =	sst s0;
	s0 =	simm.s32 @!p2 $0x0  }
0x16: {  	s3 =	sld [smem:$0x3FDB];
	s0 =	simm.s32 @p2 $0x1  }
0x17: {  	s4 =	simm.s32 $0x1BF5;
	[smem:$0x3FB8] =	sst s0  }
0x18: {  	s0 =	sld [smem:$0x3F9B];
	_ =	swait.ge [sflag:s4], $0x0  }
0x19: {  	s7 =	sld [smem:$0x3F9C]  }
0x1a: {  	s8 =	sadd.s32 $0xFFFFE003, lr  }
0x1b: {  	s9 =	sadd.s32 $0xFFFFFEF7, lr;
	s5 =	simm.s32 $0xFFFFFFFF;
	p2 =	slt.u32 s8, $0xFFFFF086  }
0x1c: {  	p1 =	slt.u32 s9, $0xF7A;
	s5 =	simm.s32 @!p2 $0x0  }
0x1d: {  	s5 =	simm.s32 @p1 $0x1;
	p0 =	seq.s32 s7, s2  }
0x1e: {  	s7 =	smul.u32 @!p0 $0xF7A, s2;
	p2 =	seq.s32 @!p0 s5, $0x0  }
0x1f: {  	s9 =	smul.u32 $0xF7A, s1;
	s8 =	simm.s32 @!p0 $0x1BF5;
	p2 =	por !p2, p0  }
0x20: {  	[sflag:s8] =	ssyncset.s32 @!p0 $0xFFFFF086;
	s6 =	sadd.s32 @!p0 s3, s7;
	s7 =	simm.s32 @!p0 $0x108  }
0x21: {  	s3 =	sadd.s32 s3, s9;
	s6 =	sadd.s32 @!p0 $0x88, s6;
	s7 =	simm.s32 @p2 $0x1082  }
0x22: {  	[simem:s7], [sflag:s8] =	dma.local @!p0 [hbm:s6], $0xF7A  }
0x23: {  	s9 =	sor.u32 $0xD0000000, s2;
	s6 =	simm.s32 $0x108;
	_ =	swait.ge @!p0 [sflag:s8], $0x0  }
0x24: {  	s3 =	sadd.s32 $0x88, s3;
	s6 =	simm.s32 @!p1 $0x1082;
	[sflag:s4] =	ssyncset.s32 $0xFFFFF086  }
0x25: {  	[simem:s6], [sflag:s4] =	dma.local [hbm:s3], $0xF7A  }
0x26: {  	[smem:$0x3F9C] =	sst s1;
	(tag) =	ssettag s2;
	_ =	strace s9  }
0x27: {  	s1 =	sld [smem:$0x3FAC]  }
0x28: {  	s2 =	sld [smem:$0x3FAD]  }
0x29: {  	s4 =	sld [smem:$0x3FAF]  }
0x2a: {  	p0 =	seq.s32 s5, $0x0;
	s5 =	sld [smem:$0x3FB0]  }
0x2b: {  	s6 =	sld [smem:$0x3FB1]  }
0x2c: {  	s7 =	sld [smem:$0x3FB2]  }
0x2d: {  	s3 =	simm.s32 $0x108;
	s8 =	sld [smem:$0x3FB3]  }
0x2e: {  	s3 =	simm.s32 @!p0 $0x1082;
	s9 =	sld [smem:$0x3FB4]  }
0x2f: {  	lr =	sadd.s32 s0, s3;
	s0 =	sld [smem:$0x3FAB]  }
0x30: {  	s3 =	sld [smem:$0x3FAE]  }
0x31: {  	[smem:$0x3FB7] =	sst s10  }
0x32: {  	s10 =	sld [smem:$0x3FB5];
	_ =	sdelay $0x3  }
0x33: {  	p0 =	seq.s32 s10, $0x1;
	s10 =	sld [smem:$0x3FB7];
	_ =	sdelay $0x3  }
0x34: {  	[smem:$0x3FB7] =	sst s10  }
0x35: {  	s10 =	sld [smem:$0x3FB6];
	_ =	sdelay $0x3  }
0x36: {  	p1 =	seq.s32 s10, $0x1;
	s10 =	sld [smem:$0x3FB7];
	_ =	sdelay $0x3  }
0x37: {  	[smem:$0x3FB7] =	sst s10  }
0x38: {  	s10 =	sld [smem:$0x3FB8]  }
0x39: {  	_ = 	snop;
	(pc) =	sbr.ind lr, $3  }
0x3a: {  	_ = 	snop  }
0x3b: {  	_ = 	snop  }
0x3c: {  	p2 =	seq.s32 s10, $0x1;
	s10 =	sld [smem:$0x3FB7]  }
0x3d: {  	_ =	shalt  }
0x3e: {  	_ =	shalt  }
0x3f: {  	_ =	shalt  }
0x40: {  	_ =	shalt  }
0x41: {  	_ =	shalt  }
0x42: {  	_ =	shalt  }
0x43: {  	_ =	shalt  }
0x44: {  	_ =	shalt  }
0x45: {  	_ =	shalt  }
0x46: {  	_ =	shalt  }
0x47: {  	_ =	shalt  }
0x48: {  	_ =	shalt  }
0x49: {  	_ =	shalt  }
0x4a: {  	_ =	shalt  }
0x4b: {  	_ =	shalt  }
0x4c: {  	_ =	shalt  }
0x4d: {  	_ =	shalt  }
0x4e: {  	_ =	shalt  }
0x4f: {  	_ =	shalt  }
0x50: {  	_ =	shalt  }
0x51: {  	_ =	shalt  }
0x52: {  	_ =	shalt  }
0x53: {  	_ =	shalt  }
0x54: {  	_ =	shalt  }
0x55: {  	_ =	shalt  }
0x56: {  	_ =	shalt  }
0x57: {  	_ =	shalt  }
0x58: {  	_ =	shalt  }
0x59: {  	_ =	shalt  }
0x5a: {  	_ =	shalt  }
0x5b: {  	_ =	shalt  }
0x5c: {  	_ =	shalt  }
0x5d: {  	_ =	shalt  }
0x5e: {  	_ =	shalt  }
0x5f: {  	_ =	shalt  }
0x60: {  	_ =	shalt  }
0x61: {  	_ =	shalt  }
0x62: {  	_ =	shalt  }
0x63: {  	_ =	shalt  }
0x64: {  	_ =	shalt  }
0x65: {  	_ =	shalt  }
0x66: {  	_ =	shalt  }
0x67: {  	_ =	shalt  }
0x68: {  	_ =	shalt  }
0x69: {  	_ =	shalt  }
0x6a: {  	_ =	shalt  }
0x6b: {  	_ =	shalt  }
0x6c: {  	_ =	shalt  }
0x6d: {  	_ =	shalt  }
0x6e: {  	_ =	shalt  }
0x6f: {  	_ =	shalt  }
0x70: {  	_ =	shalt  }
0x71: {  	_ =	shalt  }
0x72: {  	_ =	shalt  }
0x73: {  	_ =	shalt  }
0x74: {  	_ =	shalt  }
0x75: {  	_ =	shalt  }
0x76: {  	_ =	shalt  }
0x77: {  	_ =	shalt  }
0x78: {  	_ =	shalt  }
0x79: {  	_ =	shalt  }
0x7a: {  	_ =	shalt  }
0x7b: {  	_ =	shalt  }
0x7c: {  	_ =	shalt  }
0x7d: {  	_ =	shalt  }
0x7e: {  	_ =	shalt  }
0x7f: {  	_ =	shalt  }
0x80: {  	_ =	shalt  }
0x81: {  	_ =	shalt  }
0x82: {  	_ =	shalt  }
0x83: {  	_ =	shalt  }
0x84: {  	_ =	shalt  }
0x85: {  	_ =	shalt  }
0x86: {  	_ =	shalt  }
0x87: {  	_ =	shalt  }
.Lfunc_end0:
.L_simem_size_0:
called_computation_lowered:
.L_overlay_start_0:
0x88: {  	s2 =	sld [smem:$0x3FD9]  }
0x89: {  	s3 =	sld [smem:$0x3FFE];
	_ =	sdelay $0x1  }
0x8a: {  	s1 =	srdreg.scid  }
0x8b: {  	s0 =	sand.u32 $0x1, s1  }
0x8c: {  	s18 =	sshll.u32 s0, $0xA;
	s2 =	sadd.s32 s3, s2  }
0x8d: {  	s2 =	sadd.s32 s2, s18  }
0x8e: {  	[smem:$0x3FC3] =	sst s2  }
0x8f: {  	_ = 	snop  }
0x90: {  	s2 =	sld [smem:$0x3FC9]  }
0x91: {  	s19 =	sld [smem:$0x3FC8]  }
0x92: {  	s4 =	sld [smem:$0x3FC7]  }
0x93: {  	s5 =	sld [smem:$0x3FC6]  }
0x94: {  	s6 =	sld [smem:$0x3FC5]  }
0x95: {  	s7 =	sld [smem:$0x3FD0];
	(tm) =	ssettm $0x1  }
0x96: {  	s8 =	sld [smem:$0x3FFB];
	_ =	sdelay $0x3  }
0x97: {  	_ =	strace s8  }
0x98: {  	s8 =	sld [smem:$0x3FFC];
	_ =	sdelay $0x3  }
0x99: {  	_ =	strace s8  }
0x9a: {  	s8 =	sld [smem:$0x3FFD];
	_ =	sdelay $0x3  }
0x9b: {  	_ =	strace s8  }
0x9c: {  	_ =	strace $0x8FFFFFFF  }
0x9d: {  	s20 =	sld [smem:$0x3FDB];
	_ =	sdelay $0x1  }
0x9e: {  	s9 =	simm.s32 $_scs_section_size  }
0x9f: {  	s10 =	simm.s32 $_size__tile_overlayer_lowered;
	s11 =	simm.s32 $_tile_overlayer_lowered  }
0xa0: {  	s23 =	simm.s32 $0x1BFF;
	s22 =	sshll.u32 s11, $0x1;
	s8 =	sadd.s32 s9, s20  }
0xa1: {  	s12 =	simm.s32 $0x0;
	s21 =	sshll.u32 s10, $0x1;
	s10 =	sadd.s32 s22, s8  }
0xa2: {  	[timem:s12], [sflag:s23] =	dma.local [hbm:s10], s21  }
0xa3: {  	_ =	swait.ge [sflag:s23], s21  }
0xa4: {  	s9 =	ssub.s32 $0x0, s21;
	[sflag:s23] =	ssyncset.done $0x0  }
0xa5: {  	[sflag:s23] =	ssyncadd.s32 s9;
	_ =	sdelay $0x1  }
0xa6: {  	s24 =	simm.s32 $0x1B8B  }
0xa7: {  	_ =	swait.ge [sflag:s24], $0x1  }
0xa8: {  	[sflag:s24] =	ssyncset.done $0x0  }
0xa9: {  	s25 =	simm.s32 $0x1B8E;
	[sflag:s24] =	ssyncadd.s32 $0xFFFFFFFF  }
0xaa: {  	s26 =	simm.s32 $execute0_lowered;
	[smem:$0x3FD2] =	sst s25  }
0xab: {  	s9 =	sshll.u32 s26, $0x1;
	_ =	strace $0x80000046;
	[dreg:$0x1] =	wrdreg $0xFFFFFFFF  }
0xac: {  	s28 =	simm.s32 $_size_execute0_lowered;
	s8 =	sadd.s32 s8, s9;
	[dreg:$0x0] =	wrdreg $0x0  }
0xad: {  	s9 =	sshll.u32 s28, $0x1;
	[dreg:$0x2] =	wrdreg s8  }
0xae: {  	[dreg:$0x3] =	wrdreg s9  }
0xaf: {  	[dreg:$0x4] =	wrdreg $0xC0  }
0xb0: {  	_ =	task [dreg:s12], $0x5FFFF  }
0xb1: {  	[dreg:$0x1] =	wrdreg $0xFFFFFFFF  }
0xb2: {  	[dreg:$0x0] =	wrdreg $0x60  }
0xb3: {  	[dreg:$0x2] =	wrdreg s2  }
0xb4: {  	[dreg:$0x3] =	wrdreg s19  }
0xb5: {  	[dreg:$0x4] =	wrdreg s4  }
0xb6: {  	[dreg:$0x5] =	wrdreg s5  }
0xb7: {  	[dreg:$0x6] =	wrdreg s6  }
0xb8: {  	[dreg:$0x7] =	wrdreg s7  }
0xb9: {  	[dreg:$0x8] =	wrdreg $0x9  }
0xba: {  	_ =	task.clear_ibuf [dreg:s12], $0x9FFFF;
	_ =	strace $0x90000046  }
0xbb: {  	s29 =	simm.s32 $0x9;
	_ =	strace $0x80000048  }
0xbc: {  	_ =	swait.ge [sflag:s29], $0x1  }
0xbd: {  	[sflag:s29] =	ssyncadd.s32 $0xFFFFFFFF  }
0xbe: {  	_ =	strace $0x90000048  }
0xbf: {  	_ =	sfence  }
0xc0: {  	s30 =	sld [smem:$0x0];
	_ =	sdelay $0x2  }
0xc1: {  	s31 =	sshll.u32 s1, $0xD;
	s1 =	sshrl.u32 s1, $0x2  }
0xc2: {  	s3 =	sand.u32 $0x4000, s31;
	s1 =	sadd.s32 s1, s30  }
0xc3: {  	s0 =	sor.u32 s3, s0;
	s1 =	sshll.u32 s1, $0x11  }
0xc4: {  	s0 =	sor.u32 s1, s0  }
0xc5: {  	s0 =	sadd.s32 $0x8F2B, s0  }
0xc6: {  	[sflag:s0] =	ssyncadd.remote.s32 $0x1  }
0xc7: {  	_ =	sfence.sel $0xFFFF  }
0xc8: {  	[dreg:$0x0] =	wrdreg $0xFFFFFFFF;
	(pc) =	sbr.abs _section_cstart, $3  }
0xc9: {  	[dreg:$0x1] =	wrdreg $0xFFFFFFFF  }
0xca: {  	_ =	task.clear_ibuf [dreg:s12], $0x2FFFF;
	_ =	strace $0x9FFFFFFF  }
0xcb: {  	(tm) =	ssettm $0x7FFFFFFF  }
tec
execute0_lowered:
.L_overlay_start_1:
0x0: {  	(tag) =	ssettag $0x1  }
0x1: {  	s0 =	rddreg [dreg:$0x0]  }
0x2: {  	s6 =	rddreg [dreg:$0x1]  }
0x3: {  	s1 =	rddreg [dreg:$0x2]  }
0x4: {  	s2 =	rddreg [dreg:$0x3]  }
0x5: {  	s4 =	rddreg [dreg:$0x4]  }
0x6: {  	s7 =	rddreg [dreg:$0x5];
	s5 =	srdreg.scid  }
0x7: {  	s3 =	stileid.u32;
	s24 =	simm.s32 $0x600;
	s25 =	simm.s32 $0x400  }
0x8: {  	s26 =	simm.s32 $0x800;
	s28 =	simm.s32 $0xA00;
	s29 =	simm.s32 $0xA80  }
0x9: {  	s30 =	simm.s32 $0xB00;
	s8 =	sand.u32 $0x1, s5;
	s5 =	simm.s32 $0x0  }
0xa: {  	s31 =	simm.s32 $0xB80;
	s9 =	sshll.u32 s3, $0x7;
	[smem:$0x7FF] =	sst s5  }
0xb: {  	s10 =	sshll.u32 s8, $0x6;
	_ =	strace $0x80000047;
	[dreg:$0x13] =	wrdreg s24  }
0xc: {  	s20 =	ssub.s32 $0x2, s8;
	s9 =	sor.u32 s10, s9;
	[dreg:$0x14] =	wrdreg s25  }
0xd: {  	s8 =	sshrl.u32 s20, $0x1;
	[dreg:$0x15] =	wrdreg s26;
	s24 =	simm.s32 $0x780  }
0xe: {  	s25 =	simm.s32 $0x580;
	s26 =	simm.s32 $0x980;
	s10 =	sadd.s32 s0, s9  }
0xf: {  	s13 =	sadd.s32 s6, s9;
	s11 =	sor.u32 $0x10, s9;
	[dreg:$0x7] =	wrdreg s10  }
0x10: {  	s12 =	sor.u32 $0x20, s9;
	s19 =	sadd.s32 s7, s9;
	[dreg:$0x8] =	wrdreg s13  }
0x11: {  	s14 =	sadd.s32 s0, s11;
	s15 =	sadd.s32 s6, s11;
	s16 =	sadd.s32 s0, s12  }
0x12: {  	s17 =	sadd.s32 s6, s12;
	s13 =	sor.u32 $0x30, s9;
	[dreg:$0xf] =	wrdreg s19  }
0x13: {  	s21 =	sadd.s32 s7, s11;
	s22 =	sadd.s32 s7, s12;
	[dreg:$0x9] =	wrdreg s14  }
0x14: {  	s9 =	simm.s32 $0x280;
	s10 =	simm.s32 $0x100;
	[dreg:$0xa] =	wrdreg s15  }
0x15: {  	s11 =	simm.s32 $0x300;
	s12 =	simm.s32 $0x180;
	[dreg:$0xb] =	wrdreg s16  }
0x16: {  	s19 =	simm.s32 $0x3;
	[dreg:$0xc] =	wrdreg s17;
	s0 =	sadd.s32 s0, s13  }
0x17: {  	s18 =	sadd.s32 s6, s13;
	[dreg:$0x10] =	wrdreg s21;
	s6 =	ssub.s32 s20, s8  }
0x18: {  	[dreg:$0x11] =	wrdreg s22;
	s23 =	sadd.s32 s7, s13;
	s7 =	simm.s32 $0x200  }
0x19: {  	s8 =	simm.s32 $0x80;
	s13 =	simm.s32 $0x380;
	s14 =	simm.s32 $0x1  }
0x1a: {  	s15 =	simm.s32 $0x2;
	s17 =	simm.s32 $0x480;
	[dreg:$0xd] =	wrdreg s0  }
0x1b: {  	s20 =	simm.s32 $0x700;
	s21 =	simm.s32 $0x500;
	[dreg:$0xe] =	wrdreg s18  }
0x1c: {  	s22 =	simm.s32 $0x900;
	[dreg:$0x12] =	wrdreg s23;
	s6 =	smax.u32 s6, $0x1  }
0x1d: {  	s18 =	simm.s32 $0x880;
	s23 =	simm.s32 $0x4;
	s0 =	simm.s32 $0x5  }
.LBB2_1:
0x1e: {  	s3 =	rddreg [dreg:$0x7]  }
0x1f: {  	[tilespmem:s5], [sflag:$0x1] =	stream.linear.gather [hbm4b:s3+s5], $0x80, $0x38;
	[tilespmem:$0xC00] =	vst v63  }
0x20: {  	s16 =	rddreg [dreg:$0x8]  }
0x21: {  	[tilespmem:s7], [sflag:$0x1] =	stream.linear.gather [hbm4b:s16+s5], $0x80, $0x38;
	[tilespmem:$0xC00] =	vst v63  }
0x22: {  	s3 =	rddreg [dreg:$0x9]  }
0x23: {  	[tilespmem:s8], [sflag:$0x2] =	stream.linear.gather [hbm4b:s3+s5], $0x80, $0x38;
	[tilespmem:$0xC00] =	vst v63  }
0x24: {  	s16 =	rddreg [dreg:$0xa]  }
0x25: {  	[tilespmem:s9], [sflag:$0x2] =	stream.linear.gather [hbm4b:s16+s5], $0x80, $0x38;
	[tilespmem:$0xC00] =	vst v63  }
0x26: {  	s3 =	rddreg [dreg:$0xb]  }
0x27: {  	[tilespmem:s10], [sflag:$0x3] =	stream.linear.gather [hbm4b:s3+s5], $0x80, $0x38;
	[tilespmem:$0xC00] =	vst v63  }
0x28: {  	s16 =	rddreg [dreg:$0xc]  }
0x29: {  	[tilespmem:s11], [sflag:$0x3] =	stream.linear.gather [hbm4b:s16+s5], $0x80, $0x38;
	[tilespmem:$0xC00] =	vst v63  }
0x2a: {  	s3 =	rddreg [dreg:$0xd]  }
0x2b: {  	[tilespmem:s12], [sflag:$0x4] =	stream.linear.gather [hbm4b:s3+s5], $0x80, $0x38;
	[tilespmem:$0xC00] =	vst v63  }
0x2c: {  	s16 =	rddreg [dreg:$0xe]  }
0x2d: {  	[tilespmem:s13], [sflag:$0x4] =	stream.linear.gather [hbm4b:s16+s5], $0x80, $0x38;
	[tilespmem:$0xC00] =	vst v63  }
0x2e: {  	_ =	swait.ge [sflag:s14], $0x80  }
0x2f: {  	[sflag:s14] =	ssyncset.done $0x0  }
0x30: {  	[sflag:s14] =	ssyncadd.s32 $0xFFFFFF80  }
0x31: {  	_ =	swait.ge [sflag:s14], $0x80  }
0x32: {  	[sflag:s14] =	ssyncset.done $0x0  }
0x33: {  	s3 =	rddreg [dreg:$0x13];
	[sflag:s14] =	ssyncadd.s32 $0xFFFFFF80  }
0x34: {  	[tilespmem:s3], [sflag:$0x1] =	stream.indirect.gather [hbm4b:s2+s8], $0x1, s7, s8, $0xb8;
	[tilespmem:$0xC00] =	vst v63  }
0x35: {  	s16 =	rddreg [dreg:$0x14]  }
0x36: {  	[tilespmem:s16], [sflag:$0x1] =	stream.indirect.gather [hbm4b:s1+s8], $0x1, s5, s8, $0xb8;
	[tilespmem:$0xC00] =	vst v63  }
0x37: {  	s3 =	rddreg [dreg:$0x15]  }
0x38: {  	[tilespmem:s3], [sflag:$0x1] =	stream.indirect.gather [hbm4b:s4+s8], $0x1, s7, s8, $0xb8;
	[tilespmem:$0xC00] =	vst v63  }
0x39: {  	_ =	swait.ge [sflag:s15], $0x80  }
0x3a: {  	[sflag:s15] =	ssyncset.done $0x0  }
0x3b: {  	[sflag:s15] =	ssyncadd.s32 $0xFFFFFF80  }
0x3c: {  	_ =	swait.ge [sflag:s15], $0x80  }
0x3d: {  	[sflag:s15] =	ssyncset.done $0x0  }
0x3e: {  	s16 =	simm.s32 $0x680;
	[sflag:s15] =	ssyncadd.s32 $0xFFFFFF80  }
0x3f: {  	[tilespmem:s16], [sflag:$0x2] =	stream.indirect.gather [hbm4b:s2+s8], $0x1, s9, s8, $0xb8;
	[tilespmem:$0xC00] =	vst v63  }
0x40: {  	_ = 	snop  }
0x41: {  	[tilespmem:s17], [sflag:$0x2] =	stream.indirect.gather [hbm4b:s1+s8], $0x1, s8, s8, $0xb8;
	[tilespmem:$0xC00] =	vst v63  }
0x42: {  	_ = 	snop  }
0x43: {  	[tilespmem:s18], [sflag:$0x2] =	stream.indirect.gather [hbm4b:s4+s8], $0x1, s9, s8, $0xb8;
	[tilespmem:$0xC00] =	vst v63  }
0x44: {  	_ =	swait.ge [sflag:s19], $0x80  }
0x45: {  	[sflag:s19] =	ssyncset.done $0x0  }
0x46: {  	[sflag:s19] =	ssyncadd.s32 $0xFFFFFF80  }
0x47: {  	_ =	swait.ge [sflag:s19], $0x80  }
0x48: {  	[sflag:s19] =	ssyncset.done $0x0  }
0x49: {  	[sflag:s19] =	ssyncadd.s32 $0xFFFFFF80  }
0x4a: {  	[tilespmem:s20], [sflag:$0x3] =	stream.indirect.gather [hbm4b:s2+s8], $0x1, s11, s8, $0xb8;
	[tilespmem:$0xC00] =	vst v63  }
0x4b: {  	_ = 	snop  }
0x4c: {  	[tilespmem:s21], [sflag:$0x3] =	stream.indirect.gather [hbm4b:s1+s8], $0x1, s10, s8, $0xb8;
	[tilespmem:$0xC00] =	vst v63  }
0x4d: {  	_ = 	snop  }
0x4e: {  	[tilespmem:s22], [sflag:$0x3] =	stream.indirect.gather [hbm4b:s4+s8], $0x1, s11, s8, $0xb8;
	[tilespmem:$0xC00] =	vst v63  }
0x4f: {  	_ =	swait.ge [sflag:s23], $0x80  }
0x50: {  	[sflag:s23] =	ssyncset.done $0x0  }
0x51: {  	[sflag:s23] =	ssyncadd.s32 $0xFFFFFF80  }
0x52: {  	_ =	swait.ge [sflag:s23], $0x80  }
0x53: {  	[sflag:s23] =	ssyncset.done $0x0  }
0x54: {  	[sflag:s23] =	ssyncadd.s32 $0xFFFFFF80  }
0x55: {  	[tilespmem:s24], [sflag:$0x4] =	stream.indirect.gather [hbm4b:s2+s8], $0x1, s13, s8, $0xb8;
	[tilespmem:$0xC00] =	vst v63  }
0x56: {  	_ = 	snop  }
0x57: {  	[tilespmem:s25], [sflag:$0x4] =	stream.indirect.gather [hbm4b:s1+s8], $0x1, s12, s8, $0xb8;
	[tilespmem:$0xC00] =	vst v63  }
0x58: {  	_ = 	snop  }
0x59: {  	[tilespmem:s26], [sflag:$0x4] =	stream.indirect.gather [hbm4b:s4+s8], $0x1, s13, s8, $0xb8;
	[tilespmem:$0xC00] =	vst v63  }
0x5a: {  	_ =	swait.ge [sflag:s14], $0x80  }
0x5b: {  	[sflag:s14] =	ssyncset.done $0x0  }
0x5c: {  	[sflag:s14] =	ssyncadd.s32 $0xFFFFFF80  }
0x5d: {  	v0 =	vld [tilespmem:$0x600]  }
0x5e: {  	v1 =	vld [tilespmem:$0x610]  }
0x5f: {  	v2 =	vld [tilespmem:$0x620]  }
0x60: {  	v3 =	vld [tilespmem:$0x630]  }
0x61: {  	v4 =	vld [tilespmem:$0x640]  }
0x62: {  	v5 =	vld [tilespmem:$0x650];
	v0 =	vsub.f32 $0.0e+00, v0  }
0x63: {  	v6 =	vld [tilespmem:$0x660];
	v1 =	vsub.f32 $0.0e+00, v1  }
0x64: {  	v7 =	vld [tilespmem:$0x670];
	v2 =	vsub.f32 $0.0e+00, v2;
	v0 =	vmul.f32 $1.442695020e+00, v0  }
0x65: {  	v3 =	vsub.f32 $0.0e+00, v3;
	v1 =	vmul.f32 $1.442695020e+00, v1  }
0x66: {  	v63 =	vsub.f32 $0.0e+00, v4;
	v62 =	vmul.f32 $1.442695020e+00, v2;
	(erf) = vpow2.f32 v0  }
0x67: {  	v9 =	vsub.f32 $0.0e+00, v5;
	v8 =	vmul.f32 $1.442695020e+00, v3;
	(erf) = vpow2.f32 v1  }
0x68: {  	v11 =	vsub.f32 $0.0e+00, v6;
	v10 =	vmul.f32 $1.442695020e+00, v63;
	(erf) = vpow2.f32 v62  }
0x69: {  	v13 =	vsub.f32 $0.0e+00, v7;
	v12 =	vmul.f32 $1.442695020e+00, v9;
	(erf) = vpow2.f32 v8  }
0x6a: {  	v14 =	vmul.f32 $1.442695020e+00, v11;
	(erf) = vpow2.f32 v10  }
0x6b: {  	v15 =	vmul.f32 $1.442695020e+00, v13;
	(erf) = vpow2.f32 v12  }
0x6c: {  	(erf) = vpow2.f32 v14  }
0x6d: {  	(erf) = vpow2.f32 v15;
	_ =	sdelay $0x1  }
0x6e: {  	v16 =	vpop (erf)  }
0x6f: {  	[tilespmem:$0x600] =	vst v16;
	v17 =	vpop (erf)  }
0x70: {  	[tilespmem:$0x610] =	vst v17;
	v18 =	vpop (erf)  }
0x71: {  	[tilespmem:$0x620] =	vst v18;
	v19 =	vpop (erf)  }
0x72: {  	[tilespmem:$0x630] =	vst v19;
	v20 =	vpop (erf)  }
0x73: {  	[tilespmem:$0x640] =	vst v20;
	v21 =	vpop (erf)  }
0x74: {  	[tilespmem:$0x650] =	vst v21;
	v22 =	vpop (erf)  }
0x75: {  	[tilespmem:$0x660] =	vst v22;
	v23 =	vpop (erf)  }
0x76: {  	[tilespmem:$0x670] =	vst v23  }
0x77: {  	_ =	swait.ge [sflag:s14], $0x80  }
0x78: {  	[sflag:s14] =	ssyncset.done $0x0  }
0x79: {  	[sflag:s14] =	ssyncadd.s32 $0xFFFFFF80  }
0x7a: {  	_ =	swait.ge [sflag:s14], $0x80  }
0x7b: {  	v0 =	vadd.f32 $1.000000000e+00, v16;
	[sflag:s14] =	ssyncset.done $0x0  }
0x7c: {  	[sflag:s14] =	ssyncadd.s32 $0xFFFFFF80  }
0x7d: {  	(erf) = vrcp.f32 v0;
	v24 =	vld [tilespmem:$0x400]  }
0x7e: {  	v25 =	vld [tilespmem:$0x800];
	_ =	sdelay $0x4  }
0x7f: {  	v0 =	vsub.f32 v24, v25;
	_ =	sdelay $0x1  }
0x80: {  	v0 =	vmul.f32 $3.400000100e+00, v0  }
0x81: {  	v26 =	vpop (erf)  }
0x82: {  	v0 =	vmul.f32 v0, v26;
	_ =	sdelay $0x1  }
0x83: {  	v0 =	vsub.f32 $0.0e+00, v0;
	_ =	sdelay $0x1  }
0x84: {  	v0 =	vmul.f32 $1.442695020e+00, v0;
	_ =	sdelay $0x1  }
0x85: {  	(erf) = vpow2.f32 v0;
	_ =	sdelay $0x8  }
0x86: {  	v0 =	vpop (erf)  }
0x87: {  	[tilespmem:$0x400] =	vst v0  }
0x88: {  	v27 =	vld [tilespmem:$0x610];
	_ =	sdelay $0x4  }
0x89: {  	v1 =	vadd.f32 $1.000000000e+00, v27;
	_ =	sdelay $0x1  }
0x8a: {  	v28 =	vld [tilespmem:$0x410];
	(erf) = vrcp.f32 v1  }
0x8b: {  	v29 =	vld [tilespmem:$0x810];
	_ =	sdelay $0x4  }
0x8c: {  	v1 =	vsub.f32 v28, v29;
	_ =	sdelay $0x1  }
0x8d: {  	v1 =	vmul.f32 $3.400000100e+00, v1  }
0x8e: {  	v30 =	vpop (erf)  }
0x8f: {  	v31 =	vld [tilespmem:$0x620];
	v1 =	vmul.f32 v30, v1;
	_ =	sdelay $0x1  }
0x90: {  	v1 =	vsub.f32 $0.0e+00, v1;
	_ =	sdelay $0x1  }
0x91: {  	v1 =	vmul.f32 $1.442695020e+00, v1  }
0x92: {  	v2 =	vadd.f32 $1.000000000e+00, v31  }
0x93: {  	(erf) = vpow2.f32 v1  }
0x94: {  	v32 =	vld [tilespmem:$0x420];
	(erf) = vrcp.f32 v2  }
0x95: {  	v33 =	vld [tilespmem:$0x820];
	_ =	sdelay $0x4  }
0x96: {  	v1 =	vsub.f32 v32, v33;
	_ =	sdelay $0x1  }
0x97: {  	v1 =	vmul.f32 $3.400000100e+00, v1;
	v34 =	vpop (erf)  }
0x98: {  	v35 =	vpop (erf)  }
0x99: {  	v36 =	vld [tilespmem:$0x630];
	v1 =	vmul.f32 v35, v1;
	_ =	sdelay $0x1  }
0x9a: {  	v1 =	vsub.f32 $0.0e+00, v1;
	_ =	sdelay $0x1  }
0x9b: {  	v1 =	vmul.f32 $1.442695020e+00, v1  }
0x9c: {  	v3 =	vadd.f32 $1.000000000e+00, v36  }
0x9d: {  	(erf) = vpow2.f32 v1  }
0x9e: {  	v37 =	vld [tilespmem:$0x430];
	(erf) = vrcp.f32 v3  }
0x9f: {  	v38 =	vld [tilespmem:$0x830];
	_ =	sdelay $0x4  }
0xa0: {  	v1 =	vsub.f32 v37, v38;
	_ =	sdelay $0x1  }
0xa1: {  	v1 =	vmul.f32 $3.400000100e+00, v1;
	v39 =	vpop (erf)  }
0xa2: {  	v40 =	vpop (erf)  }
0xa3: {  	v41 =	vld [tilespmem:$0x640];
	v1 =	vmul.f32 v40, v1;
	_ =	sdelay $0x1  }
0xa4: {  	v1 =	vsub.f32 $0.0e+00, v1;
	_ =	sdelay $0x1  }
0xa5: {  	v1 =	vmul.f32 $1.442695020e+00, v1  }
0xa6: {  	v4 =	vadd.f32 $1.000000000e+00, v41  }
0xa7: {  	(erf) = vpow2.f32 v1  }
0xa8: {  	v42 =	vld [tilespmem:$0x440];
	(erf) = vrcp.f32 v4  }
0xa9: {  	v43 =	vld [tilespmem:$0x840];
	_ =	sdelay $0x4  }
0xaa: {  	v1 =	vsub.f32 v42, v43;
	_ =	sdelay $0x1  }
0xab: {  	v1 =	vmul.f32 $3.400000100e+00, v1;
	v44 =	vpop (erf)  }
0xac: {  	v45 =	vpop (erf)  }
0xad: {  	v46 =	vld [tilespmem:$0x650];
	v1 =	vmul.f32 v45, v1;
	_ =	sdelay $0x1  }
0xae: {  	v1 =	vsub.f32 $0.0e+00, v1;
	_ =	sdelay $0x1  }
0xaf: {  	v1 =	vmul.f32 $1.442695020e+00, v1  }
0xb0: {  	v5 =	vadd.f32 $1.000000000e+00, v46  }
0xb1: {  	(erf) = vpow2.f32 v1  }
0xb2: {  	v47 =	vld [tilespmem:$0x450];
	(erf) = vrcp.f32 v5  }
0xb3: {  	v48 =	vld [tilespmem:$0x850];
	_ =	sdelay $0x4  }
0xb4: {  	v1 =	vsub.f32 v47, v48;
	_ =	sdelay $0x1  }
0xb5: {  	v1 =	vmul.f32 $3.400000100e+00, v1;
	v49 =	vpop (erf)  }
0xb6: {  	v50 =	vpop (erf)  }
0xb7: {  	v51 =	vld [tilespmem:$0x660];
	v1 =	vmul.f32 v50, v1;
	_ =	sdelay $0x1  }
0xb8: {  	v1 =	vsub.f32 $0.0e+00, v1;
	_ =	sdelay $0x1  }
0xb9: {  	v1 =	vmul.f32 $1.442695020e+00, v1  }
0xba: {  	v6 =	vadd.f32 $1.000000000e+00, v51  }
0xbb: {  	(erf) = vpow2.f32 v1  }
0xbc: {  	v52 =	vld [tilespmem:$0x460];
	(erf) = vrcp.f32 v6  }
0xbd: {  	v53 =	vld [tilespmem:$0x860];
	_ =	sdelay $0x4  }
0xbe: {  	v1 =	vsub.f32 v52, v53;
	_ =	sdelay $0x1  }
0xbf: {  	v1 =	vmul.f32 $3.400000100e+00, v1;
	v54 =	vpop (erf)  }
0xc0: {  	v55 =	vpop (erf)  }
0xc1: {  	v56 =	vld [tilespmem:$0x670];
	v1 =	vmul.f32 v55, v1;
	_ =	sdelay $0x1  }
0xc2: {  	v1 =	vsub.f32 $0.0e+00, v1;
	_ =	sdelay $0x1  }
0xc3: {  	v1 =	vmul.f32 $1.442695020e+00, v1  }
0xc4: {  	v7 =	vadd.f32 $1.000000000e+00, v56  }
0xc5: {  	(erf) = vpow2.f32 v1  }
0xc6: {  	v57 =	vld [tilespmem:$0x470];
	(erf) = vrcp.f32 v7  }
0xc7: {  	v58 =	vld [tilespmem:$0x870];
	_ =	sdelay $0x4  }
0xc8: {  	v1 =	vsub.f32 v57, v58;
	_ =	sdelay $0x1  }
0xc9: {  	v1 =	vmul.f32 $3.400000100e+00, v1;
	v59 =	vpop (erf)  }
0xca: {  	v8 =	vpop (erf)  }
0xcb: {  	v1 =	vmul.f32 v8, v1;
	_ =	sdelay $0x1  }
0xcc: {  	v1 =	vsub.f32 $0.0e+00, v1;
	_ =	sdelay $0x1  }
0xcd: {  	v1 =	vmul.f32 $1.442695020e+00, v1;
	_ =	sdelay $0x1  }
0xce: {  	(erf) = vpow2.f32 v1;
	_ =	sdelay $0x3  }
0xcf: {  	[tilespmem:$0x410] =	vst v34  }
0xd0: {  	v60 =	vld [tilespmem:$0x410];
	[tilespmem:$0x420] =	vst v39  }
0xd1: {  	v61 =	vld [tilespmem:$0x420];
	[tilespmem:$0x430] =	vst v44  }
0xd2: {  	v62 =	vld [tilespmem:$0x430];
	[tilespmem:$0x440] =	vst v49  }
0xd3: {  	v63 =	vld [tilespmem:$0x440];
	[tilespmem:$0x450] =	vst v54  }
0xd4: {  	v0 =	vadd.f32 $1.000000000e+00, v0;
	v6 =	vld [tilespmem:$0x450];
	[tilespmem:$0x460] =	vst v59;
	v9 =	vpop (erf)  }
0xd5: {  	v10 =	vld [tilespmem:$0x460];
	v1 =	vadd.f32 $1.000000000e+00, v60;
	[tilespmem:$0x470] =	vst v9  }
0xd6: {  	v11 =	vadd.f32 $1.000000000e+00, v61;
	(erf) = vrcp.f32 v0;
	v12 =	vld [tilespmem:$0x470]  }
0xd7: {  	v13 =	vadd.f32 $1.000000000e+00, v62;
	(erf) = vrcp.f32 v1  }
0xd8: {  	v14 =	vadd.f32 $1.000000000e+00, v63;
	(erf) = vrcp.f32 v11  }
0xd9: {  	v15 =	vadd.f32 $1.000000000e+00, v6;
	(erf) = vrcp.f32 v13  }
0xda: {  	v16 =	vadd.f32 $1.000000000e+00, v10;
	(erf) = vrcp.f32 v14  }
0xdb: {  	(erf) = vrcp.f32 v15;
	v17 =	vadd.f32 $1.000000000e+00, v12  }
0xdc: {  	(erf) = vrcp.f32 v16  }
0xdd: {  	(erf) = vrcp.f32 v17;
	_ =	sdelay $0x1  }
0xde: {  	v18 =	vpop (erf)  }
0xdf: {  	[tilespmem:$0xA00] =	vst v18;
	v19 =	vpop (erf)  }
0xe0: {  	[tilespmem:$0xA10] =	vst v19;
	v20 =	vpop (erf)  }
0xe1: {  	[tilespmem:$0xA20] =	vst v20;
	v21 =	vpop (erf)  }
0xe2: {  	[tilespmem:$0xA30] =	vst v21;
	v22 =	vpop (erf)  }
0xe3: {  	[tilespmem:$0xA40] =	vst v22;
	v23 =	vpop (erf)  }
0xe4: {  	[tilespmem:$0xA50] =	vst v23;
	v24 =	vpop (erf)  }
0xe5: {  	[tilespmem:$0xA60] =	vst v24;
	v25 =	vpop (erf)  }
0xe6: {  	s16 =	rddreg [dreg:$0xf];
	[tilespmem:$0xA70] =	vst v25  }
0xe7: {  	[hbm4b:s16+s5] =	stream.linear.scatter [tilespmem:s28], [sflag:$0x5], $0x80, $0x38;
	[tilespmem:$0xC00] =	vst v63  }
0xe8: {  	_ =	swait.ge [sflag:s15], $0x80  }
0xe9: {  	[sflag:s15] =	ssyncset.done $0x0  }
0xea: {  	[sflag:s15] =	ssyncadd.s32 $0xFFFFFF80  }
0xeb: {  	v26 =	vld [tilespmem:$0x680]  }
0xec: {  	v27 =	vld [tilespmem:$0x690]  }
0xed: {  	v28 =	vld [tilespmem:$0x6A0]  }
0xee: {  	v29 =	vld [tilespmem:$0x6B0]  }
0xef: {  	v30 =	vld [tilespmem:$0x6C0]  }
0xf0: {  	v31 =	vld [tilespmem:$0x6D0];
	v0 =	vsub.f32 $0.0e+00, v26  }
0xf1: {  	v32 =	vld [tilespmem:$0x6E0];
	v1 =	vsub.f32 $0.0e+00, v27  }
0xf2: {  	v33 =	vld [tilespmem:$0x6F0];
	v2 =	vsub.f32 $0.0e+00, v28;
	v0 =	vmul.f32 $1.442695020e+00, v0  }
0xf3: {  	v3 =	vsub.f32 $0.0e+00, v29;
	v1 =	vmul.f32 $1.442695020e+00, v1  }
0xf4: {  	v35 =	vsub.f32 $0.0e+00, v30;
	v34 =	vmul.f32 $1.442695020e+00, v2;
	(erf) = vpow2.f32 v0  }
0xf5: {  	v37 =	vsub.f32 $0.0e+00, v31;
	v36 =	vmul.f32 $1.442695020e+00, v3;
	(erf) = vpow2.f32 v1  }
0xf6: {  	v39 =	vsub.f32 $0.0e+00, v32;
	v38 =	vmul.f32 $1.442695020e+00, v35;
	(erf) = vpow2.f32 v34  }
0xf7: {  	v41 =	vsub.f32 $0.0e+00, v33;
	v40 =	vmul.f32 $1.442695020e+00, v37;
	(erf) = vpow2.f32 v36  }
0xf8: {  	v42 =	vmul.f32 $1.442695020e+00, v39;
	(erf) = vpow2.f32 v38  }
0xf9: {  	v43 =	vmul.f32 $1.442695020e+00, v41;
	(erf) = vpow2.f32 v40  }
0xfa: {  	(erf) = vpow2.f32 v42  }
0xfb: {  	(erf) = vpow2.f32 v43;
	_ =	sdelay $0x1  }
0xfc: {  	v44 =	vpop (erf)  }
0xfd: {  	[tilespmem:$0x680] =	vst v44;
	v45 =	vpop (erf)  }
0xfe: {  	[tilespmem:$0x690] =	vst v45;
	v46 =	vpop (erf)  }
0xff: {  	[tilespmem:$0x6A0] =	vst v46;
	v47 =	vpop (erf)  }
0x100: {  	[tilespmem:$0x6B0] =	vst v47;
	v48 =	vpop (erf)  }
0x101: {  	[tilespmem:$0x6C0] =	vst v48;
	v49 =	vpop (erf)  }
0x102: {  	[tilespmem:$0x6D0] =	vst v49;
	v50 =	vpop (erf)  }
0x103: {  	[tilespmem:$0x6E0] =	vst v50;
	v51 =	vpop (erf)  }
0x104: {  	[tilespmem:$0x6F0] =	vst v51  }
0x105: {  	_ =	swait.ge [sflag:s15], $0x80  }
0x106: {  	[sflag:s15] =	ssyncset.done $0x0  }
0x107: {  	[sflag:s15] =	ssyncadd.s32 $0xFFFFFF80  }
0x108: {  	_ =	swait.ge [sflag:s15], $0x80  }
0x109: {  	v0 =	vadd.f32 $1.000000000e+00, v44;
	[sflag:s15] =	ssyncset.done $0x0  }
0x10a: {  	[sflag:s15] =	ssyncadd.s32 $0xFFFFFF80  }
0x10b: {  	(erf) = vrcp.f32 v0;
	v52 =	vld [tilespmem:$0x480]  }
0x10c: {  	v53 =	vld [tilespmem:$0x880];
	_ =	sdelay $0x4  }
0x10d: {  	v0 =	vsub.f32 v52, v53;
	_ =	sdelay $0x1  }
0x10e: {  	v0 =	vmul.f32 $3.400000100e+00, v0  }
0x10f: {  	v54 =	vpop (erf)  }
0x110: {  	v55 =	vld [tilespmem:$0x690];
	v0 =	vmul.f32 v0, v54;
	_ =	sdelay $0x1  }
0x111: {  	v0 =	vsub.f32 $0.0e+00, v0;
	_ =	sdelay $0x1  }
0x112: {  	v0 =	vmul.f32 $1.442695020e+00, v0  }
0x113: {  	v1 =	vadd.f32 $1.000000000e+00, v55  }
0x114: {  	(erf) = vpow2.f32 v0  }
0x115: {  	v56 =	vld [tilespmem:$0x490];
	(erf) = vrcp.f32 v1  }
0x116: {  	v57 =	vld [tilespmem:$0x890];
	_ =	sdelay $0x4  }
0x117: {  	v0 =	vsub.f32 v56, v57;
	_ =	sdelay $0x1  }
0x118: {  	v0 =	vmul.f32 $3.400000100e+00, v0;
	v58 =	vpop (erf)  }
0x119: {  	v59 =	vpop (erf)  }
0x11a: {  	v60 =	vld [tilespmem:$0x6A0];
	v0 =	vmul.f32 v59, v0;
	_ =	sdelay $0x1  }
0x11b: {  	v0 =	vsub.f32 $0.0e+00, v0;
	_ =	sdelay $0x1  }
0x11c: {  	v0 =	vmul.f32 $1.442695020e+00, v0  }
0x11d: {  	v2 =	vadd.f32 $1.000000000e+00, v60  }
0x11e: {  	(erf) = vpow2.f32 v0  }
0x11f: {  	v61 =	vld [tilespmem:$0x4A0];
	(erf) = vrcp.f32 v2  }
0x120: {  	v62 =	vld [tilespmem:$0x8A0];
	_ =	sdelay $0x4  }
0x121: {  	v0 =	vsub.f32 v61, v62;
	_ =	sdelay $0x1  }
0x122: {  	v0 =	vmul.f32 $3.400000100e+00, v0;
	v63 =	vpop (erf)  }
0x123: {  	v8 =	vpop (erf)  }
0x124: {  	v9 =	vld [tilespmem:$0x6B0];
	v0 =	vmul.f32 v8, v0;
	_ =	sdelay $0x1  }
0x125: {  	v0 =	vsub.f32 $0.0e+00, v0;
	_ =	sdelay $0x1  }
0x126: {  	v0 =	vmul.f32 $1.442695020e+00, v0  }
0x127: {  	v3 =	vadd.f32 $1.000000000e+00, v9  }
0x128: {  	(erf) = vpow2.f32 v0  }
0x129: {  	v10 =	vld [tilespmem:$0x4B0];
	(erf) = vrcp.f32 v3  }
0x12a: {  	v11 =	vld [tilespmem:$0x8B0];
	_ =	sdelay $0x4  }
0x12b: {  	v0 =	vsub.f32 v10, v11;
	_ =	sdelay $0x1  }
0x12c: {  	v0 =	vmul.f32 $3.400000100e+00, v0;
	v12 =	vpop (erf)  }
0x12d: {  	v13 =	vpop (erf)  }
0x12e: {  	v14 =	vld [tilespmem:$0x6C0];
	v0 =	vmul.f32 v13, v0;
	_ =	sdelay $0x1  }
0x12f: {  	v0 =	vsub.f32 $0.0e+00, v0;
	_ =	sdelay $0x1  }
0x130: {  	v0 =	vmul.f32 $1.442695020e+00, v0  }
0x131: {  	v4 =	vadd.f32 $1.000000000e+00, v14  }
0x132: {  	(erf) = vpow2.f32 v0  }
0x133: {  	v15 =	vld [tilespmem:$0x4C0];
	(erf) = vrcp.f32 v4  }
0x134: {  	v16 =	vld [tilespmem:$0x8C0];
	_ =	sdelay $0x4  }
0x135: {  	v0 =	vsub.f32 v15, v16;
	_ =	sdelay $0x1  }
0x136: {  	v0 =	vmul.f32 $3.400000100e+00, v0;
	v17 =	vpop (erf)  }
0x137: {  	v18 =	vpop (erf)  }
0x138: {  	v19 =	vld [tilespmem:$0x6D0];
	v0 =	vmul.f32 v18, v0;
	_ =	sdelay $0x1  }
0x139: {  	v0 =	vsub.f32 $0.0e+00, v0;
	_ =	sdelay $0x1  }
0x13a: {  	v0 =	vmul.f32 $1.442695020e+00, v0  }
0x13b: {  	v5 =	vadd.f32 $1.000000000e+00, v19  }
0x13c: {  	(erf) = vpow2.f32 v0  }
0x13d: {  	v20 =	vld [tilespmem:$0x4D0];
	(erf) = vrcp.f32 v5  }
0x13e: {  	v21 =	vld [tilespmem:$0x8D0];
	_ =	sdelay $0x4  }
0x13f: {  	v0 =	vsub.f32 v20, v21;
	_ =	sdelay $0x1  }
0x140: {  	v0 =	vmul.f32 $3.400000100e+00, v0;
	v22 =	vpop (erf)  }
0x141: {  	v23 =	vpop (erf)  }
0x142: {  	v24 =	vld [tilespmem:$0x6E0];
	v0 =	vmul.f32 v23, v0;
	_ =	sdelay $0x1  }
0x143: {  	v0 =	vsub.f32 $0.0e+00, v0;
	_ =	sdelay $0x1  }
0x144: {  	v0 =	vmul.f32 $1.442695020e+00, v0  }
0x145: {  	v6 =	vadd.f32 $1.000000000e+00, v24  }
0x146: {  	(erf) = vpow2.f32 v0  }
0x147: {  	v25 =	vld [tilespmem:$0x4E0];
	(erf) = vrcp.f32 v6  }
0x148: {  	v26 =	vld [tilespmem:$0x8E0];
	_ =	sdelay $0x4  }
0x149: {  	v0 =	vsub.f32 v25, v26;
	_ =	sdelay $0x1  }
0x14a: {  	v0 =	vmul.f32 $3.400000100e+00, v0;
	v27 =	vpop (erf)  }
0x14b: {  	v28 =	vpop (erf)  }
0x14c: {  	v29 =	vld [tilespmem:$0x6F0];
	v0 =	vmul.f32 v28, v0;
	_ =	sdelay $0x1  }
0x14d: {  	v0 =	vsub.f32 $0.0e+00, v0;
	_ =	sdelay $0x1  }
0x14e: {  	v0 =	vmul.f32 $1.442695020e+00, v0  }
0x14f: {  	v7 =	vadd.f32 $1.000000000e+00, v29  }
0x150: {  	(erf) = vpow2.f32 v0  }
0x151: {  	v30 =	vld [tilespmem:$0x4F0];
	(erf) = vrcp.f32 v7  }
0x152: {  	v31 =	vld [tilespmem:$0x8F0];
	_ =	sdelay $0x4  }
0x153: {  	v0 =	vsub.f32 v30, v31;
	_ =	sdelay $0x1  }
0x154: {  	v0 =	vmul.f32 $3.400000100e+00, v0;
	v32 =	vpop (erf)  }
0x155: {  	v33 =	vpop (erf)  }
0x156: {  	v0 =	vmul.f32 v33, v0;
	_ =	sdelay $0x1  }
0x157: {  	v0 =	vsub.f32 $0.0e+00, v0;
	_ =	sdelay $0x1  }
0x158: {  	v0 =	vmul.f32 $1.442695020e+00, v0;
	_ =	sdelay $0x1  }
0x159: {  	(erf) = vpow2.f32 v0;
	_ =	sdelay $0x3  }
0x15a: {  	[tilespmem:$0x490] =	vst v63  }
0x15b: {  	v34 =	vld [tilespmem:$0x490];
	[tilespmem:$0x4A0] =	vst v12  }
0x15c: {  	v35 =	vld [tilespmem:$0x4A0];
	[tilespmem:$0x4B0] =	vst v17  }
0x15d: {  	v36 =	vld [tilespmem:$0x4B0];
	[tilespmem:$0x4C0] =	vst v22  }
0x15e: {  	v37 =	vld [tilespmem:$0x4C0];
	[tilespmem:$0x4D0] =	vst v27  }
0x15f: {  	v39 =	vadd.f32 $1.000000000e+00, v58;
	v40 =	vld [tilespmem:$0x4D0];
	[tilespmem:$0x4E0] =	vst v32;
	v38 =	vpop (erf)  }
0x160: {  	v41 =	vld [tilespmem:$0x4E0];
	v0 =	vadd.f32 $1.000000000e+00, v34;
	[tilespmem:$0x4F0] =	vst v38  }
0x161: {  	v2 =	vadd.f32 $1.000000000e+00, v35;
	(erf) = vrcp.f32 v39;
	v42 =	vld [tilespmem:$0x4F0]  }
0x162: {  	v43 =	vadd.f32 $1.000000000e+00, v36;
	(erf) = vrcp.f32 v0  }
0x163: {  	v44 =	vadd.f32 $1.000000000e+00, v37;
	(erf) = vrcp.f32 v2  }
0x164: {  	v45 =	vadd.f32 $1.000000000e+00, v40;
	(erf) = vrcp.f32 v43  }
0x165: {  	v46 =	vadd.f32 $1.000000000e+00, v41;
	(erf) = vrcp.f32 v44  }
0x166: {  	(erf) = vrcp.f32 v45;
	v47 =	vadd.f32 $1.000000000e+00, v42  }
0x167: {  	(erf) = vrcp.f32 v46  }
0x168: {  	(erf) = vrcp.f32 v47;
	_ =	sdelay $0x1  }
0x169: {  	[tilespmem:$0x480] =	vst v58;
	v48 =	vpop (erf)  }
0x16a: {  	[tilespmem:$0xA80] =	vst v48;
	v49 =	vpop (erf)  }
0x16b: {  	[tilespmem:$0xA90] =	vst v49;
	v50 =	vpop (erf)  }
0x16c: {  	[tilespmem:$0xAA0] =	vst v50;
	v51 =	vpop (erf)  }
0x16d: {  	[tilespmem:$0xAB0] =	vst v51;
	v52 =	vpop (erf)  }
0x16e: {  	[tilespmem:$0xAC0] =	vst v52;
	v53 =	vpop (erf)  }
0x16f: {  	[tilespmem:$0xAD0] =	vst v53;
	v54 =	vpop (erf)  }
0x170: {  	[tilespmem:$0xAE0] =	vst v54;
	v55 =	vpop (erf)  }
0x171: {  	s16 =	rddreg [dreg:$0x10];
	[tilespmem:$0xAF0] =	vst v55  }
0x172: {  	[hbm4b:s16+s5] =	stream.linear.scatter [tilespmem:s29], [sflag:$0x5], $0x80, $0x38;
	[tilespmem:$0xC00] =	vst v63  }
0x173: {  	_ =	swait.ge [sflag:s19], $0x80  }
0x174: {  	[sflag:s19] =	ssyncset.done $0x0  }
0x175: {  	[sflag:s19] =	ssyncadd.s32 $0xFFFFFF80  }
0x176: {  	v56 =	vld [tilespmem:$0x700]  }
0x177: {  	v57 =	vld [tilespmem:$0x710]  }
0x178: {  	v58 =	vld [tilespmem:$0x720]  }
0x179: {  	v59 =	vld [tilespmem:$0x730]  }
0x17a: {  	v60 =	vld [tilespmem:$0x740]  }
0x17b: {  	v61 =	vld [tilespmem:$0x750];
	v0 =	vsub.f32 $0.0e+00, v56  }
0x17c: {  	v62 =	vld [tilespmem:$0x760];
	v1 =	vsub.f32 $0.0e+00, v57  }
0x17d: {  	v63 =	vld [tilespmem:$0x770];
	v2 =	vsub.f32 $0.0e+00, v58;
	v0 =	vmul.f32 $1.442695020e+00, v0  }
0x17e: {  	v3 =	vsub.f32 $0.0e+00, v59;
	v1 =	vmul.f32 $1.442695020e+00, v1  }
0x17f: {  	v9 =	vsub.f32 $0.0e+00, v60;
	v8 =	vmul.f32 $1.442695020e+00, v2;
	(erf) = vpow2.f32 v0  }
0x180: {  	v11 =	vsub.f32 $0.0e+00, v61;
	v10 =	vmul.f32 $1.442695020e+00, v3;
	(erf) = vpow2.f32 v1  }
0x181: {  	v13 =	vsub.f32 $0.0e+00, v62;
	v12 =	vmul.f32 $1.442695020e+00, v9;
	(erf) = vpow2.f32 v8  }
0x182: {  	v15 =	vsub.f32 $0.0e+00, v63;
	v14 =	vmul.f32 $1.442695020e+00, v11;
	(erf) = vpow2.f32 v10  }
0x183: {  	v16 =	vmul.f32 $1.442695020e+00, v13;
	(erf) = vpow2.f32 v12  }
0x184: {  	v17 =	vmul.f32 $1.442695020e+00, v15;
	(erf) = vpow2.f32 v14  }
0x185: {  	(erf) = vpow2.f32 v16  }
0x186: {  	(erf) = vpow2.f32 v17;
	_ =	sdelay $0x1  }
0x187: {  	v18 =	vpop (erf)  }
0x188: {  	[tilespmem:$0x700] =	vst v18;
	v19 =	vpop (erf)  }
0x189: {  	[tilespmem:$0x710] =	vst v19;
	v20 =	vpop (erf)  }
0x18a: {  	[tilespmem:$0x720] =	vst v20;
	v21 =	vpop (erf)  }
0x18b: {  	[tilespmem:$0x730] =	vst v21;
	v22 =	vpop (erf)  }
0x18c: {  	[tilespmem:$0x740] =	vst v22;
	v23 =	vpop (erf)  }
0x18d: {  	[tilespmem:$0x750] =	vst v23;
	v24 =	vpop (erf)  }
0x18e: {  	[tilespmem:$0x760] =	vst v24;
	v25 =	vpop (erf)  }
0x18f: {  	[tilespmem:$0x770] =	vst v25  }
0x190: {  	_ =	swait.ge [sflag:s19], $0x80  }
0x191: {  	[sflag:s19] =	ssyncset.done $0x0  }
0x192: {  	[sflag:s19] =	ssyncadd.s32 $0xFFFFFF80  }
0x193: {  	_ =	swait.ge [sflag:s19], $0x80  }
0x194: {  	v0 =	vadd.f32 $1.000000000e+00, v18;
	[sflag:s19] =	ssyncset.done $0x0  }
0x195: {  	[sflag:s19] =	ssyncadd.s32 $0xFFFFFF80  }
0x196: {  	(erf) = vrcp.f32 v0;
	v26 =	vld [tilespmem:$0x500]  }
0x197: {  	v27 =	vld [tilespmem:$0x900];
	_ =	sdelay $0x4  }
0x198: {  	v0 =	vsub.f32 v26, v27;
	_ =	sdelay $0x1  }
0x199: {  	v0 =	vmul.f32 $3.400000100e+00, v0  }
0x19a: {  	v28 =	vpop (erf)  }
0x19b: {  	v29 =	vld [tilespmem:$0x710];
	v0 =	vmul.f32 v0, v28;
	_ =	sdelay $0x1  }
0x19c: {  	v0 =	vsub.f32 $0.0e+00, v0;
	_ =	sdelay $0x1  }
0x19d: {  	v0 =	vmul.f32 $1.442695020e+00, v0  }
0x19e: {  	v1 =	vadd.f32 $1.000000000e+00, v29  }
0x19f: {  	(erf) = vpow2.f32 v0  }
0x1a0: {  	v30 =	vld [tilespmem:$0x510];
	(erf) = vrcp.f32 v1  }
0x1a1: {  	v31 =	vld [tilespmem:$0x910];
	_ =	sdelay $0x4  }
0x1a2: {  	v0 =	vsub.f32 v30, v31;
	_ =	sdelay $0x1  }
0x1a3: {  	v0 =	vmul.f32 $3.400000100e+00, v0;
	v32 =	vpop (erf)  }
0x1a4: {  	v33 =	vpop (erf)  }
0x1a5: {  	v34 =	vld [tilespmem:$0x720];
	v0 =	vmul.f32 v33, v0;
	_ =	sdelay $0x1  }
0x1a6: {  	v0 =	vsub.f32 $0.0e+00, v0;
	_ =	sdelay $0x1  }
0x1a7: {  	v0 =	vmul.f32 $1.442695020e+00, v0  }
0x1a8: {  	v2 =	vadd.f32 $1.000000000e+00, v34  }
0x1a9: {  	(erf) = vpow2.f32 v0  }
0x1aa: {  	v35 =	vld [tilespmem:$0x520];
	(erf) = vrcp.f32 v2  }
0x1ab: {  	v36 =	vld [tilespmem:$0x920];
	_ =	sdelay $0x4  }
0x1ac: {  	v0 =	vsub.f32 v35, v36;
	_ =	sdelay $0x1  }
0x1ad: {  	v0 =	vmul.f32 $3.400000100e+00, v0;
	v37 =	vpop (erf)  }
0x1ae: {  	v38 =	vpop (erf)  }
0x1af: {  	v39 =	vld [tilespmem:$0x730];
	v0 =	vmul.f32 v38, v0;
	_ =	sdelay $0x1  }
0x1b0: {  	v0 =	vsub.f32 $0.0e+00, v0;
	_ =	sdelay $0x1  }
0x1b1: {  	v0 =	vmul.f32 $1.442695020e+00, v0  }
0x1b2: {  	v3 =	vadd.f32 $1.000000000e+00, v39  }
0x1b3: {  	(erf) = vpow2.f32 v0  }
0x1b4: {  	v40 =	vld [tilespmem:$0x530];
	(erf) = vrcp.f32 v3  }
0x1b5: {  	v41 =	vld [tilespmem:$0x930];
	_ =	sdelay $0x4  }
0x1b6: {  	v0 =	vsub.f32 v40, v41;
	_ =	sdelay $0x1  }
0x1b7: {  	v0 =	vmul.f32 $3.400000100e+00, v0;
	v42 =	vpop (erf)  }
0x1b8: {  	v43 =	vpop (erf)  }
0x1b9: {  	v44 =	vld [tilespmem:$0x740];
	v0 =	vmul.f32 v43, v0;
	_ =	sdelay $0x1  }
0x1ba: {  	v0 =	vsub.f32 $0.0e+00, v0;
	_ =	sdelay $0x1  }
0x1bb: {  	v0 =	vmul.f32 $1.442695020e+00, v0  }
0x1bc: {  	v4 =	vadd.f32 $1.000000000e+00, v44  }
0x1bd: {  	(erf) = vpow2.f32 v0  }
0x1be: {  	v45 =	vld [tilespmem:$0x540];
	(erf) = vrcp.f32 v4  }
0x1bf: {  	v46 =	vld [tilespmem:$0x940];
	_ =	sdelay $0x4  }
0x1c0: {  	v0 =	vsub.f32 v45, v46;
	_ =	sdelay $0x1  }
0x1c1: {  	v0 =	vmul.f32 $3.400000100e+00, v0;
	v47 =	vpop (erf)  }
0x1c2: {  	v48 =	vpop (erf)  }
0x1c3: {  	v49 =	vld [tilespmem:$0x750];
	v0 =	vmul.f32 v48, v0;
	_ =	sdelay $0x1  }
0x1c4: {  	v0 =	vsub.f32 $0.0e+00, v0;
	_ =	sdelay $0x1  }
0x1c5: {  	v0 =	vmul.f32 $1.442695020e+00, v0  }
0x1c6: {  	v5 =	vadd.f32 $1.000000000e+00, v49  }
0x1c7: {  	(erf) = vpow2.f32 v0  }
0x1c8: {  	v50 =	vld [tilespmem:$0x550];
	(erf) = vrcp.f32 v5  }
0x1c9: {  	v51 =	vld [tilespmem:$0x950];
	_ =	sdelay $0x4  }
0x1ca: {  	v0 =	vsub.f32 v50, v51;
	_ =	sdelay $0x1  }
0x1cb: {  	v0 =	vmul.f32 $3.400000100e+00, v0;
	v52 =	vpop (erf)  }
0x1cc: {  	v53 =	vpop (erf)  }
0x1cd: {  	v54 =	vld [tilespmem:$0x760];
	v0 =	vmul.f32 v53, v0;
	_ =	sdelay $0x1  }
0x1ce: {  	v0 =	vsub.f32 $0.0e+00, v0;
	_ =	sdelay $0x1  }
0x1cf: {  	v0 =	vmul.f32 $1.442695020e+00, v0  }
0x1d0: {  	v6 =	vadd.f32 $1.000000000e+00, v54  }
0x1d1: {  	(erf) = vpow2.f32 v0  }
0x1d2: {  	v55 =	vld [tilespmem:$0x560];
	(erf) = vrcp.f32 v6  }
0x1d3: {  	v56 =	vld [tilespmem:$0x960];
	_ =	sdelay $0x4  }
0x1d4: {  	v0 =	vsub.f32 v55, v56;
	_ =	sdelay $0x1  }
0x1d5: {  	v0 =	vmul.f32 $3.400000100e+00, v0;
	v57 =	vpop (erf)  }
0x1d6: {  	v58 =	vpop (erf)  }
0x1d7: {  	v59 =	vld [tilespmem:$0x770];
	v0 =	vmul.f32 v58, v0;
	_ =	sdelay $0x1  }
0x1d8: {  	v0 =	vsub.f32 $0.0e+00, v0;
	_ =	sdelay $0x1  }
0x1d9: {  	v0 =	vmul.f32 $1.442695020e+00, v0  }
0x1da: {  	v7 =	vadd.f32 $1.000000000e+00, v59  }
0x1db: {  	(erf) = vpow2.f32 v0  }
0x1dc: {  	v60 =	vld [tilespmem:$0x570];
	(erf) = vrcp.f32 v7  }
0x1dd: {  	v61 =	vld [tilespmem:$0x970];
	_ =	sdelay $0x4  }
0x1de: {  	v0 =	vsub.f32 v60, v61;
	_ =	sdelay $0x1  }
0x1df: {  	v0 =	vmul.f32 $3.400000100e+00, v0;
	v62 =	vpop (erf)  }
0x1e0: {  	v63 =	vpop (erf)  }
0x1e1: {  	v0 =	vmul.f32 v63, v0;
	_ =	sdelay $0x1  }
0x1e2: {  	v0 =	vsub.f32 $0.0e+00, v0;
	_ =	sdelay $0x1  }
0x1e3: {  	v0 =	vmul.f32 $1.442695020e+00, v0;
	_ =	sdelay $0x1  }
0x1e4: {  	(erf) = vpow2.f32 v0;
	_ =	sdelay $0x3  }
0x1e5: {  	[tilespmem:$0x510] =	vst v37  }
0x1e6: {  	v9 =	vld [tilespmem:$0x510];
	[tilespmem:$0x520] =	vst v42  }
0x1e7: {  	v10 =	vld [tilespmem:$0x520];
	[tilespmem:$0x530] =	vst v47  }
0x1e8: {  	v11 =	vld [tilespmem:$0x530];
	[tilespmem:$0x540] =	vst v52  }
0x1e9: {  	v12 =	vld [tilespmem:$0x540];
	[tilespmem:$0x550] =	vst v57  }
0x1ea: {  	v14 =	vadd.f32 $1.000000000e+00, v32;
	v15 =	vld [tilespmem:$0x550];
	[tilespmem:$0x560] =	vst v62;
	v13 =	vpop (erf)  }
0x1eb: {  	v16 =	vld [tilespmem:$0x560];
	v0 =	vadd.f32 $1.000000000e+00, v9;
	[tilespmem:$0x570] =	vst v13  }
0x1ec: {  	v2 =	vadd.f32 $1.000000000e+00, v10;
	(erf) = vrcp.f32 v14;
	v17 =	vld [tilespmem:$0x570]  }
0x1ed: {  	v18 =	vadd.f32 $1.000000000e+00, v11;
	(erf) = vrcp.f32 v0  }
0x1ee: {  	v19 =	vadd.f32 $1.000000000e+00, v12;
	(erf) = vrcp.f32 v2  }
0x1ef: {  	v20 =	vadd.f32 $1.000000000e+00, v15;
	(erf) = vrcp.f32 v18  }
0x1f0: {  	v21 =	vadd.f32 $1.000000000e+00, v16;
	(erf) = vrcp.f32 v19  }
0x1f1: {  	(erf) = vrcp.f32 v20;
	v22 =	vadd.f32 $1.000000000e+00, v17  }
0x1f2: {  	(erf) = vrcp.f32 v21  }
0x1f3: {  	(erf) = vrcp.f32 v22;
	_ =	sdelay $0x1  }
0x1f4: {  	[tilespmem:$0x500] =	vst v32;
	v23 =	vpop (erf)  }
0x1f5: {  	[tilespmem:$0xB00] =	vst v23;
	v24 =	vpop (erf)  }
0x1f6: {  	[tilespmem:$0xB10] =	vst v24;
	v25 =	vpop (erf)  }
0x1f7: {  	[tilespmem:$0xB20] =	vst v25;
	v26 =	vpop (erf)  }
0x1f8: {  	[tilespmem:$0xB30] =	vst v26;
	v27 =	vpop (erf)  }
0x1f9: {  	[tilespmem:$0xB40] =	vst v27;
	v28 =	vpop (erf)  }
0x1fa: {  	[tilespmem:$0xB50] =	vst v28;
	v29 =	vpop (erf)  }
0x1fb: {  	[tilespmem:$0xB60] =	vst v29;
	v30 =	vpop (erf)  }
0x1fc: {  	s16 =	rddreg [dreg:$0x11];
	[tilespmem:$0xB70] =	vst v30  }
0x1fd: {  	[hbm4b:s16+s5] =	stream.linear.scatter [tilespmem:s30], [sflag:$0x5], $0x80, $0x38;
	[tilespmem:$0xC00] =	vst v63  }
0x1fe: {  	_ =	swait.ge [sflag:s23], $0x80  }
0x1ff: {  	[sflag:s23] =	ssyncset.done $0x0  }
0x200: {  	[sflag:s23] =	ssyncadd.s32 $0xFFFFFF80  }
0x201: {  	v31 =	vld [tilespmem:$0x780]  }
0x202: {  	v32 =	vld [tilespmem:$0x790]  }
0x203: {  	v33 =	vld [tilespmem:$0x7A0]  }
0x204: {  	v34 =	vld [tilespmem:$0x7B0]  }
0x205: {  	v35 =	vld [tilespmem:$0x7C0]  }
0x206: {  	v36 =	vld [tilespmem:$0x7D0];
	v0 =	vsub.f32 $0.0e+00, v31  }
0x207: {  	v37 =	vld [tilespmem:$0x7E0];
	v1 =	vsub.f32 $0.0e+00, v32  }
0x208: {  	v38 =	vld [tilespmem:$0x7F0];
	v2 =	vsub.f32 $0.0e+00, v33;
	v0 =	vmul.f32 $1.442695020e+00, v0  }
0x209: {  	v3 =	vsub.f32 $0.0e+00, v34;
	v1 =	vmul.f32 $1.442695020e+00, v1  }
0x20a: {  	v40 =	vsub.f32 $0.0e+00, v35;
	v39 =	vmul.f32 $1.442695020e+00, v2;
	(erf) = vpow2.f32 v0  }
0x20b: {  	v42 =	vsub.f32 $0.0e+00, v36;
	v41 =	vmul.f32 $1.442695020e+00, v3;
	(erf) = vpow2.f32 v1  }
0x20c: {  	v44 =	vsub.f32 $0.0e+00, v37;
	v43 =	vmul.f32 $1.442695020e+00, v40;
	(erf) = vpow2.f32 v39  }
0x20d: {  	v46 =	vsub.f32 $0.0e+00, v38;
	v45 =	vmul.f32 $1.442695020e+00, v42;
	(erf) = vpow2.f32 v41  }
0x20e: {  	v47 =	vmul.f32 $1.442695020e+00, v44;
	(erf) = vpow2.f32 v43  }
0x20f: {  	v48 =	vmul.f32 $1.442695020e+00, v46;
	(erf) = vpow2.f32 v45  }
0x210: {  	(erf) = vpow2.f32 v47  }
0x211: {  	(erf) = vpow2.f32 v48;
	_ =	sdelay $0x1  }
0x212: {  	v49 =	vpop (erf)  }
0x213: {  	[tilespmem:$0x780] =	vst v49;
	v50 =	vpop (erf)  }
0x214: {  	[tilespmem:$0x790] =	vst v50;
	v51 =	vpop (erf)  }
0x215: {  	[tilespmem:$0x7A0] =	vst v51;
	v52 =	vpop (erf)  }
0x216: {  	[tilespmem:$0x7B0] =	vst v52;
	v53 =	vpop (erf)  }
0x217: {  	[tilespmem:$0x7C0] =	vst v53;
	v54 =	vpop (erf)  }
0x218: {  	[tilespmem:$0x7D0] =	vst v54;
	v55 =	vpop (erf)  }
0x219: {  	[tilespmem:$0x7E0] =	vst v55;
	v56 =	vpop (erf)  }
0x21a: {  	[tilespmem:$0x7F0] =	vst v56  }
0x21b: {  	_ =	swait.ge [sflag:s23], $0x80  }
0x21c: {  	[sflag:s23] =	ssyncset.done $0x0  }
0x21d: {  	[sflag:s23] =	ssyncadd.s32 $0xFFFFFF80  }
0x21e: {  	_ =	swait.ge [sflag:s23], $0x80  }
0x21f: {  	v0 =	vadd.f32 $1.000000000e+00, v49;
	[sflag:s23] =	ssyncset.done $0x0  }
0x220: {  	[sflag:s23] =	ssyncadd.s32 $0xFFFFFF80  }
0x221: {  	(erf) = vrcp.f32 v0;
	v57 =	vld [tilespmem:$0x580]  }
0x222: {  	v58 =	vld [tilespmem:$0x980];
	_ =	sdelay $0x4  }
0x223: {  	v0 =	vsub.f32 v57, v58;
	_ =	sdelay $0x1  }
0x224: {  	v0 =	vmul.f32 $3.400000100e+00, v0  }
0x225: {  	v59 =	vpop (erf)  }
0x226: {  	v60 =	vld [tilespmem:$0x790];
	v0 =	vmul.f32 v0, v59;
	_ =	sdelay $0x1  }
0x227: {  	v0 =	vsub.f32 $0.0e+00, v0;
	_ =	sdelay $0x1  }
0x228: {  	v0 =	vmul.f32 $1.442695020e+00, v0  }
0x229: {  	v1 =	vadd.f32 $1.000000000e+00, v60  }
0x22a: {  	(erf) = vpow2.f32 v0  }
0x22b: {  	v61 =	vld [tilespmem:$0x590];
	(erf) = vrcp.f32 v1  }
0x22c: {  	v62 =	vld [tilespmem:$0x990];
	_ =	sdelay $0x4  }
0x22d: {  	v0 =	vsub.f32 v61, v62;
	_ =	sdelay $0x1  }
0x22e: {  	v0 =	vmul.f32 $3.400000100e+00, v0;
	v63 =	vpop (erf)  }
0x22f: {  	v11 =	vpop (erf)  }
0x230: {  	v12 =	vld [tilespmem:$0x7A0];
	v0 =	vmul.f32 v11, v0;
	_ =	sdelay $0x1  }
0x231: {  	v0 =	vsub.f32 $0.0e+00, v0;
	_ =	sdelay $0x1  }
0x232: {  	v0 =	vmul.f32 $1.442695020e+00, v0  }
0x233: {  	v2 =	vadd.f32 $1.000000000e+00, v12  }
0x234: {  	(erf) = vpow2.f32 v0  }
0x235: {  	v13 =	vld [tilespmem:$0x5A0];
	(erf) = vrcp.f32 v2  }
0x236: {  	v14 =	vld [tilespmem:$0x9A0];
	_ =	sdelay $0x4  }
0x237: {  	v0 =	vsub.f32 v13, v14;
	_ =	sdelay $0x1  }
0x238: {  	v0 =	vmul.f32 $3.400000100e+00, v0;
	v15 =	vpop (erf)  }
0x239: {  	v16 =	vpop (erf)  }
0x23a: {  	v17 =	vld [tilespmem:$0x7B0];
	v0 =	vmul.f32 v16, v0;
	_ =	sdelay $0x1  }
0x23b: {  	v0 =	vsub.f32 $0.0e+00, v0;
	_ =	sdelay $0x1  }
0x23c: {  	v0 =	vmul.f32 $1.442695020e+00, v0  }
0x23d: {  	v3 =	vadd.f32 $1.000000000e+00, v17  }
0x23e: {  	(erf) = vpow2.f32 v0  }
0x23f: {  	v18 =	vld [tilespmem:$0x5B0];
	(erf) = vrcp.f32 v3  }
0x240: {  	v19 =	vld [tilespmem:$0x9B0];
	_ =	sdelay $0x4  }
0x241: {  	v0 =	vsub.f32 v18, v19;
	_ =	sdelay $0x1  }
0x242: {  	v0 =	vmul.f32 $3.400000100e+00, v0;
	v20 =	vpop (erf)  }
0x243: {  	v21 =	vpop (erf)  }
0x244: {  	v22 =	vld [tilespmem:$0x7C0];
	v0 =	vmul.f32 v21, v0;
	_ =	sdelay $0x1  }
0x245: {  	v0 =	vsub.f32 $0.0e+00, v0;
	_ =	sdelay $0x1  }
0x246: {  	v0 =	vmul.f32 $1.442695020e+00, v0  }
0x247: {  	v4 =	vadd.f32 $1.000000000e+00, v22  }
0x248: {  	(erf) = vpow2.f32 v0  }
0x249: {  	v23 =	vld [tilespmem:$0x5C0];
	(erf) = vrcp.f32 v4  }
0x24a: {  	v24 =	vld [tilespmem:$0x9C0];
	_ =	sdelay $0x4  }
0x24b: {  	v0 =	vsub.f32 v23, v24;
	_ =	sdelay $0x1  }
0x24c: {  	v0 =	vmul.f32 $3.400000100e+00, v0;
	v25 =	vpop (erf)  }
0x24d: {  	v26 =	vpop (erf)  }
0x24e: {  	v27 =	vld [tilespmem:$0x7D0];
	v0 =	vmul.f32 v26, v0;
	_ =	sdelay $0x1  }
0x24f: {  	v0 =	vsub.f32 $0.0e+00, v0;
	_ =	sdelay $0x1  }
0x250: {  	v0 =	vmul.f32 $1.442695020e+00, v0  }
0x251: {  	v5 =	vadd.f32 $1.000000000e+00, v27  }
0x252: {  	(erf) = vpow2.f32 v0  }
0x253: {  	v28 =	vld [tilespmem:$0x5D0];
	(erf) = vrcp.f32 v5  }
0x254: {  	v29 =	vld [tilespmem:$0x9D0];
	_ =	sdelay $0x4  }
0x255: {  	v0 =	vsub.f32 v28, v29;
	_ =	sdelay $0x1  }
0x256: {  	v0 =	vmul.f32 $3.400000100e+00, v0;
	v30 =	vpop (erf)  }
0x257: {  	v31 =	vpop (erf)  }
0x258: {  	v32 =	vld [tilespmem:$0x7E0];
	v0 =	vmul.f32 v31, v0;
	_ =	sdelay $0x1  }
0x259: {  	v0 =	vsub.f32 $0.0e+00, v0;
	_ =	sdelay $0x1  }
0x25a: {  	v0 =	vmul.f32 $1.442695020e+00, v0  }
0x25b: {  	v6 =	vadd.f32 $1.000000000e+00, v32  }
0x25c: {  	(erf) = vpow2.f32 v0  }
0x25d: {  	v33 =	vld [tilespmem:$0x5E0];
	(erf) = vrcp.f32 v6  }
0x25e: {  	v34 =	vld [tilespmem:$0x9E0];
	_ =	sdelay $0x4  }
0x25f: {  	v0 =	vsub.f32 v33, v34;
	_ =	sdelay $0x1  }
0x260: {  	v0 =	vmul.f32 $3.400000100e+00, v0;
	v35 =	vpop (erf)  }
0x261: {  	v36 =	vpop (erf)  }
0x262: {  	v37 =	vld [tilespmem:$0x7F0];
	v0 =	vmul.f32 v36, v0;
	_ =	sdelay $0x1  }
0x263: {  	v0 =	vsub.f32 $0.0e+00, v0;
	_ =	sdelay $0x1  }
0x264: {  	v0 =	vmul.f32 $1.442695020e+00, v0  }
0x265: {  	v7 =	vadd.f32 $1.000000000e+00, v37  }
0x266: {  	(erf) = vpow2.f32 v0  }
0x267: {  	v38 =	vld [tilespmem:$0x5F0];
	(erf) = vrcp.f32 v7  }
0x268: {  	v39 =	vld [tilespmem:$0x9F0];
	_ =	sdelay $0x4  }
0x269: {  	v0 =	vsub.f32 v38, v39;
	_ =	sdelay $0x1  }
0x26a: {  	v0 =	vmul.f32 $3.400000100e+00, v0;
	v40 =	vpop (erf)  }
0x26b: {  	v41 =	vpop (erf)  }
0x26c: {  	v0 =	vmul.f32 v41, v0;
	_ =	sdelay $0x1  }
0x26d: {  	v0 =	vsub.f32 $0.0e+00, v0;
	_ =	sdelay $0x1  }
0x26e: {  	v0 =	vmul.f32 $1.442695020e+00, v0;
	_ =	sdelay $0x1  }
0x26f: {  	(erf) = vpow2.f32 v0;
	_ =	sdelay $0x3  }
0x270: {  	[tilespmem:$0x590] =	vst v15  }
0x271: {  	v42 =	vld [tilespmem:$0x590];
	[tilespmem:$0x5A0] =	vst v20  }
0x272: {  	v43 =	vld [tilespmem:$0x5A0];
	[tilespmem:$0x5B0] =	vst v25  }
0x273: {  	v44 =	vld [tilespmem:$0x5B0];
	[tilespmem:$0x5C0] =	vst v30  }
0x274: {  	v45 =	vld [tilespmem:$0x5C0];
	[tilespmem:$0x5D0] =	vst v35  }
0x275: {  	v47 =	vadd.f32 $1.000000000e+00, v63;
	v48 =	vld [tilespmem:$0x5D0];
	[tilespmem:$0x5E0] =	vst v40;
	v46 =	vpop (erf)  }
0x276: {  	v49 =	vld [tilespmem:$0x5E0];
	v0 =	vadd.f32 $1.000000000e+00, v42;
	[tilespmem:$0x5F0] =	vst v46  }
0x277: {  	v2 =	vadd.f32 $1.000000000e+00, v43;
	(erf) = vrcp.f32 v47;
	v50 =	vld [tilespmem:$0x5F0]  }
0x278: {  	v51 =	vadd.f32 $1.000000000e+00, v44;
	(erf) = vrcp.f32 v0  }
0x279: {  	v52 =	vadd.f32 $1.000000000e+00, v45;
	(erf) = vrcp.f32 v2  }
0x27a: {  	v53 =	vadd.f32 $1.000000000e+00, v48;
	(erf) = vrcp.f32 v51  }
0x27b: {  	v54 =	vadd.f32 $1.000000000e+00, v49;
	(erf) = vrcp.f32 v52  }
0x27c: {  	(erf) = vrcp.f32 v53;
	v55 =	vadd.f32 $1.000000000e+00, v50  }
0x27d: {  	(erf) = vrcp.f32 v54  }
0x27e: {  	(erf) = vrcp.f32 v55;
	_ =	sdelay $0x1  }
0x27f: {  	[tilespmem:$0x580] =	vst v63;
	v56 =	vpop (erf)  }
0x280: {  	v57 =	vpop (erf);
	[tilespmem:$0xB80] =	vst v56  }
0x281: {  	v58 =	vpop (erf);
	[tilespmem:$0xB90] =	vst v57  }
0x282: {  	v59 =	vpop (erf);
	[tilespmem:$0xBA0] =	vst v58  }
0x283: {  	v60 =	vpop (erf);
	[tilespmem:$0xBB0] =	vst v59  }
0x284: {  	v61 =	vpop (erf);
	[tilespmem:$0xBC0] =	vst v60  }
0x285: {  	v62 =	vpop (erf);
	[tilespmem:$0xBD0] =	vst v61  }
0x286: {  	[tilespmem:$0xBE0] =	vst v62;
	v63 =	vpop (erf)  }
0x287: {  	s16 =	rddreg [dreg:$0x12];
	[tilespmem:$0xBF0] =	vst v63  }
0x288: {  	[hbm4b:s16+s5] =	stream.linear.scatter [tilespmem:s31], [sflag:$0x5], $0x80, $0x38;
	[tilespmem:$0xC00] =	vst v63  }
0x289: {  	_ =	swait.ge [sflag:s0], $0x80  }
0x28a: {  	[sflag:s0] =	ssyncset.done $0x0  }
0x28b: {  	[sflag:s0] =	ssyncadd.s32 $0xFFFFFF80  }
0x28c: {  	_ =	swait.ge [sflag:s0], $0x80  }
0x28d: {  	[sflag:s0] =	ssyncset.done $0x0  }
0x28e: {  	[sflag:s0] =	ssyncadd.s32 $0xFFFFFF80  }
0x28f: {  	p0 =	sne.s32 s6, $0x1;
	_ =	swait.ge [sflag:s0], $0x80  }
.Ltmp0:
0x290: {  	[sflag:s0] =	ssyncset.done $0x0;
	(pc) =	sbr.rel @p0 .LBB2_1-.Ltmp0, $4  }
0x291: {  	[sflag:s0] =	ssyncadd.s32 $0xFFFFFF80  }
0x292: {  	_ =	swait.ge [sflag:s0], $0x80  }
0x293: {  	[sflag:s0] =	ssyncset.done $0x0  }
0x294: {  	s6 =	sadd.s32 $0xFFFFFFFF, s6;
	[sflag:s0] =	ssyncadd.s32 $0xFFFFFF80  }
0x295: {  	_ =	sfence.sel $0x180000  }
0x296: {  	[bflag:$0x0] =	sbarrier.arrive $0xFFFF  }
0x297: {  	_ =	strace $0x90000047  }
0x298: {  	s0 =	stileid.u32;
	[bflag:$0x2] =	sbarrier.arrive $0xFFFF  }
0x299: {  	p0 =	sne.s32 s0, $0x0;
	s0 =	rddreg [dreg:$0x6]  }
0x29a: {  	s0 =	sadd.s32 @!p0 $0x100000, s0  }
0x29b: {  	[sflag:s0] =	ssyncadd.tile.s32 @!p0 $0x1;
	_ =	shalt  }
.Lfunc_end2:
_tile_overlayer_lowered:
.L_overlay_start_2:
0x29c: {  	(tag) =	ssettag $0x2  }
0x29d: {  	s0 =	rddreg [dreg:$0x0];
	s2 =	stileid.u32  }
0x29e: {  	s1 =	rddreg [dreg:$0x1];
	p0 =	sne.s32 s2, $0x0  }
0x29f: {  	s3 =	rddreg [dreg:$0x2];
	[bflag:$0x3] =	sbarrier.arrive $0xFFFF;
	s2 =	simm.s32 @!p0 $0x1C06  }
0x2a0: {  	[timem:s3], [sflag:s2] =	dma.local @!p0 [hbm:s0], s1  }
0x2a1: {  	s0 =	simm.s32 @!p0 $0x6  }
0x2a2: {  	_ =	swait.ge @!p0 [sflag:s0], s1  }
0x2a3: {  	s1 =	ssub.s32 @!p0 $0x0, s1;
	[sflag:s0] =	ssyncset.done @!p0 $0x0  }
0x2a4: {  	[sflag:s0] =	ssyncadd.s32 @!p0 s1  }
0x2a5: {  	[bflag:$0x3] =	sbarrier.arrive $0xFFFF  }
0x2a6: {  	_ =	shalt  }

</sc_bundles>
